<compile_context>
chip_gen: v7x
topology: tpu7x:2x2x1
jax: 0.10.2.dev20260603
libtpu: 0.0.44.dev20260713+nightly
codegen_flags: <defaults>
</compile_context>

<pallas_src>
import jax
import jax.numpy as jnp
from jax import lax
from jax.experimental import pallas as pl
from jax.experimental.pallas import tpu as pltpu
from jax.experimental.pallas import tpu_sc as plsc

N = 10000
E = 320000
NFEAT = 128
NHID = 64
NCLASS = 16
H2 = NHID * 2
H3 = NHID * 3
NFP = 144

NTILES = 32
EPT = E // NTILES
CH = 125
NCH = EPT // CH
NPAD = 10112
RPS = NPAD // 16

_f32 = jnp.float32



def _fold_body(w_org, b_org, wg1, wg2, wl, w3, b3, bg2, bl,
               w1_o, c1_o, w2l_o, w3l_o, c3_o):
    w_org_v = w_org[...]
    b_org_v = b_org[...]
    wl_v = wl[...]
    w3_v = w3[...]
    w1_o[...] = jnp.dot(w_org_v, wg1[...], preferred_element_type=_f32)
    c1_o[...] = jnp.dot(b_org_v, wg1[...], preferred_element_type=_f32)
    w2l_o[...] = jnp.dot(wg2[...], wl_v, preferred_element_type=_f32)
    w3l_o[...] = jnp.dot(jnp.dot(w_org_v, w3_v, preferred_element_type=_f32),
                         wl_v, preferred_element_type=_f32)
    c3_o[...] = (jnp.dot(jnp.dot(b_org_v, w3_v, preferred_element_type=_f32)
                         + b3[...] + 0.5 * bg2[...],
                         wl_v, preferred_element_type=_f32) + bl[...])


_fold = pl.pallas_call(
    _fold_body,
    out_shape=(
        jax.ShapeDtypeStruct((H2, H3), _f32),
        jax.ShapeDtypeStruct((1, H3), _f32),
        jax.ShapeDtypeStruct((H3, NCLASS), _f32),
        jax.ShapeDtypeStruct((H2, NCLASS), _f32),
        jax.ShapeDtypeStruct((1, NCLASS), _f32),
    ),
)


_BR = 1000


def _lin_b_body2(p1_hbm, x_ref, bg1_ref, w1_ref, c1_ref, w2l_ref, w3l_ref,
                 c3_ref, s2_hbm, r3_hbm, p1_v, s2_v, r3_v, sin, sout):
    i = pl.program_id(0)
    pltpu.make_async_copy(
        p1_hbm.at[:, pl.ds(i * _BR, _BR), :], p1_v, sin).start()
    pltpu.make_async_copy(
        p1_hbm.at[:, pl.ds(i * _BR, _BR), :], p1_v, sin).wait()
    pb = p1_v[...]
    ax = pb[0, :, :H2] + pb[1, :, :H2]
    deg = pb[0, :, H2:H2 + 1] + pb[1, :, H2:H2 + 1]
    a = (jnp.dot(ax, w1_ref[...], preferred_element_type=_f32)
         + deg * c1_ref[...] + bg1_ref[...])
    g1 = jnp.maximum(a, 0.0)
    s2_v[...] = jnp.dot(g1, w2l_ref[...], preferred_element_type=_f32)
    r3_v[...] = (jnp.dot(x_ref[...], w3l_ref[...],
                         preferred_element_type=_f32) + c3_ref[...])
    pltpu.make_async_copy(s2_v, s2_hbm.at[pl.ds(i * _BR, _BR)], sout).start()
    pltpu.make_async_copy(s2_v, s2_hbm.at[pl.ds(i * _BR, _BR)], sout).wait()
    pltpu.make_async_copy(r3_v, r3_hbm.at[pl.ds(i * _BR, _BR)], sout).start()
    pltpu.make_async_copy(r3_v, r3_hbm.at[pl.ds(i * _BR, _BR)], sout).wait()


_lin_b = pl.pallas_call(
    _lin_b_body2,
    grid=(N // _BR,),
    in_specs=[
        pl.BlockSpec(memory_space=pl.ANY),
        pl.BlockSpec((_BR, NFEAT), lambda i: (i, 0)),
        pl.BlockSpec((1, H3), lambda i: (0, 0)),
        pl.BlockSpec((H2, H3), lambda i: (0, 0)),
        pl.BlockSpec((1, H3), lambda i: (0, 0)),
        pl.BlockSpec((H3, NCLASS), lambda i: (0, 0)),
        pl.BlockSpec((H2, NCLASS), lambda i: (0, 0)),
        pl.BlockSpec((1, NCLASS), lambda i: (0, 0)),
    ],
    out_specs=(
        pl.BlockSpec(memory_space=pl.ANY),
        pl.BlockSpec(memory_space=pl.ANY),
    ),
    out_shape=(
        jax.ShapeDtypeStruct((N, NCLASS), _f32),
        jax.ShapeDtypeStruct((N, NCLASS), _f32),
    ),
    scratch_shapes=[
        pltpu.VMEM((2, _BR, NFP), _f32),
        pltpu.VMEM((_BR, NCLASS), _f32),
        pltpu.VMEM((_BR, NCLASS), _f32),
        pltpu.SemaphoreType.DMA,
        pltpu.SemaphoreType.DMA,
    ],
)


_NR = N * NCLASS // 128
_NRP = NPAD * NCLASS // 128


def _final_body(r3_ref, p2_ref, out_ref):
    p2 = p2_ref[...]
    t = r3_ref[...] + 0.5 * (p2[0, :_NR, :] + p2[1, :_NR, :])
    mn = jnp.min(t)
    mx = jnp.max(t)
    out_ref[...] = 2.0 * (t - mn) / (mx - mn) - 1.0


_final = pl.pallas_call(
    _final_body,
    out_shape=jax.ShapeDtypeStruct((_NR, 128), _f32),
)



def _make_spmm(nf, mul_unroll):
    nvec = nf // 16
    mesh = plsc.VectorSubcoreMesh(core_axis_name="c", subcore_axis_name="s")

    def body(table, srcg, dstg, wexpg, zrows, out,
             idx0, idx1, dst0, dst1, wx0, wx1, rows0, rows1, acc_sh,
             sf0, sf1, sd0, sd1, sg0, sg1, ss0, ss1):
        c = lax.axis_index("c")
        s = lax.axis_index("s")
        tid = s * 2 + c
        idx_b = (idx0, idx1)
        dst_b = (dst0, dst1)
        wx_b = (wx0, wx1)
        rows_b = (rows0, rows1)
        sf = (sf0, sf1)
        sd = (sd0, sd1)
        sg = (sg0, sg1)
        ss = (ss0, ss1)

        pltpu.sync_copy(zrows, acc_sh.at[pl.ds(s * RPS, RPS)])
        plsc.subcore_barrier()

        def mul(b):
            rows_v = rows_b[b]
            wx_v = wx_b[b]

            def row(r, _):
                wspl = plsc.load_gather(wx_v, [jnp.full((16,), r, jnp.int32)])
                for j in range(nvec):
                    rows_v[r, pl.ds(j * 16, 16)] = (
                        rows_v[r, pl.ds(j * 16, 16)] * wspl)
                return 0

            lax.fori_loop(0, CH, row, 0, unroll=mul_unroll)

        pltpu.async_copy(srcg.at[tid, 0], idx_b[0], sf[0])
        pltpu.async_copy(wexpg.at[tid, 0], wx_b[0], sf[0])
        pltpu.async_copy(srcg.at[tid, 1], idx_b[1], sf[1])
        pltpu.async_copy(wexpg.at[tid, 1], wx_b[1], sf[1])
        pltpu.async_copy(dstg.at[tid, 0], dst_b[0], sd[0])
        pltpu.make_async_copy(srcg.at[tid, 0], idx_b[0], sf[0]).wait()
        pltpu.make_async_copy(wexpg.at[tid, 0], wx_b[0], sf[0]).wait()
        pltpu.async_copy(table.at[idx_b[0]], rows_b[0], sg[0])

        def kstep(k, _):
            for b in (0, 1):
                g = 2 * k + b
                o = 1 - b

                @pl.when(g + 1 < NCH)
                def _():
                    pltpu.make_async_copy(
                        srcg.at[tid, g + 1], idx_b[o], sf[o]).wait()
                    pltpu.make_async_copy(
                        wexpg.at[tid, g + 1], wx_b[o], sf[o]).wait()

                @pl.when(g >= 1)
                def _():
                    pltpu.make_async_copy(
                        rows_b[o], acc_sh.at[dst_b[o]], ss[o]).wait()

                @pl.when(g + 1 < NCH)
                def _():
                    pltpu.async_copy(dstg.at[tid, g + 1], dst_b[o], sd[o])
                    pltpu.async_copy(table.at[idx_b[o]], rows_b[o], sg[o])

                pltpu.make_async_copy(table.at[idx_b[b]], rows_b[b], sg[b]).wait()
                mul(b)

                @pl.when(g + 2 < NCH)
                def _():
                    pltpu.async_copy(srcg.at[tid, g + 2], idx_b[b], sf[b])
                    pltpu.async_copy(wexpg.at[tid, g + 2], wx_b[b], sf[b])

                pltpu.make_async_copy(dstg.at[tid, g], dst_b[b], sd[b]).wait()

                @pl.when(g < NCH - 1)
                def _():
                    pltpu.async_copy(rows_b[b], acc_sh.at[dst_b[b]], ss[b],
                                     add=True)

                @pl.when(g == NCH - 1)
                def _():
                    pltpu.sync_copy(rows_b[b], acc_sh.at[dst_b[b]], add=True)
            return 0

        lax.fori_loop(0, NCH // 2, kstep, 0)
        plsc.subcore_barrier()
        pltpu.sync_copy(acc_sh.at[pl.ds(s * RPS, RPS)],
                        out.at[c, pl.ds(s * RPS, RPS)])

    return pl.kernel(
        body,
        out_type=jax.ShapeDtypeStruct((2, NPAD, nf), _f32),
        mesh=mesh,
        compiler_params=pltpu.CompilerParams(needs_layout_passes=False,
                                             use_tc_tiling_on_sc=False),
        scratch_types=[
            pltpu.VMEM((CH,), jnp.int32),
            pltpu.VMEM((CH,), jnp.int32),
            pltpu.VMEM((CH,), jnp.int32),
            pltpu.VMEM((CH,), jnp.int32),
            pltpu.VMEM((CH,), _f32),
            pltpu.VMEM((CH,), _f32),
            pltpu.VMEM((CH, nf), _f32),
            pltpu.VMEM((CH, nf), _f32),
            pltpu.VMEM_SHARED((NPAD, nf), _f32),
            pltpu.SemaphoreType.DMA,
            pltpu.SemaphoreType.DMA,
            pltpu.SemaphoreType.DMA,
            pltpu.SemaphoreType.DMA,
            pltpu.SemaphoreType.DMA,
            pltpu.SemaphoreType.DMA,
            pltpu.SemaphoreType.DMA,
            pltpu.SemaphoreType.DMA,
        ],
    )


_spmm_x = _make_spmm(NFP, 2)
_spmm_cls = _make_spmm(NCLASS, 8)


def kernel(x, edge_index, edge_weight, W_org, b_org, Wg1, bg1, Wg2, bg2,
           W3, b3, Wl, bl):
    dst = edge_index[0].astype(jnp.int32).reshape(NTILES, NCH, CH)
    src = edge_index[1].astype(jnp.int32).reshape(NTILES, NCH, CH)
    w = edge_weight.reshape(NTILES, NCH, CH)

    onescol = jnp.broadcast_to(
        jnp.array([[1.0] + [0.0] * 15], _f32), (N, 16))
    xp = jnp.concatenate([x, onescol], axis=1)

    w1, c1, w2l, w3l, c3 = _fold(
        W_org, b_org.reshape(1, -1), Wg1, Wg2, Wl, W3,
        b3.reshape(1, -1), bg2.reshape(1, -1), bl.reshape(1, -1))

    z_x = jnp.zeros((RPS, NFP), _f32)
    p1 = _spmm_x(xp, src, dst, w, z_x)

    s2, r3 = _lin_b(p1, x, bg1.reshape(1, -1), w1, c1, w2l, w3l,
                    c3.reshape(1, -1))

    z_cls = jnp.zeros((RPS, NCLASS), _f32)
    p2 = _spmm_cls(s2, src, dst, w, z_cls)

    out = _final(r3.reshape(_NR, 128), p2.reshape(2, _NRP, 128))
    return out.reshape(N, NCLASS)

# --- scband reference (transcript-rebuilt; emitter-appended) ---
"""Pipeline reference for scband-graph-gcnnet-11081015623737 (READ-ONLY COPY).

The authoritative reference and input builder live on the scoring server;
editing this copy changes nothing except your own understanding.
"""

import jax, jax.numpy as jnp
import numpy as np

N = 10000
E = 320000
NFEAT = 128
NHID = 64
NCLASS = 16
H2 = NHID * 2   # 128
H3 = NHID * 3   # 192


def setup_inputs(seed: int = 0) -> dict:
    key = jax.random.key(seed)
    ks = jax.random.split(key, 13)
    x = jax.random.normal(ks[0], (N, NFEAT), dtype=jnp.float32)
    edge_index = jax.random.randint(ks[1], (2, E), 0, N, dtype=jnp.int64)
    edge_weight = jax.random.uniform(ks[2], (E,), dtype=jnp.float32)
    def lin(k, fan_in, shape):
        bound = 1.0 / np.sqrt(fan_in)
        return jax.random.uniform(k, shape, dtype=jnp.float32, minval=-bound, maxval=bound)
    W_org = lin(ks[3], NFEAT, (NFEAT, H2)); b_org = lin(ks[4], NFEAT, (H2,))
    Wg1 = lin(ks[5], H2, (H2, H3));        bg1 = lin(ks[6], H3, (H3,))
    Wg2 = lin(ks[7], H3, (H3, H3));        bg2 = lin(ks[8], H3, (H3,))
    W3 = lin(ks[9], H2, (H2, H3));         b3 = lin(ks[10], H2, (H3,))
    Wl = lin(ks[11], H3, (H3, NCLASS));    bl = lin(ks[12], H3, (NCLASS,))
    return {"x": x, "edge_index": edge_index, "edge_weight": edge_weight,
            "W_org": W_org, "b_org": b_org, "Wg1": Wg1, "bg1": bg1,
            "Wg2": Wg2, "bg2": bg2, "W3": W3, "b3": b3, "Wl": Wl, "bl": bl}


def reference(x, edge_index, edge_weight, W_org, b_org, Wg1, bg1, Wg2, bg2, W3, b3, Wl, bl):
    # GraphGCNNet forward (dropout treated as identity / eval mode)
    dst = edge_index[0]
    src = edge_index[1]

    def spmm(support):
        # sparse adj (dst, src, edge_weight) @ support  -> gather + scatter-add
        msg = edge_weight[:, None] * jnp.take(support, src, axis=0)
        return jax.ops.segment_sum(msg, dst, num_segments=N)

    # linear_org
    h = jnp.dot(x, W_org) + b_org
    # GCN layer 1 (GraphConvolution): spmm(adj, h @ Wg1) + bg1, then relu
    s1 = jnp.dot(h, Wg1)
    g1 = spmm(s1) + bg1
    g1 = jax.nn.relu(g1)
    # GCN layer 2
    s2 = jnp.dot(g1, Wg2)
    x_gcn = spmm(s2) + bg2
    # residual combine
    out = jnp.dot(h, W3) + b3 + 0.5 * x_gcn
    # final linear
    out = jnp.dot(out, Wl) + bl
    # min-max normalize to [-1, 1]
    min_val = jnp.min(out)
    max_val = jnp.max(out)
    normalized = 2.0 * (out - min_val) / (max_val - min_val) - 1.0
    return normalized

if __name__ == "__main__":
    import jax
    _d = setup_inputs()
    print(jax.jit(kernel)(*tuple(_d.values())))

</pallas_src>

<mosaic_0001>
#map = affine_map<(d0, d1) -> (0, 0)>
#map1 = affine_map<(d0, d1) -> (0, 0, 0)>
module attributes {stable_mosaic.version = 14 : i64} {
  func.func @body(%arg0: i32, %arg1: i32, %arg2: memref<10000x144xf32, #tpu.memory_space<hbm>>, %arg3: memref<32x80x125xi32, #tpu.memory_space<hbm>>, %arg4: memref<32x80x125xi32, #tpu.memory_space<hbm>>, %arg5: memref<32x80x125xf32, #tpu.memory_space<hbm>>, %arg6: memref<632x144xf32, #tpu.memory_space<hbm>>, %arg7: memref<2x10112x144xf32, #tpu.memory_space<hbm>>, %arg8: memref<125xi32, #tpu.memory_space<vmem>>, %arg9: memref<125xi32, #tpu.memory_space<vmem>>, %arg10: memref<125xi32, #tpu.memory_space<vmem>>, %arg11: memref<125xi32, #tpu.memory_space<vmem>>, %arg12: memref<125xf32, #tpu.memory_space<vmem>>, %arg13: memref<125xf32, #tpu.memory_space<vmem>>, %arg14: memref<125x144xf32, #tpu.memory_space<vmem>>, %arg15: memref<125x144xf32, #tpu.memory_space<vmem>>, %arg16: memref<10112x144xf32, #tpu.memory_space<vmem_shared>>, %arg17: memref<!tpu.dma_semaphore, #tpu.memory_space<semaphore_mem>>, %arg18: memref<!tpu.dma_semaphore, #tpu.memory_space<semaphore_mem>>, %arg19: memref<!tpu.dma_semaphore, #tpu.memory_space<semaphore_mem>>, %arg20: memref<!tpu.dma_semaphore, #tpu.memory_space<semaphore_mem>>, %arg21: memref<!tpu.dma_semaphore, #tpu.memory_space<semaphore_mem>>, %arg22: memref<!tpu.dma_semaphore, #tpu.memory_space<semaphore_mem>>, %arg23: memref<!tpu.dma_semaphore, #tpu.memory_space<semaphore_mem>>, %arg24: memref<!tpu.dma_semaphore, #tpu.memory_space<semaphore_mem>>) attributes {dimension_semantics = [#tpu.dimension_semantics<core_parallel>, #tpu.dimension_semantics<subcore_parallel>], iteration_bounds = array<i64: 2, 16>, scalar_prefetch = 0 : i64, scratch_operands = 17 : i64, tpu.core_type = #tpu.core_type<sc_vector_subcore>, window_params = [{transform_indices = #map}, {transform_indices = #map1}, {transform_indices = #map1}, {transform_indices = #map1}, {transform_indices = #map}, {transform_indices = #map1}]} {
    %mul3A = arith.constant 2 : i32
    %mul3A_0 = arith.muli %arg1, %mul3A : i32
    %add3A = arith.addi %mul3A_0, %arg0 : i32
    %mul3A_1 = arith.constant 632 : i32
    %mul3A_2 = arith.muli %arg1, %mul3A_1 : i32
    "tpu.region"() ({
      %run_scoped3A = tpu.sem_alloc : memref<!tpu.dma_semaphore, #tpu.memory_space<semaphore_mem>>
      %dma_start3A_64 = arith.constant 0 : i32
      %dma_start3A_65 = tpu.memref_slice %arg16[%mul3A_2, %dma_start3A_64] : memref<10112x144xf32, #tpu.memory_space<vmem_shared>> -> memref<632x144xf32, #tpu.memory_space<vmem_shared>>
      tpu.enqueue_dma source(%arg6 : memref<632x144xf32, #tpu.memory_space<hbm>>) target(%dma_start3A_65 : memref<632x144xf32, #tpu.memory_space<vmem_shared>>) target_semaphore(%run_scoped3A : memref<!tpu.dma_semaphore, #tpu.memory_space<semaphore_mem>>)
      %dma_wait3A_66 = arith.constant 0 : i32
      %dma_wait3A_67 = tpu.memref_slice %arg16[%mul3A_2, %dma_wait3A_66] : memref<10112x144xf32, #tpu.memory_space<vmem_shared>> -> memref<632x144xf32, #tpu.memory_space<vmem_shared>>
      tpu.wait_dma2 semaphore(%run_scoped3A : memref<!tpu.dma_semaphore, #tpu.memory_space<semaphore_mem>>) src(%arg6 : memref<632x144xf32, #tpu.memory_space<hbm>>) dst(%dma_wait3A_67 : memref<632x144xf32, #tpu.memory_space<vmem_shared>>)
      tpu.yield
    }) : () -> ()
    %barrier3A = arith.constant 0 : index
    tpu.barrier barrier_id(%barrier3A)
    %dma_start3A = arith.constant 0 : i32
    %dma_start3A_3 = arith.constant 0 : i32
    %dma_start3A_4 = tpu.memref_slice %arg3[%add3A, %dma_start3A, %dma_start3A_3] : memref<32x80x125xi32, #tpu.memory_space<hbm>> -> memref<1x1x125xi32, #tpu.memory_space<hbm>>
    %dma_start3A_5 = tpu.memref_squeeze %dma_start3A_4 : memref<1x1x125xi32, #tpu.memory_space<hbm>> -> memref<125xi32, #tpu.memory_space<hbm>>
    %dma_start3A_6 = arith.constant 0 : i32
    %dma_start3A_7 = tpu.memref_slice %arg3[%add3A, %dma_start3A, %dma_start3A_6] : memref<32x80x125xi32, #tpu.memory_space<hbm>> -> memref<1x1x125xi32, #tpu.memory_space<hbm>>
    %dma_start3A_8 = tpu.memref_squeeze %dma_start3A_7 : memref<1x1x125xi32, #tpu.memory_space<hbm>> -> memref<125xi32, #tpu.memory_space<hbm>>
    tpu.enqueue_dma source(%dma_start3A_8 : memref<125xi32, #tpu.memory_space<hbm>>) target(%arg8 : memref<125xi32, #tpu.memory_space<vmem>>) target_semaphore(%arg17 : memref<!tpu.dma_semaphore, #tpu.memory_space<semaphore_mem>>)
    %dma_start3A_9 = arith.constant 0 : i32
    %dma_start3A_10 = arith.constant 0 : i32
    %dma_start3A_11 = tpu.memref_slice %arg5[%add3A, %dma_start3A_9, %dma_start3A_10] : memref<32x80x125xf32, #tpu.memory_space<hbm>> -> memref<1x1x125xf32, #tpu.memory_space<hbm>>
    %dma_start3A_12 = tpu.memref_squeeze %dma_start3A_11 : memref<1x1x125xf32, #tpu.memory_space<hbm>> -> memref<125xf32, #tpu.memory_space<hbm>>
    %dma_start3A_13 = arith.constant 0 : i32
    %dma_start3A_14 = tpu.memref_slice %arg5[%add3A, %dma_start3A_9, %dma_start3A_13] : memref<32x80x125xf32, #tpu.memory_space<hbm>> -> memref<1x1x125xf32, #tpu.memory_space<hbm>>
    %dma_start3A_15 = tpu.memref_squeeze %dma_start3A_14 : memref<1x1x125xf32, #tpu.memory_space<hbm>> -> memref<125xf32, #tpu.memory_space<hbm>>
    tpu.enqueue_dma source(%dma_start3A_15 : memref<125xf32, #tpu.memory_space<hbm>>) target(%arg12 : memref<125xf32, #tpu.memory_space<vmem>>) target_semaphore(%arg17 : memref<!tpu.dma_semaphore, #tpu.memory_space<semaphore_mem>>)
    %dma_start3A_16 = arith.constant 1 : i32
    %dma_start3A_17 = arith.constant 0 : i32
    %dma_start3A_18 = tpu.memref_slice %arg3[%add3A, %dma_start3A_16, %dma_start3A_17] : memref<32x80x125xi32, #tpu.memory_space<hbm>> -> memref<1x1x125xi32, #tpu.memory_space<hbm>>
    %dma_start3A_19 = tpu.memref_squeeze %dma_start3A_18 : memref<1x1x125xi32, #tpu.memory_space<hbm>> -> memref<125xi32, #tpu.memory_space<hbm>>
    %dma_start3A_20 = arith.constant 0 : i32
    %dma_start3A_21 = tpu.memref_slice %arg3[%add3A, %dma_start3A_16, %dma_start3A_20] : memref<32x80x125xi32, #tpu.memory_space<hbm>> -> memref<1x1x125xi32, #tpu.memory_space<hbm>>
    %dma_start3A_22 = tpu.memref_squeeze %dma_start3A_21 : memref<1x1x125xi32, #tpu.memory_space<hbm>> -> memref<125xi32, #tpu.memory_space<hbm>>
    tpu.enqueue_dma source(%dma_start3A_22 : memref<125xi32, #tpu.memory_space<hbm>>) target(%arg9 : memref<125xi32, #tpu.memory_space<vmem>>) target_semaphore(%arg18 : memref<!tpu.dma_semaphore, #tpu.memory_space<semaphore_mem>>)
    %dma_start3A_23 = arith.constant 1 : i32
    %dma_start3A_24 = arith.constant 0 : i32
    %dma_start3A_25 = tpu.memref_slice %arg5[%add3A, %dma_start3A_23, %dma_start3A_24] : memref<32x80x125xf32, #tpu.memory_space<hbm>> -> memref<1x1x125xf32, #tpu.memory_space<hbm>>
    %dma_start3A_26 = tpu.memref_squeeze %dma_start3A_25 : memref<1x1x125xf32, #tpu.memory_space<hbm>> -> memref<125xf32, #tpu.memory_space<hbm>>
    %dma_start3A_27 = arith.constant 0 : i32
    %dma_start3A_28 = tpu.memref_slice %arg5[%add3A, %dma_start3A_23, %dma_start3A_27] : memref<32x80x125xf32, #tpu.memory_space<hbm>> -> memref<1x1x125xf32, #tpu.memory_space<hbm>>
    %dma_start3A_29 = tpu.memref_squeeze %dma_start3A_28 : memref<1x1x125xf32, #tpu.memory_space<hbm>> -> memref<125xf32, #tpu.memory_space<hbm>>
    tpu.enqueue_dma source(%dma_start3A_29 : memref<125xf32, #tpu.memory_space<hbm>>) target(%arg13 : memref<125xf32, #tpu.memory_space<vmem>>) target_semaphore(%arg18 : memref<!tpu.dma_semaphore, #tpu.memory_space<semaphore_mem>>)
    %dma_start3A_30 = arith.constant 0 : i32
    %dma_start3A_31 = arith.constant 0 : i32
    %dma_start3A_32 = tpu.memref_slice %arg4[%add3A, %dma_start3A_30, %dma_start3A_31] : memref<32x80x125xi32, #tpu.memory_space<hbm>> -> memref<1x1x125xi32, #tpu.memory_space<hbm>>
    %dma_start3A_33 = tpu.memref_squeeze %dma_start3A_32 : memref<1x1x125xi32, #tpu.memory_space<hbm>> -> memref<125xi32, #tpu.memory_space<hbm>>
    %dma_start3A_34 = arith.constant 0 : i32
    %dma_start3A_35 = tpu.memref_slice %arg4[%add3A, %dma_start3A_30, %dma_start3A_34] : memref<32x80x125xi32, #tpu.memory_space<hbm>> -> memref<1x1x125xi32, #tpu.memory_space<hbm>>
    %dma_start3A_36 = tpu.memref_squeeze %dma_start3A_35 : memref<1x1x125xi32, #tpu.memory_space<hbm>> -> memref<125xi32, #tpu.memory_space<hbm>>
    tpu.enqueue_dma source(%dma_start3A_36 : memref<125xi32, #tpu.memory_space<hbm>>) target(%arg10 : memref<125xi32, #tpu.memory_space<vmem>>) target_semaphore(%arg19 : memref<!tpu.dma_semaphore, #tpu.memory_space<semaphore_mem>>)
    %dma_wait3A = arith.constant 0 : i32
    %dma_wait3A_37 = arith.constant 0 : i32
    %dma_wait3A_38 = tpu.memref_slice %arg3[%add3A, %dma_wait3A, %dma_wait3A_37] : memref<32x80x125xi32, #tpu.memory_space<hbm>> -> memref<1x1x125xi32, #tpu.memory_space<hbm>>
    %dma_wait3A_39 = tpu.memref_squeeze %dma_wait3A_38 : memref<1x1x125xi32, #tpu.memory_space<hbm>> -> memref<125xi32, #tpu.memory_space<hbm>>
    %dma_wait3A_40 = arith.constant 0 : i32
    %dma_wait3A_41 = tpu.memref_slice %arg3[%add3A, %dma_wait3A, %dma_wait3A_40] : memref<32x80x125xi32, #tpu.memory_space<hbm>> -> memref<1x1x125xi32, #tpu.memory_space<hbm>>
    %dma_wait3A_42 = tpu.memref_squeeze %dma_wait3A_41 : memref<1x1x125xi32, #tpu.memory_space<hbm>> -> memref<125xi32, #tpu.memory_space<hbm>>
    tpu.wait_dma2 semaphore(%arg17 : memref<!tpu.dma_semaphore, #tpu.memory_space<semaphore_mem>>) src(%dma_wait3A_42 : memref<125xi32, #tpu.memory_space<hbm>>) dst(%arg8 : memref<125xi32, #tpu.memory_space<vmem>>)
    %dma_wait3A_43 = arith.constant 0 : i32
    %dma_wait3A_44 = arith.constant 0 : i32
    %dma_wait3A_45 = tpu.memref_slice %arg5[%add3A, %dma_wait3A_43, %dma_wait3A_44] : memref<32x80x125xf32, #tpu.memory_space<hbm>> -> memref<1x1x125xf32, #tpu.memory_space<hbm>>
    %dma_wait3A_46 = tpu.memref_squeeze %dma_wait3A_45 : memref<1x1x125xf32, #tpu.memory_space<hbm>> -> memref<125xf32, #tpu.memory_space<hbm>>
    %dma_wait3A_47 = arith.constant 0 : i32
    %dma_wait3A_48 = tpu.memref_slice %arg5[%add3A, %dma_wait3A_43, %dma_wait3A_47] : memref<32x80x125xf32, #tpu.memory_space<hbm>> -> memref<1x1x125xf32, #tpu.memory_space<hbm>>
    %dma_wait3A_49 = tpu.memref_squeeze %dma_wait3A_48 : memref<1x1x125xf32, #tpu.memory_space<hbm>> -> memref<125xf32, #tpu.memory_space<hbm>>
    tpu.wait_dma2 semaphore(%arg17 : memref<!tpu.dma_semaphore, #tpu.memory_space<semaphore_mem>>) src(%dma_wait3A_49 : memref<125xf32, #tpu.memory_space<hbm>>) dst(%arg12 : memref<125xf32, #tpu.memory_space<vmem>>)
    %dma_start3A_50 = arith.constant 0 : i32
    %dma_start3A_51 = arith.constant 0 : i32
    %dma_start3A_52 = tpu.memref_slice %arg2[%dma_start3A_50, %dma_start3A_51] : memref<10000x144xf32, #tpu.memory_space<hbm>> -> memref<10000x144xf32, #tpu.memory_space<hbm>>
    tpu.enqueue_indirect_dma source(%dma_start3A_52 : memref<10000x144xf32, #tpu.memory_space<hbm>>) target(%arg14 : memref<125x144xf32, #tpu.memory_space<vmem>>) offsets(%arg8 : memref<125xi32, #tpu.memory_space<vmem>>) semaphore(%arg21 : memref<!tpu.dma_semaphore, #tpu.memory_space<semaphore_mem>>)
    %scan3A = arith.constant 0 : i32
    %scan3A_53 = arith.constant 0 : i32
    %scan3A_54 = arith.constant 40 : i32
    %scan3A_55 = arith.addi %scan3A_53, %scan3A_54 : i32
    %scan3A_56 = arith.constant 1 : i32
    %scan3A_57 = scf.for %scan3A_64 = %scan3A_53 to %scan3A_55 step %scan3A_56 iter_args(%scan3A_65 = %scan3A) -> (i32)  : i32 {
      %mul3A_66 = arith.constant 2 : i32
      %mul3A_67 = arith.muli %mul3A_66, %scan3A_64 : i32
      %add3A_68 = arith.constant 0 : i32
      %add3A_69 = arith.addi %mul3A_67, %add3A_68 : i32
      %add3A_70 = arith.constant 1 : i32
      %add3A_71 = arith.addi %add3A_69, %add3A_70 : i32
      %lt3A = arith.constant 80 : i32
      %lt3A_72 = arith.cmpi slt, %add3A_71, %lt3A : i32
      %convert_element_type3A = arith.extui %lt3A_72 : i1 to i32
      %cond3A = arith.constant 0 : i32
      %cond3A_73 = arith.cmpi ne, %convert_element_type3A, %cond3A : i32
      scf.if %cond3A_73 {
        %add3A_306 = arith.constant 1 : i32
        %add3A_307 = arith.addi %add3A_69, %add3A_306 : i32
        %dma_wait3A_308 = arith.constant 0 : i32
        %dma_wait3A_309 = tpu.memref_slice %arg3[%add3A, %add3A_307, %dma_wait3A_308] : memref<32x80x125xi32, #tpu.memory_space<hbm>> -> memref<1x1x125xi32, #tpu.memory_space<hbm>>
        %dma_wait3A_310 = tpu.memref_squeeze %dma_wait3A_309 : memref<1x1x125xi32, #tpu.memory_space<hbm>> -> memref<125xi32, #tpu.memory_space<hbm>>
        %dma_wait3A_311 = arith.constant 0 : i32
        %dma_wait3A_312 = tpu.memref_slice %arg3[%add3A, %add3A_307, %dma_wait3A_311] : memref<32x80x125xi32, #tpu.memory_space<hbm>> -> memref<1x1x125xi32, #tpu.memory_space<hbm>>
        %dma_wait3A_313 = tpu.memref_squeeze %dma_wait3A_312 : memref<1x1x125xi32, #tpu.memory_space<hbm>> -> memref<125xi32, #tpu.memory_space<hbm>>
        tpu.wait_dma2 semaphore(%arg18 : memref<!tpu.dma_semaphore, #tpu.memory_space<semaphore_mem>>) src(%dma_wait3A_313 : memref<125xi32, #tpu.memory_space<hbm>>) dst(%arg9 : memref<125xi32, #tpu.memory_space<vmem>>)
        %add3A_314 = arith.constant 1 : i32
        %add3A_315 = arith.addi %add3A_69, %add3A_314 : i32
        %dma_wait3A_316 = arith.constant 0 : i32
        %dma_wait3A_317 = tpu.memref_slice %arg5[%add3A, %add3A_315, %dma_wait3A_316] : memref<32x80x125xf32, #tpu.memory_space<hbm>> -> memref<1x1x125xf32, #tpu.memory_space<hbm>>
        %dma_wait3A_318 = tpu.memref_squeeze %dma_wait3A_317 : memref<1x1x125xf32, #tpu.memory_space<hbm>> -> memref<125xf32, #tpu.memory_space<hbm>>
        %dma_wait3A_319 = arith.constant 0 : i32
        %dma_wait3A_320 = tpu.memref_slice %arg5[%add3A, %add3A_315, %dma_wait3A_319] : memref<32x80x125xf32, #tpu.memory_space<hbm>> -> memref<1x1x125xf32, #tpu.memory_space<hbm>>
        %dma_wait3A_321 = tpu.memref_squeeze %dma_wait3A_320 : memref<1x1x125xf32, #tpu.memory_space<hbm>> -> memref<125xf32, #tpu.memory_space<hbm>>
        tpu.wait_dma2 semaphore(%arg18 : memref<!tpu.dma_semaphore, #tpu.memory_space<semaphore_mem>>) src(%dma_wait3A_321 : memref<125xf32, #tpu.memory_space<hbm>>) dst(%arg13 : memref<125xf32, #tpu.memory_space<vmem>>)
      } else {
      }
      %ge3A = arith.constant 1 : i32
      %ge3A_74 = arith.cmpi sge, %add3A_69, %ge3A : i32
      %convert_element_type3A_75 = arith.extui %ge3A_74 : i1 to i32
      %cond3A_76 = arith.constant 0 : i32
      %cond3A_77 = arith.cmpi ne, %convert_element_type3A_75, %cond3A_76 : i32
      scf.if %cond3A_77 {
        %dma_wait3A_306 = arith.constant 0 : i32
        %dma_wait3A_307 = arith.constant 0 : i32
        %dma_wait3A_308 = tpu.memref_slice %arg16[%dma_wait3A_306, %dma_wait3A_307] : memref<10112x144xf32, #tpu.memory_space<vmem_shared>> -> memref<10112x144xf32, #tpu.memory_space<vmem_shared>>
        tpu.wait_indirect_dma semaphore(%arg24 : memref<!tpu.dma_semaphore, #tpu.memory_space<semaphore_mem>>) src(%arg15 : memref<125x144xf32, #tpu.memory_space<vmem>>) dst(%dma_wait3A_308 : memref<10112x144xf32, #tpu.memory_space<vmem_shared>>)
      } else {
      }
      %add3A_78 = arith.constant 1 : i32
      %add3A_79 = arith.addi %add3A_69, %add3A_78 : i32
      %lt3A_80 = arith.constant 80 : i32
      %lt3A_81 = arith.cmpi slt, %add3A_79, %lt3A_80 : i32
      %convert_element_type3A_82 = arith.extui %lt3A_81 : i1 to i32
      %cond3A_83 = arith.constant 0 : i32
      %cond3A_84 = arith.cmpi ne, %convert_element_type3A_82, %cond3A_83 : i32
      scf.if %cond3A_84 {
        %add3A_306 = arith.constant 1 : i32
        %add3A_307 = arith.addi %add3A_69, %add3A_306 : i32
        %dma_start3A_308 = arith.constant 0 : i32
        %dma_start3A_309 = tpu.memref_slice %arg4[%add3A, %add3A_307, %dma_start3A_308] : memref<32x80x125xi32, #tpu.memory_space<hbm>> -> memref<1x1x125xi32, #tpu.memory_space<hbm>>
        %dma_start3A_310 = tpu.memref_squeeze %dma_start3A_309 : memref<1x1x125xi32, #tpu.memory_space<hbm>> -> memref<125xi32, #tpu.memory_space<hbm>>
        %dma_start3A_311 = arith.constant 0 : i32
        %dma_start3A_312 = tpu.memref_slice %arg4[%add3A, %add3A_307, %dma_start3A_311] : memref<32x80x125xi32, #tpu.memory_space<hbm>> -> memref<1x1x125xi32, #tpu.memory_space<hbm>>
        %dma_start3A_313 = tpu.memref_squeeze %dma_start3A_312 : memref<1x1x125xi32, #tpu.memory_space<hbm>> -> memref<125xi32, #tpu.memory_space<hbm>>
        tpu.enqueue_dma source(%dma_start3A_313 : memref<125xi32, #tpu.memory_space<hbm>>) target(%arg11 : memref<125xi32, #tpu.memory_space<vmem>>) target_semaphore(%arg20 : memref<!tpu.dma_semaphore, #tpu.memory_space<semaphore_mem>>)
        %dma_start3A_314 = arith.constant 0 : i32
        %dma_start3A_315 = arith.constant 0 : i32
        %dma_start3A_316 = tpu.memref_slice %arg2[%dma_start3A_314, %dma_start3A_315] : memref<10000x144xf32, #tpu.memory_space<hbm>> -> memref<10000x144xf32, #tpu.memory_space<hbm>>
        tpu.enqueue_indirect_dma source(%dma_start3A_316 : memref<10000x144xf32, #tpu.memory_space<hbm>>) target(%arg15 : memref<125x144xf32, #tpu.memory_space<vmem>>) offsets(%arg9 : memref<125xi32, #tpu.memory_space<vmem>>) semaphore(%arg22 : memref<!tpu.dma_semaphore, #tpu.memory_space<semaphore_mem>>)
      } else {
      }
      %dma_wait3A_85 = arith.constant 0 : i32
      %dma_wait3A_86 = arith.constant 0 : i32
      %dma_wait3A_87 = tpu.memref_slice %arg2[%dma_wait3A_85, %dma_wait3A_86] : memref<10000x144xf32, #tpu.memory_space<hbm>> -> memref<10000x144xf32, #tpu.memory_space<hbm>>
      tpu.wait_indirect_dma semaphore(%arg21 : memref<!tpu.dma_semaphore, #tpu.memory_space<semaphore_mem>>) src(%dma_wait3A_87 : memref<10000x144xf32, #tpu.memory_space<hbm>>) dst(%arg14 : memref<125x144xf32, #tpu.memory_space<vmem>>)
      %scan3A_88 = arith.constant 0 : i32
      %scan3A_89 = arith.constant 0 : i32
      %scan3A_90 = arith.constant 124 : i32
      %scan3A_91 = arith.addi %scan3A_89, %scan3A_90 : i32
      %scan3A_92 = arith.constant 2 : i32
      %scan3A_93 = scf.for %scan3A_306 = %scan3A_89 to %scan3A_91 step %scan3A_92 iter_args(%scan3A_307 = %scan3A_88) -> (i32)  : i32 {
        %broadcast_in_dim3A_308 = vector.broadcast %scan3A_306 : i32 to vector<16xi32>
        %gather3A_309 = tpu.vector_load_idx %arg12[%broadcast_in_dim3A_308] : memref<125xf32, #tpu.memory_space<vmem>>[vector<16xi32>], vector<16xf32>,
        %get3A_310 = arith.index_cast %scan3A_306 : i32 to index
        %get3A_311 = arith.constant 0 : index
        %get3A_312 = tpu.vector_load %arg14[%get3A_310, %get3A_311] {strides = array<i32>} : memref<125x144xf32, #tpu.memory_space<vmem>>, vector<16xf32>,
        %mul3A_313 = arith.mulf %get3A_312, %gather3A_309 : vector<16xf32>
        %swap3A_314 = arith.index_cast %scan3A_306 : i32 to index
        %swap3A_315 = arith.constant 0 : index
        %swap3A_316 = tpu.vector_load %arg14[%swap3A_314, %swap3A_315] {strides = array<i32>} : memref<125x144xf32, #tpu.memory_space<vmem>>, vector<16xf32>,
        tpu.vector_store %arg14[%swap3A_314, %swap3A_315], %mul3A_313 {strides = array<i32>} : memref<125x144xf32, #tpu.memory_space<vmem>>, vector<16xf32>,
        %get3A_317 = arith.index_cast %scan3A_306 : i32 to index
        %get3A_318 = arith.constant 16 : index
        %get3A_319 = tpu.vector_load %arg14[%get3A_317, %get3A_318] {strides = array<i32>} : memref<125x144xf32, #tpu.memory_space<vmem>>, vector<16xf32>,
        %mul3A_320 = arith.mulf %get3A_319, %gather3A_309 : vector<16xf32>
        %swap3A_321 = arith.index_cast %scan3A_306 : i32 to index
        %swap3A_322 = arith.constant 16 : index
        %swap3A_323 = tpu.vector_load %arg14[%swap3A_321, %swap3A_322] {strides = array<i32>} : memref<125x144xf32, #tpu.memory_space<vmem>>, vector<16xf32>,
        tpu.vector_store %arg14[%swap3A_321, %swap3A_322], %mul3A_320 {strides = array<i32>} : memref<125x144xf32, #tpu.memory_space<vmem>>, vector<16xf32>,
        %get3A_324 = arith.index_cast %scan3A_306 : i32 to index
        %get3A_325 = arith.constant 32 : index
        %get3A_326 = tpu.vector_load %arg14[%get3A_324, %get3A_325] {strides = array<i32>} : memref<125x144xf32, #tpu.memory_space<vmem>>, vector<16xf32>,
        %mul3A_327 = arith.mulf %get3A_326, %gather3A_309 : vector<16xf32>
        %swap3A_328 = arith.index_cast %scan3A_306 : i32 to index
        %swap3A_329 = arith.constant 32 : index
        %swap3A_330 = tpu.vector_load %arg14[%swap3A_328, %swap3A_329] {strides = array<i32>} : memref<125x144xf32, #tpu.memory_space<vmem>>, vector<16xf32>,
        tpu.vector_store %arg14[%swap3A_328, %swap3A_329], %mul3A_327 {strides = array<i32>} : memref<125x144xf32, #tpu.memory_space<vmem>>, vector<16xf32>,
        %get3A_331 = arith.index_cast %scan3A_306 : i32 to index
        %get3A_332 = arith.constant 48 : index
        %get3A_333 = tpu.vector_load %arg14[%get3A_331, %get3A_332] {strides = array<i32>} : memref<125x144xf32, #tpu.memory_space<vmem>>, vector<16xf32>,
        %mul3A_334 = arith.mulf %get3A_333, %gather3A_309 : vector<16xf32>
        %swap3A_335 = arith.index_cast %scan3A_306 : i32 to index
        %swap3A_336 = arith.constant 48 : index
        %swap3A_337 = tpu.vector_load %arg14[%swap3A_335, %swap3A_336] {strides = array<i32>} : memref<125x144xf32, #tpu.memory_space<vmem>>, vector<16xf32>,
        tpu.vector_store %arg14[%swap3A_335, %swap3A_336], %mul3A_334 {strides = array<i32>} : memref<125x144xf32, #tpu.memory_space<vmem>>, vector<16xf32>,
        %get3A_338 = arith.index_cast %scan3A_306 : i32 to index
        %get3A_339 = arith.constant 64 : index
        %get3A_340 = tpu.vector_load %arg14[%get3A_338, %get3A_339] {strides = array<i32>} : memref<125x144xf32, #tpu.memory_space<vmem>>, vector<16xf32>,
        %mul3A_341 = arith.mulf %get3A_340, %gather3A_309 : vector<16xf32>
        %swap3A_342 = arith.index_cast %scan3A_306 : i32 to index
        %swap3A_343 = arith.constant 64 : index
        %swap3A_344 = tpu.vector_load %arg14[%swap3A_342, %swap3A_343] {strides = array<i32>} : memref<125x144xf32, #tpu.memory_space<vmem>>, vector<16xf32>,
        tpu.vector_store %arg14[%swap3A_342, %swap3A_343], %mul3A_341 {strides = array<i32>} : memref<125x144xf32, #tpu.memory_space<vmem>>, vector<16xf32>,
        %get3A_345 = arith.index_cast %scan3A_306 : i32 to index
        %get3A_346 = arith.constant 80 : index
        %get3A_347 = tpu.vector_load %arg14[%get3A_345, %get3A_346] {strides = array<i32>} : memref<125x144xf32, #tpu.memory_space<vmem>>, vector<16xf32>,
        %mul3A_348 = arith.mulf %get3A_347, %gather3A_309 : vector<16xf32>
        %swap3A_349 = arith.index_cast %scan3A_306 : i32 to index
        %swap3A_350 = arith.constant 80 : index
        %swap3A_351 = tpu.vector_load %arg14[%swap3A_349, %swap3A_350] {strides = array<i32>} : memref<125x144xf32, #tpu.memory_space<vmem>>, vector<16xf32>,
        tpu.vector_store %arg14[%swap3A_349, %swap3A_350], %mul3A_348 {strides = array<i32>} : memref<125x144xf32, #tpu.memory_space<vmem>>, vector<16xf32>,
        %get3A_352 = arith.index_cast %scan3A_306 : i32 to index
        %get3A_353 = arith.constant 96 : index
        %get3A_354 = tpu.vector_load %arg14[%get3A_352, %get3A_353] {strides = array<i32>} : memref<125x144xf32, #tpu.memory_space<vmem>>, vector<16xf32>,
        %mul3A_355 = arith.mulf %get3A_354, %gather3A_309 : vector<16xf32>
        %swap3A_356 = arith.index_cast %scan3A_306 : i32 to index
        %swap3A_357 = arith.constant 96 : index
        %swap3A_358 = tpu.vector_load %arg14[%swap3A_356, %swap3A_357] {strides = array<i32>} : memref<125x144xf32, #tpu.memory_space<vmem>>, vector<16xf32>,
        tpu.vector_store %arg14[%swap3A_356, %swap3A_357], %mul3A_355 {strides = array<i32>} : memref<125x144xf32, #tpu.memory_space<vmem>>, vector<16xf32>,
        %get3A_359 = arith.index_cast %scan3A_306 : i32 to index
        %get3A_360 = arith.constant 112 : index
        %get3A_361 = tpu.vector_load %arg14[%get3A_359, %get3A_360] {strides = array<i32>} : memref<125x144xf32, #tpu.memory_space<vmem>>, vector<16xf32>,
        %mul3A_362 = arith.mulf %get3A_361, %gather3A_309 : vector<16xf32>
        %swap3A_363 = arith.index_cast %scan3A_306 : i32 to index
        %swap3A_364 = arith.constant 112 : index
        %swap3A_365 = tpu.vector_load %arg14[%swap3A_363, %swap3A_364] {strides = array<i32>} : memref<125x144xf32, #tpu.memory_space<vmem>>, vector<16xf32>,
        tpu.vector_store %arg14[%swap3A_363, %swap3A_364], %mul3A_362 {strides = array<i32>} : memref<125x144xf32, #tpu.memory_space<vmem>>, vector<16xf32>,
        %get3A_366 = arith.index_cast %scan3A_306 : i32 to index
        %get3A_367 = arith.constant 128 : index
        %get3A_368 = tpu.vector_load %arg14[%get3A_366, %get3A_367] {strides = array<i32>} : memref<125x144xf32, #tpu.memory_space<vmem>>, vector<16xf32>,
        %mul3A_369 = arith.mulf %get3A_368, %gather3A_309 : vector<16xf32>
        %swap3A_370 = arith.index_cast %scan3A_306 : i32 to index
        %swap3A_371 = arith.constant 128 : index
        %swap3A_372 = tpu.vector_load %arg14[%swap3A_370, %swap3A_371] {strides = array<i32>} : memref<125x144xf32, #tpu.memory_space<vmem>>, vector<16xf32>,
        tpu.vector_store %arg14[%swap3A_370, %swap3A_371], %mul3A_369 {strides = array<i32>} : memref<125x144xf32, #tpu.memory_space<vmem>>, vector<16xf32>,
        %scan3A_373 = arith.constant 0 : i32
        %scan3A_374 = arith.constant 1 : i32
        %scan3A_375 = arith.addi %scan3A_306, %scan3A_374 : i32
        %broadcast_in_dim3A_376 = vector.broadcast %scan3A_375 : i32 to vector<16xi32>
        %gather3A_377 = tpu.vector_load_idx %arg12[%broadcast_in_dim3A_376] : memref<125xf32, #tpu.memory_space<vmem>>[vector<16xi32>], vector<16xf32>,
        %get3A_378 = arith.index_cast %scan3A_375 : i32 to index
        %get3A_379 = arith.constant 0 : index
        %get3A_380 = tpu.vector_load %arg14[%get3A_378, %get3A_379] {strides = array<i32>} : memref<125x144xf32, #tpu.memory_space<vmem>>, vector<16xf32>,
        %mul3A_381 = arith.mulf %get3A_380, %gather3A_377 : vector<16xf32>
        %swap3A_382 = arith.index_cast %scan3A_375 : i32 to index
        %swap3A_383 = arith.constant 0 : index
        %swap3A_384 = tpu.vector_load %arg14[%swap3A_382, %swap3A_383] {strides = array<i32>} : memref<125x144xf32, #tpu.memory_space<vmem>>, vector<16xf32>,
        tpu.vector_store %arg14[%swap3A_382, %swap3A_383], %mul3A_381 {strides = array<i32>} : memref<125x144xf32, #tpu.memory_space<vmem>>, vector<16xf32>,
        %get3A_385 = arith.index_cast %scan3A_375 : i32 to index
        %get3A_386 = arith.constant 16 : index
        %get3A_387 = tpu.vector_load %arg14[%get3A_385, %get3A_386] {strides = array<i32>} : memref<125x144xf32, #tpu.memory_space<vmem>>, vector<16xf32>,
        %mul3A_388 = arith.mulf %get3A_387, %gather3A_377 : vector<16xf32>
        %swap3A_389 = arith.index_cast %scan3A_375 : i32 to index
        %swap3A_390 = arith.constant 16 : index
        %swap3A_391 = tpu.vector_load %arg14[%swap3A_389, %swap3A_390] {strides = array<i32>} : memref<125x144xf32, #tpu.memory_space<vmem>>, vector<16xf32>,
        tpu.vector_store %arg14[%swap3A_389, %swap3A_390], %mul3A_388 {strides = array<i32>} : memref<125x144xf32, #tpu.memory_space<vmem>>, vector<16xf32>,
        %get3A_392 = arith.index_cast %scan3A_375 : i32 to index
        %get3A_393 = arith.constant 32 : index
        %get3A_394 = tpu.vector_load %arg14[%get3A_392, %get3A_393] {strides = array<i32>} : memref<125x144xf32, #tpu.memory_space<vmem>>, vector<16xf32>,
        %mul3A_395 = arith.mulf %get3A_394, %gather3A_377 : vector<16xf32>
        %swap3A_396 = arith.index_cast %scan3A_375 : i32 to index
        %swap3A_397 = arith.constant 32 : index
        %swap3A_398 = tpu.vector_load %arg14[%swap3A_396, %swap3A_397] {strides = array<i32>} : memref<125x144xf32, #tpu.memory_space<vmem>>, vector<16xf32>,
        tpu.vector_store %arg14[%swap3A_396, %swap3A_397], %mul3A_395 {strides = array<i32>} : memref<125x144xf32, #tpu.memory_space<vmem>>, vector<16xf32>,
        %get3A_399 = arith.index_cast %scan3A_375 : i32 to index
        %get3A_400 = arith.constant 48 : index
        %get3A_401 = tpu.vector_load %arg14[%get3A_399, %get3A_400] {strides = array<i32>} : memref<125x144xf32, #tpu.memory_space<vmem>>, vector<16xf32>,
        %mul3A_402 = arith.mulf %get3A_401, %gather3A_377 : vector<16xf32>
        %swap3A_403 = arith.index_cast %scan3A_375 : i32 to index
        %swap3A_404 = arith.constant 48 : index
        %swap3A_405 = tpu.vector_load %arg14[%swap3A_403, %swap3A_404] {strides = array<i32>} : memref<125x144xf32, #tpu.memory_space<vmem>>, vector<16xf32>,
        tpu.vector_store %arg14[%swap3A_403, %swap3A_404], %mul3A_402 {strides = array<i32>} : memref<125x144xf32, #tpu.memory_space<vmem>>, vector<16xf32>,
        %get3A_406 = arith.index_cast %scan3A_375 : i32 to index
        %get3A_407 = arith.constant 64 : index
        %get3A_408 = tpu.vector_load %arg14[%get3A_406, %get3A_407] {strides = array<i32>} : memref<125x144xf32, #tpu.memory_space<vmem>>, vector<16xf32>,
        %mul3A_409 = arith.mulf %get3A_408, %gather3A_377 : vector<16xf32>
        %swap3A_410 = arith.index_cast %scan3A_375 : i32 to index
        %swap3A_411 = arith.constant 64 : index
        %swap3A_412 = tpu.vector_load %arg14[%swap3A_410, %swap3A_411] {strides = array<i32>} : memref<125x144xf32, #tpu.memory_space<vmem>>, vector<16xf32>,
        tpu.vector_store %arg14[%swap3A_410, %swap3A_411], %mul3A_409 {strides = array<i32>} : memref<125x144xf32, #tpu.memory_space<vmem>>, vector<16xf32>,
        %get3A_413 = arith.index_cast %scan3A_375 : i32 to index
        %get3A_414 = arith.constant 80 : index
        %get3A_415 = tpu.vector_load %arg14[%get3A_413, %get3A_414] {strides = array<i32>} : memref<125x144xf32, #tpu.memory_space<vmem>>, vector<16xf32>,
        %mul3A_416 = arith.mulf %get3A_415, %gather3A_377 : vector<16xf32>
        %swap3A_417 = arith.index_cast %scan3A_375 : i32 to index
        %swap3A_418 = arith.constant 80 : index
        %swap3A_419 = tpu.vector_load %arg14[%swap3A_417, %swap3A_418] {strides = array<i32>} : memref<125x144xf32, #tpu.memory_space<vmem>>, vector<16xf32>,
        tpu.vector_store %arg14[%swap3A_417, %swap3A_418], %mul3A_416 {strides = array<i32>} : memref<125x144xf32, #tpu.memory_space<vmem>>, vector<16xf32>,
        %get3A_420 = arith.index_cast %scan3A_375 : i32 to index
        %get3A_421 = arith.constant 96 : index
        %get3A_422 = tpu.vector_load %arg14[%get3A_420, %get3A_421] {strides = array<i32>} : memref<125x144xf32, #tpu.memory_space<vmem>>, vector<16xf32>,
        %mul3A_423 = arith.mulf %get3A_422, %gather3A_377 : vector<16xf32>
        %swap3A_424 = arith.index_cast %scan3A_375 : i32 to index
        %swap3A_425 = arith.constant 96 : index
        %swap3A_426 = tpu.vector_load %arg14[%swap3A_424, %swap3A_425] {strides = array<i32>} : memref<125x144xf32, #tpu.memory_space<vmem>>, vector<16xf32>,
        tpu.vector_store %arg14[%swap3A_424, %swap3A_425], %mul3A_423 {strides = array<i32>} : memref<125x144xf32, #tpu.memory_space<vmem>>, vector<16xf32>,
        %get3A_427 = arith.index_cast %scan3A_375 : i32 to index
        %get3A_428 = arith.constant 112 : index
        %get3A_429 = tpu.vector_load %arg14[%get3A_427, %get3A_428] {strides = array<i32>} : memref<125x144xf32, #tpu.memory_space<vmem>>, vector<16xf32>,
        %mul3A_430 = arith.mulf %get3A_429, %gather3A_377 : vector<16xf32>
        %swap3A_431 = arith.index_cast %scan3A_375 : i32 to index
        %swap3A_432 = arith.constant 112 : index
        %swap3A_433 = tpu.vector_load %arg14[%swap3A_431, %swap3A_432] {strides = array<i32>} : memref<125x144xf32, #tpu.memory_space<vmem>>, vector<16xf32>,
        tpu.vector_store %arg14[%swap3A_431, %swap3A_432], %mul3A_430 {strides = array<i32>} : memref<125x144xf32, #tpu.memory_space<vmem>>, vector<16xf32>,
        %get3A_434 = arith.index_cast %scan3A_375 : i32 to index
        %get3A_435 = arith.constant 128 : index
        %get3A_436 = tpu.vector_load %arg14[%get3A_434, %get3A_435] {strides = array<i32>} : memref<125x144xf32, #tpu.memory_space<vmem>>, vector<16xf32>,
        %mul3A_437 = arith.mulf %get3A_436, %gather3A_377 : vector<16xf32>
        %swap3A_438 = arith.index_cast %scan3A_375 : i32 to index
        %swap3A_439 = arith.constant 128 : index
        %swap3A_440 = tpu.vector_load %arg14[%swap3A_438, %swap3A_439] {strides = array<i32>} : memref<125x144xf32, #tpu.memory_space<vmem>>, vector<16xf32>,
        tpu.vector_store %arg14[%swap3A_438, %swap3A_439], %mul3A_437 {strides = array<i32>} : memref<125x144xf32, #tpu.memory_space<vmem>>, vector<16xf32>,
        %scan3A_441 = arith.constant 0 : i32
        scf.yield %scan3A_441 : i32
      }
      %scan3A_94 = arith.constant 124 : i32
      %scan3A_95 = arith.addi %scan3A_89, %scan3A_94 : i32
      %broadcast_in_dim3A = vector.broadcast %scan3A_95 : i32 to vector<16xi32>
      %gather3A = tpu.vector_load_idx %arg12[%broadcast_in_dim3A] : memref<125xf32, #tpu.memory_space<vmem>>[vector<16xi32>], vector<16xf32>,
      %get3A = arith.index_cast %scan3A_95 : i32 to index
      %get3A_96 = arith.constant 0 : index
      %get3A_97 = tpu.vector_load %arg14[%get3A, %get3A_96] {strides = array<i32>} : memref<125x144xf32, #tpu.memory_space<vmem>>, vector<16xf32>,
      %mul3A_98 = arith.mulf %get3A_97, %gather3A : vector<16xf32>
      %swap3A = arith.index_cast %scan3A_95 : i32 to index
      %swap3A_99 = arith.constant 0 : index
      %swap3A_100 = tpu.vector_load %arg14[%swap3A, %swap3A_99] {strides = array<i32>} : memref<125x144xf32, #tpu.memory_space<vmem>>, vector<16xf32>,
      tpu.vector_store %arg14[%swap3A, %swap3A_99], %mul3A_98 {strides = array<i32>} : memref<125x144xf32, #tpu.memory_space<vmem>>, vector<16xf32>,
      %get3A_101 = arith.index_cast %scan3A_95 : i32 to index
      %get3A_102 = arith.constant 16 : index
      %get3A_103 = tpu.vector_load %arg14[%get3A_101, %get3A_102] {strides = array<i32>} : memref<125x144xf32, #tpu.memory_space<vmem>>, vector<16xf32>,
      %mul3A_104 = arith.mulf %get3A_103, %gather3A : vector<16xf32>
      %swap3A_105 = arith.index_cast %scan3A_95 : i32 to index
      %swap3A_106 = arith.constant 16 : index
      %swap3A_107 = tpu.vector_load %arg14[%swap3A_105, %swap3A_106] {strides = array<i32>} : memref<125x144xf32, #tpu.memory_space<vmem>>, vector<16xf32>,
      tpu.vector_store %arg14[%swap3A_105, %swap3A_106], %mul3A_104 {strides = array<i32>} : memref<125x144xf32, #tpu.memory_space<vmem>>, vector<16xf32>,
      %get3A_108 = arith.index_cast %scan3A_95 : i32 to index
      %get3A_109 = arith.constant 32 : index
      %get3A_110 = tpu.vector_load %arg14[%get3A_108, %get3A_109] {strides = array<i32>} : memref<125x144xf32, #tpu.memory_space<vmem>>, vector<16xf32>,
      %mul3A_111 = arith.mulf %get3A_110, %gather3A : vector<16xf32>
      %swap3A_112 = arith.index_cast %scan3A_95 : i32 to index
      %swap3A_113 = arith.constant 32 : index
      %swap3A_114 = tpu.vector_load %arg14[%swap3A_112, %swap3A_113] {strides = array<i32>} : memref<125x144xf32, #tpu.memory_space<vmem>>, vector<16xf32>,
      tpu.vector_store %arg14[%swap3A_112, %swap3A_113], %mul3A_111 {strides = array<i32>} : memref<125x144xf32, #tpu.memory_space<vmem>>, vector<16xf32>,
      %get3A_115 = arith.index_cast %scan3A_95 : i32 to index
      %get3A_116 = arith.constant 48 : index
      %get3A_117 = tpu.vector_load %arg14[%get3A_115, %get3A_116] {strides = array<i32>} : memref<125x144xf32, #tpu.memory_space<vmem>>, vector<16xf32>,
      %mul3A_118 = arith.mulf %get3A_117, %gather3A : vector<16xf32>
      %swap3A_119 = arith.index_cast %scan3A_95 : i32 to index
      %swap3A_120 = arith.constant 48 : index
      %swap3A_121 = tpu.vector_load %arg14[%swap3A_119, %swap3A_120] {strides = array<i32>} : memref<125x144xf32, #tpu.memory_space<vmem>>, vector<16xf32>,
      tpu.vector_store %arg14[%swap3A_119, %swap3A_120], %mul3A_118 {strides = array<i32>} : memref<125x144xf32, #tpu.memory_space<vmem>>, vector<16xf32>,
      %get3A_122 = arith.index_cast %scan3A_95 : i32 to index
      %get3A_123 = arith.constant 64 : index
      %get3A_124 = tpu.vector_load %arg14[%get3A_122, %get3A_123] {strides = array<i32>} : memref<125x144xf32, #tpu.memory_space<vmem>>, vector<16xf32>,
      %mul3A_125 = arith.mulf %get3A_124, %gather3A : vector<16xf32>
      %swap3A_126 = arith.index_cast %scan3A_95 : i32 to index
      %swap3A_127 = arith.constant 64 : index
      %swap3A_128 = tpu.vector_load %arg14[%swap3A_126, %swap3A_127] {strides = array<i32>} : memref<125x144xf32, #tpu.memory_space<vmem>>, vector<16xf32>,
      tpu.vector_store %arg14[%swap3A_126, %swap3A_127], %mul3A_125 {strides = array<i32>} : memref<125x144xf32, #tpu.memory_space<vmem>>, vector<16xf32>,
      %get3A_129 = arith.index_cast %scan3A_95 : i32 to index
      %get3A_130 = arith.constant 80 : index
      %get3A_131 = tpu.vector_load %arg14[%get3A_129, %get3A_130] {strides = array<i32>} : memref<125x144xf32, #tpu.memory_space<vmem>>, vector<16xf32>,
      %mul3A_132 = arith.mulf %get3A_131, %gather3A : vector<16xf32>
      %swap3A_133 = arith.index_cast %scan3A_95 : i32 to index
      %swap3A_134 = arith.constant 80 : index
      %swap3A_135 = tpu.vector_load %arg14[%swap3A_133, %swap3A_134] {strides = array<i32>} : memref<125x144xf32, #tpu.memory_space<vmem>>, vector<16xf32>,
      tpu.vector_store %arg14[%swap3A_133, %swap3A_134], %mul3A_132 {strides = array<i32>} : memref<125x144xf32, #tpu.memory_space<vmem>>, vector<16xf32>,
      %get3A_136 = arith.index_cast %scan3A_95 : i32 to index
      %get3A_137 = arith.constant 96 : index
      %get3A_138 = tpu.vector_load %arg14[%get3A_136, %get3A_137] {strides = array<i32>} : memref<125x144xf32, #tpu.memory_space<vmem>>, vector<16xf32>,
      %mul3A_139 = arith.mulf %get3A_138, %gather3A : vector<16xf32>
      %swap3A_140 = arith.index_cast %scan3A_95 : i32 to index
      %swap3A_141 = arith.constant 96 : index
      %swap3A_142 = tpu.vector_load %arg14[%swap3A_140, %swap3A_141] {strides = array<i32>} : memref<125x144xf32, #tpu.memory_space<vmem>>, vector<16xf32>,
      tpu.vector_store %arg14[%swap3A_140, %swap3A_141], %mul3A_139 {strides = array<i32>} : memref<125x144xf32, #tpu.memory_space<vmem>>, vector<16xf32>,
      %get3A_143 = arith.index_cast %scan3A_95 : i32 to index
      %get3A_144 = arith.constant 112 : index
      %get3A_145 = tpu.vector_load %arg14[%get3A_143, %get3A_144] {strides = array<i32>} : memref<125x144xf32, #tpu.memory_space<vmem>>, vector<16xf32>,
      %mul3A_146 = arith.mulf %get3A_145, %gather3A : vector<16xf32>
      %swap3A_147 = arith.index_cast %scan3A_95 : i32 to index
      %swap3A_148 = arith.constant 112 : index
      %swap3A_149 = tpu.vector_load %arg14[%swap3A_147, %swap3A_148] {strides = array<i32>} : memref<125x144xf32, #tpu.memory_space<vmem>>, vector<16xf32>,
      tpu.vector_store %arg14[%swap3A_147, %swap3A_148], %mul3A_146 {strides = array<i32>} : memref<125x144xf32, #tpu.memory_space<vmem>>, vector<16xf32>,
      %get3A_150 = arith.index_cast %scan3A_95 : i32 to index
      %get3A_151 = arith.constant 128 : index
      %get3A_152 = tpu.vector_load %arg14[%get3A_150, %get3A_151] {strides = array<i32>} : memref<125x144xf32, #tpu.memory_space<vmem>>, vector<16xf32>,
      %mul3A_153 = arith.mulf %get3A_152, %gather3A : vector<16xf32>
      %swap3A_154 = arith.index_cast %scan3A_95 : i32 to index
      %swap3A_155 = arith.constant 128 : index
      %swap3A_156 = tpu.vector_load %arg14[%swap3A_154, %swap3A_155] {strides = array<i32>} : memref<125x144xf32, #tpu.memory_space<vmem>>, vector<16xf32>,
      tpu.vector_store %arg14[%swap3A_154, %swap3A_155], %mul3A_153 {strides = array<i32>} : memref<125x144xf32, #tpu.memory_space<vmem>>, vector<16xf32>,
      %scan3A_157 = arith.constant 0 : i32
      %scan3A_158 = arith.constant 125 : i32
      %add3A_159 = arith.constant 2 : i32
      %add3A_160 = arith.addi %add3A_69, %add3A_159 : i32
      %lt3A_161 = arith.constant 80 : i32
      %lt3A_162 = arith.cmpi slt, %add3A_160, %lt3A_161 : i32
      %convert_element_type3A_163 = arith.extui %lt3A_162 : i1 to i32
      %cond3A_164 = arith.constant 0 : i32
      %cond3A_165 = arith.cmpi ne, %convert_element_type3A_163, %cond3A_164 : i32
      scf.if %cond3A_165 {
        %add3A_306 = arith.constant 2 : i32
        %add3A_307 = arith.addi %add3A_69, %add3A_306 : i32
        %dma_start3A_308 = arith.constant 0 : i32
        %dma_start3A_309 = tpu.memref_slice %arg3[%add3A, %add3A_307, %dma_start3A_308] : memref<32x80x125xi32, #tpu.memory_space<hbm>> -> memref<1x1x125xi32, #tpu.memory_space<hbm>>
        %dma_start3A_310 = tpu.memref_squeeze %dma_start3A_309 : memref<1x1x125xi32, #tpu.memory_space<hbm>> -> memref<125xi32, #tpu.memory_space<hbm>>
        %dma_start3A_311 = arith.constant 0 : i32
        %dma_start3A_312 = tpu.memref_slice %arg3[%add3A, %add3A_307, %dma_start3A_311] : memref<32x80x125xi32, #tpu.memory_space<hbm>> -> memref<1x1x125xi32, #tpu.memory_space<hbm>>
        %dma_start3A_313 = tpu.memref_squeeze %dma_start3A_312 : memref<1x1x125xi32, #tpu.memory_space<hbm>> -> memref<125xi32, #tpu.memory_space<hbm>>
        tpu.enqueue_dma source(%dma_start3A_313 : memref<125xi32, #tpu.memory_space<hbm>>) target(%arg8 : memref<125xi32, #tpu.memory_space<vmem>>) target_semaphore(%arg17 : memref<!tpu.dma_semaphore, #tpu.memory_space<semaphore_mem>>)
        %add3A_314 = arith.constant 2 : i32
        %add3A_315 = arith.addi %add3A_69, %add3A_314 : i32
        %dma_start3A_316 = arith.constant 0 : i32
        %dma_start3A_317 = tpu.memref_slice %arg5[%add3A, %add3A_315, %dma_start3A_316] : memref<32x80x125xf32, #tpu.memory_space<hbm>> -> memref<1x1x125xf32, #tpu.memory_space<hbm>>
        %dma_start3A_318 = tpu.memref_squeeze %dma_start3A_317 : memref<1x1x125xf32, #tpu.memory_space<hbm>> -> memref<125xf32, #tpu.memory_space<hbm>>
        %dma_start3A_319 = arith.constant 0 : i32
        %dma_start3A_320 = tpu.memref_slice %arg5[%add3A, %add3A_315, %dma_start3A_319] : memref<32x80x125xf32, #tpu.memory_space<hbm>> -> memref<1x1x125xf32, #tpu.memory_space<hbm>>
        %dma_start3A_321 = tpu.memref_squeeze %dma_start3A_320 : memref<1x1x125xf32, #tpu.memory_space<hbm>> -> memref<125xf32, #tpu.memory_space<hbm>>
        tpu.enqueue_dma source(%dma_start3A_321 : memref<125xf32, #tpu.memory_space<hbm>>) target(%arg12 : memref<125xf32, #tpu.memory_space<vmem>>) target_semaphore(%arg17 : memref<!tpu.dma_semaphore, #tpu.memory_space<semaphore_mem>>)
      } else {
      }
      %dma_wait3A_166 = arith.constant 0 : i32
      %dma_wait3A_167 = tpu.memref_slice %arg4[%add3A, %add3A_69, %dma_wait3A_166] : memref<32x80x125xi32, #tpu.memory_space<hbm>> -> memref<1x1x125xi32, #tpu.memory_space<hbm>>
      %dma_wait3A_168 = tpu.memref_squeeze %dma_wait3A_167 : memref<1x1x125xi32, #tpu.memory_space<hbm>> -> memref<125xi32, #tpu.memory_space<hbm>>
      %dma_wait3A_169 = arith.constant 0 : i32
      %dma_wait3A_170 = tpu.memref_slice %arg4[%add3A, %add3A_69, %dma_wait3A_169] : memref<32x80x125xi32, #tpu.memory_space<hbm>> -> memref<1x1x125xi32, #tpu.memory_space<hbm>>
      %dma_wait3A_171 = tpu.memref_squeeze %dma_wait3A_170 : memref<1x1x125xi32, #tpu.memory_space<hbm>> -> memref<125xi32, #tpu.memory_space<hbm>>
      tpu.wait_dma2 semaphore(%arg19 : memref<!tpu.dma_semaphore, #tpu.memory_space<semaphore_mem>>) src(%dma_wait3A_171 : memref<125xi32, #tpu.memory_space<hbm>>) dst(%arg10 : memref<125xi32, #tpu.memory_space<vmem>>)
      %lt3A_172 = arith.constant 79 : i32
      %lt3A_173 = arith.cmpi slt, %add3A_69, %lt3A_172 : i32
      %convert_element_type3A_174 = arith.extui %lt3A_173 : i1 to i32
      %cond3A_175 = arith.constant 0 : i32
      %cond3A_176 = arith.cmpi ne, %convert_element_type3A_174, %cond3A_175 : i32
      scf.if %cond3A_176 {
        %dma_start3A_306 = arith.constant 0 : i32
        %dma_start3A_307 = arith.constant 0 : i32
        %dma_start3A_308 = tpu.memref_slice %arg16[%dma_start3A_306, %dma_start3A_307] : memref<10112x144xf32, #tpu.memory_space<vmem_shared>> -> memref<10112x144xf32, #tpu.memory_space<vmem_shared>>
        tpu.enqueue_indirect_dma source(%arg14 : memref<125x144xf32, #tpu.memory_space<vmem>>) target(%dma_start3A_308 : memref<10112x144xf32, #tpu.memory_space<vmem_shared>>) offsets(%arg10 : memref<125xi32, #tpu.memory_space<vmem>>) semaphore(%arg23 : memref<!tpu.dma_semaphore, #tpu.memory_space<semaphore_mem>>) {add = true}
      } else {
      }
      %eq3A = arith.constant 79 : i32
      %eq3A_177 = arith.cmpi eq, %add3A_69, %eq3A : i32
      %convert_element_type3A_178 = arith.extui %eq3A_177 : i1 to i32
      %cond3A_179 = arith.constant 0 : i32
      %cond3A_180 = arith.cmpi ne, %convert_element_type3A_178, %cond3A_179 : i32
      scf.if %cond3A_180 {
        "tpu.region"() ({
          %run_scoped3A = tpu.sem_alloc : memref<!tpu.dma_semaphore, #tpu.memory_space<semaphore_mem>>
          %dma_start3A_306 = arith.constant 0 : i32
          %dma_start3A_307 = arith.constant 0 : i32
          %dma_start3A_308 = tpu.memref_slice %arg16[%dma_start3A_306, %dma_start3A_307] : memref<10112x144xf32, #tpu.memory_space<vmem_shared>> -> memref<10112x144xf32, #tpu.memory_space<vmem_shared>>
          tpu.enqueue_indirect_dma source(%arg14 : memref<125x144xf32, #tpu.memory_space<vmem>>) target(%dma_start3A_308 : memref<10112x144xf32, #tpu.memory_space<vmem_shared>>) offsets(%arg10 : memref<125xi32, #tpu.memory_space<vmem>>) semaphore(%run_scoped3A : memref<!tpu.dma_semaphore, #tpu.memory_space<semaphore_mem>>) {add = true}
          %dma_wait3A_309 = arith.constant 0 : i32
          %dma_wait3A_310 = arith.constant 0 : i32
          %dma_wait3A_311 = tpu.memref_slice %arg16[%dma_wait3A_309, %dma_wait3A_310] : memref<10112x144xf32, #tpu.memory_space<vmem_shared>> -> memref<10112x144xf32, #tpu.memory_space<vmem_shared>>
          tpu.wait_indirect_dma semaphore(%run_scoped3A : memref<!tpu.dma_semaphore, #tpu.memory_space<semaphore_mem>>) src(%arg14 : memref<125x144xf32, #tpu.memory_space<vmem>>) dst(%dma_wait3A_311 : memref<10112x144xf32, #tpu.memory_space<vmem_shared>>)
          tpu.yield
        }) : () -> ()
      } else {
      }
      %mul3A_181 = arith.constant 2 : i32
      %mul3A_182 = arith.muli %mul3A_181, %scan3A_64 : i32
      %add3A_183 = arith.constant 1 : i32
      %add3A_184 = arith.addi %mul3A_182, %add3A_183 : i32
      %add3A_185 = arith.constant 1 : i32
      %add3A_186 = arith.addi %add3A_184, %add3A_185 : i32
      %lt3A_187 = arith.constant 80 : i32
      %lt3A_188 = arith.cmpi slt, %add3A_186, %lt3A_187 : i32
      %convert_element_type3A_189 = arith.extui %lt3A_188 : i1 to i32
      %cond3A_190 = arith.constant 0 : i32
      %cond3A_191 = arith.cmpi ne, %convert_element_type3A_189, %cond3A_190 : i32
      scf.if %cond3A_191 {
        %add3A_306 = arith.constant 1 : i32
        %add3A_307 = arith.addi %add3A_184, %add3A_306 : i32
        %dma_wait3A_308 = arith.constant 0 : i32
        %dma_wait3A_309 = tpu.memref_slice %arg3[%add3A, %add3A_307, %dma_wait3A_308] : memref<32x80x125xi32, #tpu.memory_space<hbm>> -> memref<1x1x125xi32, #tpu.memory_space<hbm>>
        %dma_wait3A_310 = tpu.memref_squeeze %dma_wait3A_309 : memref<1x1x125xi32, #tpu.memory_space<hbm>> -> memref<125xi32, #tpu.memory_space<hbm>>
        %dma_wait3A_311 = arith.constant 0 : i32
        %dma_wait3A_312 = tpu.memref_slice %arg3[%add3A, %add3A_307, %dma_wait3A_311] : memref<32x80x125xi32, #tpu.memory_space<hbm>> -> memref<1x1x125xi32, #tpu.memory_space<hbm>>
        %dma_wait3A_313 = tpu.memref_squeeze %dma_wait3A_312 : memref<1x1x125xi32, #tpu.memory_space<hbm>> -> memref<125xi32, #tpu.memory_space<hbm>>
        tpu.wait_dma2 semaphore(%arg17 : memref<!tpu.dma_semaphore, #tpu.memory_space<semaphore_mem>>) src(%dma_wait3A_313 : memref<125xi32, #tpu.memory_space<hbm>>) dst(%arg8 : memref<125xi32, #tpu.memory_space<vmem>>)
        %add3A_314 = arith.constant 1 : i32
        %add3A_315 = arith.addi %add3A_184, %add3A_314 : i32
        %dma_wait3A_316 = arith.constant 0 : i32
        %dma_wait3A_317 = tpu.memref_slice %arg5[%add3A, %add3A_315, %dma_wait3A_316] : memref<32x80x125xf32, #tpu.memory_space<hbm>> -> memref<1x1x125xf32, #tpu.memory_space<hbm>>
        %dma_wait3A_318 = tpu.memref_squeeze %dma_wait3A_317 : memref<1x1x125xf32, #tpu.memory_space<hbm>> -> memref<125xf32, #tpu.memory_space<hbm>>
        %dma_wait3A_319 = arith.constant 0 : i32
        %dma_wait3A_320 = tpu.memref_slice %arg5[%add3A, %add3A_315, %dma_wait3A_319] : memref<32x80x125xf32, #tpu.memory_space<hbm>> -> memref<1x1x125xf32, #tpu.memory_space<hbm>>
        %dma_wait3A_321 = tpu.memref_squeeze %dma_wait3A_320 : memref<1x1x125xf32, #tpu.memory_space<hbm>> -> memref<125xf32, #tpu.memory_space<hbm>>
        tpu.wait_dma2 semaphore(%arg17 : memref<!tpu.dma_semaphore, #tpu.memory_space<semaphore_mem>>) src(%dma_wait3A_321 : memref<125xf32, #tpu.memory_space<hbm>>) dst(%arg12 : memref<125xf32, #tpu.memory_space<vmem>>)
      } else {
      }
      %ge3A_192 = arith.constant 1 : i32
      %ge3A_193 = arith.cmpi sge, %add3A_184, %ge3A_192 : i32
      %convert_element_type3A_194 = arith.extui %ge3A_193 : i1 to i32
      %cond3A_195 = arith.constant 0 : i32
      %cond3A_196 = arith.cmpi ne, %convert_element_type3A_194, %cond3A_195 : i32
      scf.if %cond3A_196 {
        %dma_wait3A_306 = arith.constant 0 : i32
        %dma_wait3A_307 = arith.constant 0 : i32
        %dma_wait3A_308 = tpu.memref_slice %arg16[%dma_wait3A_306, %dma_wait3A_307] : memref<10112x144xf32, #tpu.memory_space<vmem_shared>> -> memref<10112x144xf32, #tpu.memory_space<vmem_shared>>
        tpu.wait_indirect_dma semaphore(%arg23 : memref<!tpu.dma_semaphore, #tpu.memory_space<semaphore_mem>>) src(%arg14 : memref<125x144xf32, #tpu.memory_space<vmem>>) dst(%dma_wait3A_308 : memref<10112x144xf32, #tpu.memory_space<vmem_shared>>)
      } else {
      }
      %add3A_197 = arith.constant 1 : i32
      %add3A_198 = arith.addi %add3A_184, %add3A_197 : i32
      %lt3A_199 = arith.constant 80 : i32
      %lt3A_200 = arith.cmpi slt, %add3A_198, %lt3A_199 : i32
      %convert_element_type3A_201 = arith.extui %lt3A_200 : i1 to i32
      %cond3A_202 = arith.constant 0 : i32
      %cond3A_203 = arith.cmpi ne, %convert_element_type3A_201, %cond3A_202 : i32
      scf.if %cond3A_203 {
        %add3A_306 = arith.constant 1 : i32
        %add3A_307 = arith.addi %add3A_184, %add3A_306 : i32
        %dma_start3A_308 = arith.constant 0 : i32
        %dma_start3A_309 = tpu.memref_slice %arg4[%add3A, %add3A_307, %dma_start3A_308] : memref<32x80x125xi32, #tpu.memory_space<hbm>> -> memref<1x1x125xi32, #tpu.memory_space<hbm>>
        %dma_start3A_310 = tpu.memref_squeeze %dma_start3A_309 : memref<1x1x125xi32, #tpu.memory_space<hbm>> -> memref<125xi32, #tpu.memory_space<hbm>>
        %dma_start3A_311 = arith.constant 0 : i32
        %dma_start3A_312 = tpu.memref_slice %arg4[%add3A, %add3A_307, %dma_start3A_311] : memref<32x80x125xi32, #tpu.memory_space<hbm>> -> memref<1x1x125xi32, #tpu.memory_space<hbm>>
        %dma_start3A_313 = tpu.memref_squeeze %dma_start3A_312 : memref<1x1x125xi32, #tpu.memory_space<hbm>> -> memref<125xi32, #tpu.memory_space<hbm>>
        tpu.enqueue_dma source(%dma_start3A_313 : memref<125xi32, #tpu.memory_space<hbm>>) target(%arg10 : memref<125xi32, #tpu.memory_space<vmem>>) target_semaphore(%arg19 : memref<!tpu.dma_semaphore, #tpu.memory_space<semaphore_mem>>)
        %dma_start3A_314 = arith.constant 0 : i32
        %dma_start3A_315 = arith.constant 0 : i32
        %dma_start3A_316 = tpu.memref_slice %arg2[%dma_start3A_314, %dma_start3A_315] : memref<10000x144xf32, #tpu.memory_space<hbm>> -> memref<10000x144xf32, #tpu.memory_space<hbm>>
        tpu.enqueue_indirect_dma source(%dma_start3A_316 : memref<10000x144xf32, #tpu.memory_space<hbm>>) target(%arg14 : memref<125x144xf32, #tpu.memory_space<vmem>>) offsets(%arg8 : memref<125xi32, #tpu.memory_space<vmem>>) semaphore(%arg21 : memref<!tpu.dma_semaphore, #tpu.memory_space<semaphore_mem>>)
      } else {
      }
      %dma_wait3A_204 = arith.constant 0 : i32
      %dma_wait3A_205 = arith.constant 0 : i32
      %dma_wait3A_206 = tpu.memref_slice %arg2[%dma_wait3A_204, %dma_wait3A_205] : memref<10000x144xf32, #tpu.memory_space<hbm>> -> memref<10000x144xf32, #tpu.memory_space<hbm>>
      tpu.wait_indirect_dma semaphore(%arg22 : memref<!tpu.dma_semaphore, #tpu.memory_space<semaphore_mem>>) src(%dma_wait3A_206 : memref<10000x144xf32, #tpu.memory_space<hbm>>) dst(%arg15 : memref<125x144xf32, #tpu.memory_space<vmem>>)
      %scan3A_207 = arith.constant 0 : i32
      %scan3A_208 = arith.constant 0 : i32
      %scan3A_209 = arith.constant 124 : i32
      %scan3A_210 = arith.addi %scan3A_208, %scan3A_209 : i32
      %scan3A_211 = arith.constant 2 : i32
      %scan3A_212 = scf.for %scan3A_306 = %scan3A_208 to %scan3A_210 step %scan3A_211 iter_args(%scan3A_307 = %scan3A_207) -> (i32)  : i32 {
        %broadcast_in_dim3A_308 = vector.broadcast %scan3A_306 : i32 to vector<16xi32>
        %gather3A_309 = tpu.vector_load_idx %arg13[%broadcast_in_dim3A_308] : memref<125xf32, #tpu.memory_space<vmem>>[vector<16xi32>], vector<16xf32>,
        %get3A_310 = arith.index_cast %scan3A_306 : i32 to index
        %get3A_311 = arith.constant 0 : index
        %get3A_312 = tpu.vector_load %arg15[%get3A_310, %get3A_311] {strides = array<i32>} : memref<125x144xf32, #tpu.memory_space<vmem>>, vector<16xf32>,
        %mul3A_313 = arith.mulf %get3A_312, %gather3A_309 : vector<16xf32>
        %swap3A_314 = arith.index_cast %scan3A_306 : i32 to index
        %swap3A_315 = arith.constant 0 : index
        %swap3A_316 = tpu.vector_load %arg15[%swap3A_314, %swap3A_315] {strides = array<i32>} : memref<125x144xf32, #tpu.memory_space<vmem>>, vector<16xf32>,
        tpu.vector_store %arg15[%swap3A_314, %swap3A_315], %mul3A_313 {strides = array<i32>} : memref<125x144xf32, #tpu.memory_space<vmem>>, vector<16xf32>,
        %get3A_317 = arith.index_cast %scan3A_306 : i32 to index
        %get3A_318 = arith.constant 16 : index
        %get3A_319 = tpu.vector_load %arg15[%get3A_317, %get3A_318] {strides = array<i32>} : memref<125x144xf32, #tpu.memory_space<vmem>>, vector<16xf32>,
        %mul3A_320 = arith.mulf %get3A_319, %gather3A_309 : vector<16xf32>
        %swap3A_321 = arith.index_cast %scan3A_306 : i32 to index
        %swap3A_322 = arith.constant 16 : index
        %swap3A_323 = tpu.vector_load %arg15[%swap3A_321, %swap3A_322] {strides = array<i32>} : memref<125x144xf32, #tpu.memory_space<vmem>>, vector<16xf32>,
        tpu.vector_store %arg15[%swap3A_321, %swap3A_322], %mul3A_320 {strides = array<i32>} : memref<125x144xf32, #tpu.memory_space<vmem>>, vector<16xf32>,
        %get3A_324 = arith.index_cast %scan3A_306 : i32 to index
        %get3A_325 = arith.constant 32 : index
        %get3A_326 = tpu.vector_load %arg15[%get3A_324, %get3A_325] {strides = array<i32>} : memref<125x144xf32, #tpu.memory_space<vmem>>, vector<16xf32>,
        %mul3A_327 = arith.mulf %get3A_326, %gather3A_309 : vector<16xf32>
        %swap3A_328 = arith.index_cast %scan3A_306 : i32 to index
        %swap3A_329 = arith.constant 32 : index
        %swap3A_330 = tpu.vector_load %arg15[%swap3A_328, %swap3A_329] {strides = array<i32>} : memref<125x144xf32, #tpu.memory_space<vmem>>, vector<16xf32>,
        tpu.vector_store %arg15[%swap3A_328, %swap3A_329], %mul3A_327 {strides = array<i32>} : memref<125x144xf32, #tpu.memory_space<vmem>>, vector<16xf32>,
        %get3A_331 = arith.index_cast %scan3A_306 : i32 to index
        %get3A_332 = arith.constant 48 : index
        %get3A_333 = tpu.vector_load %arg15[%get3A_331, %get3A_332] {strides = array<i32>} : memref<125x144xf32, #tpu.memory_space<vmem>>, vector<16xf32>,
        %mul3A_334 = arith.mulf %get3A_333, %gather3A_309 : vector<16xf32>
        %swap3A_335 = arith.index_cast %scan3A_306 : i32 to index
        %swap3A_336 = arith.constant 48 : index
        %swap3A_337 = tpu.vector_load %arg15[%swap3A_335, %swap3A_336] {strides = array<i32>} : memref<125x144xf32, #tpu.memory_space<vmem>>, vector<16xf32>,
        tpu.vector_store %arg15[%swap3A_335, %swap3A_336], %mul3A_334 {strides = array<i32>} : memref<125x144xf32, #tpu.memory_space<vmem>>, vector<16xf32>,
        %get3A_338 = arith.index_cast %scan3A_306 : i32 to index
        %get3A_339 = arith.constant 64 : index
        %get3A_340 = tpu.vector_load %arg15[%get3A_338, %get3A_339] {strides = array<i32>} : memref<125x144xf32, #tpu.memory_space<vmem>>, vector<16xf32>,
        %mul3A_341 = arith.mulf %get3A_340, %gather3A_309 : vector<16xf32>
        %swap3A_342 = arith.index_cast %scan3A_306 : i32 to index
        %swap3A_343 = arith.constant 64 : index
        %swap3A_344 = tpu.vector_load %arg15[%swap3A_342, %swap3A_343] {strides = array<i32>} : memref<125x144xf32, #tpu.memory_space<vmem>>, vector<16xf32>,
        tpu.vector_store %arg15[%swap3A_342, %swap3A_343], %mul3A_341 {strides = array<i32>} : memref<125x144xf32, #tpu.memory_space<vmem>>, vector<16xf32>,
        %get3A_345 = arith.index_cast %scan3A_306 : i32 to index
        %get3A_346 = arith.constant 80 : index
        %get3A_347 = tpu.vector_load %arg15[%get3A_345, %get3A_346] {strides = array<i32>} : memref<125x144xf32, #tpu.memory_space<vmem>>, vector<16xf32>,
        %mul3A_348 = arith.mulf %get3A_347, %gather3A_309 : vector<16xf32>
        %swap3A_349 = arith.index_cast %scan3A_306 : i32 to index
        %swap3A_350 = arith.constant 80 : index
        %swap3A_351 = tpu.vector_load %arg15[%swap3A_349, %swap3A_350] {strides = array<i32>} : memref<125x144xf32, #tpu.memory_space<vmem>>, vector<16xf32>,
        tpu.vector_store %arg15[%swap3A_349, %swap3A_350], %mul3A_348 {strides = array<i32>} : memref<125x144xf32, #tpu.memory_space<vmem>>, vector<16xf32>,
        %get3A_352 = arith.index_cast %scan3A_306 : i32 to index
        %get3A_353 = arith.constant 96 : index
        %get3A_354 = tpu.vector_load %arg15[%get3A_352, %get3A_353] {strides = array<i32>} : memref<125x144xf32, #tpu.memory_space<vmem>>, vector<16xf32>,
        %mul3A_355 = arith.mulf %get3A_354, %gather3A_309 : vector<16xf32>
        %swap3A_356 = arith.index_cast %scan3A_306 : i32 to index
        %swap3A_357 = arith.constant 96 : index
        %swap3A_358 = tpu.vector_load %arg15[%swap3A_356, %swap3A_357] {strides = array<i32>} : memref<125x144xf32, #tpu.memory_space<vmem>>, vector<16xf32>,
        tpu.vector_store %arg15[%swap3A_356, %swap3A_357], %mul3A_355 {strides = array<i32>} : memref<125x144xf32, #tpu.memory_space<vmem>>, vector<16xf32>,
        %get3A_359 = arith.index_cast %scan3A_306 : i32 to index
        %get3A_360 = arith.constant 112 : index
        %get3A_361 = tpu.vector_load %arg15[%get3A_359, %get3A_360] {strides = array<i32>} : memref<125x144xf32, #tpu.memory_space<vmem>>, vector<16xf32>,
        %mul3A_362 = arith.mulf %get3A_361, %gather3A_309 : vector<16xf32>
        %swap3A_363 = arith.index_cast %scan3A_306 : i32 to index
        %swap3A_364 = arith.constant 112 : index
        %swap3A_365 = tpu.vector_load %arg15[%swap3A_363, %swap3A_364] {strides = array<i32>} : memref<125x144xf32, #tpu.memory_space<vmem>>, vector<16xf32>,
        tpu.vector_store %arg15[%swap3A_363, %swap3A_364], %mul3A_362 {strides = array<i32>} : memref<125x144xf32, #tpu.memory_space<vmem>>, vector<16xf32>,
        %get3A_366 = arith.index_cast %scan3A_306 : i32 to index
        %get3A_367 = arith.constant 128 : index
        %get3A_368 = tpu.vector_load %arg15[%get3A_366, %get3A_367] {strides = array<i32>} : memref<125x144xf32, #tpu.memory_space<vmem>>, vector<16xf32>,
        %mul3A_369 = arith.mulf %get3A_368, %gather3A_309 : vector<16xf32>
        %swap3A_370 = arith.index_cast %scan3A_306 : i32 to index
        %swap3A_371 = arith.constant 128 : index
        %swap3A_372 = tpu.vector_load %arg15[%swap3A_370, %swap3A_371] {strides = array<i32>} : memref<125x144xf32, #tpu.memory_space<vmem>>, vector<16xf32>,
        tpu.vector_store %arg15[%swap3A_370, %swap3A_371], %mul3A_369 {strides = array<i32>} : memref<125x144xf32, #tpu.memory_space<vmem>>, vector<16xf32>,
        %scan3A_373 = arith.constant 0 : i32
        %scan3A_374 = arith.constant 1 : i32
        %scan3A_375 = arith.addi %scan3A_306, %scan3A_374 : i32
        %broadcast_in_dim3A_376 = vector.broadcast %scan3A_375 : i32 to vector<16xi32>
        %gather3A_377 = tpu.vector_load_idx %arg13[%broadcast_in_dim3A_376] : memref<125xf32, #tpu.memory_space<vmem>>[vector<16xi32>], vector<16xf32>,
        %get3A_378 = arith.index_cast %scan3A_375 : i32 to index
        %get3A_379 = arith.constant 0 : index
        %get3A_380 = tpu.vector_load %arg15[%get3A_378, %get3A_379] {strides = array<i32>} : memref<125x144xf32, #tpu.memory_space<vmem>>, vector<16xf32>,
        %mul3A_381 = arith.mulf %get3A_380, %gather3A_377 : vector<16xf32>
        %swap3A_382 = arith.index_cast %scan3A_375 : i32 to index
        %swap3A_383 = arith.constant 0 : index
        %swap3A_384 = tpu.vector_load %arg15[%swap3A_382, %swap3A_383] {strides = array<i32>} : memref<125x144xf32, #tpu.memory_space<vmem>>, vector<16xf32>,
        tpu.vector_store %arg15[%swap3A_382, %swap3A_383], %mul3A_381 {strides = array<i32>} : memref<125x144xf32, #tpu.memory_space<vmem>>, vector<16xf32>,
        %get3A_385 = arith.index_cast %scan3A_375 : i32 to index
        %get3A_386 = arith.constant 16 : index
        %get3A_387 = tpu.vector_load %arg15[%get3A_385, %get3A_386] {strides = array<i32>} : memref<125x144xf32, #tpu.memory_space<vmem>>, vector<16xf32>,
        %mul3A_388 = arith.mulf %get3A_387, %gather3A_377 : vector<16xf32>
        %swap3A_389 = arith.index_cast %scan3A_375 : i32 to index
        %swap3A_390 = arith.constant 16 : index
        %swap3A_391 = tpu.vector_load %arg15[%swap3A_389, %swap3A_390] {strides = array<i32>} : memref<125x144xf32, #tpu.memory_space<vmem>>, vector<16xf32>,
        tpu.vector_store %arg15[%swap3A_389, %swap3A_390], %mul3A_388 {strides = array<i32>} : memref<125x144xf32, #tpu.memory_space<vmem>>, vector<16xf32>,
        %get3A_392 = arith.index_cast %scan3A_375 : i32 to index
        %get3A_393 = arith.constant 32 : index
        %get3A_394 = tpu.vector_load %arg15[%get3A_392, %get3A_393] {strides = array<i32>} : memref<125x144xf32, #tpu.memory_space<vmem>>, vector<16xf32>,
        %mul3A_395 = arith.mulf %get3A_394, %gather3A_377 : vector<16xf32>
        %swap3A_396 = arith.index_cast %scan3A_375 : i32 to index
        %swap3A_397 = arith.constant 32 : index
        %swap3A_398 = tpu.vector_load %arg15[%swap3A_396, %swap3A_397] {strides = array<i32>} : memref<125x144xf32, #tpu.memory_space<vmem>>, vector<16xf32>,
        tpu.vector_store %arg15[%swap3A_396, %swap3A_397], %mul3A_395 {strides = array<i32>} : memref<125x144xf32, #tpu.memory_space<vmem>>, vector<16xf32>,
        %get3A_399 = arith.index_cast %scan3A_375 : i32 to index
        %get3A_400 = arith.constant 48 : index
        %get3A_401 = tpu.vector_load %arg15[%get3A_399, %get3A_400] {strides = array<i32>} : memref<125x144xf32, #tpu.memory_space<vmem>>, vector<16xf32>,
        %mul3A_402 = arith.mulf %get3A_401, %gather3A_377 : vector<16xf32>
        %swap3A_403 = arith.index_cast %scan3A_375 : i32 to index
        %swap3A_404 = arith.constant 48 : index
        %swap3A_405 = tpu.vector_load %arg15[%swap3A_403, %swap3A_404] {strides = array<i32>} : memref<125x144xf32, #tpu.memory_space<vmem>>, vector<16xf32>,
        tpu.vector_store %arg15[%swap3A_403, %swap3A_404], %mul3A_402 {strides = array<i32>} : memref<125x144xf32, #tpu.memory_space<vmem>>, vector<16xf32>,
        %get3A_406 = arith.index_cast %scan3A_375 : i32 to index
        %get3A_407 = arith.constant 64 : index
        %get3A_408 = tpu.vector_load %arg15[%get3A_406, %get3A_407] {strides = array<i32>} : memref<125x144xf32, #tpu.memory_space<vmem>>, vector<16xf32>,
        %mul3A_409 = arith.mulf %get3A_408, %gather3A_377 : vector<16xf32>
        %swap3A_410 = arith.index_cast %scan3A_375 : i32 to index
        %swap3A_411 = arith.constant 64 : index
        %swap3A_412 = tpu.vector_load %arg15[%swap3A_410, %swap3A_411] {strides = array<i32>} : memref<125x144xf32, #tpu.memory_space<vmem>>, vector<16xf32>,
        tpu.vector_store %arg15[%swap3A_410, %swap3A_411], %mul3A_409 {strides = array<i32>} : memref<125x144xf32, #tpu.memory_space<vmem>>, vector<16xf32>,
        %get3A_413 = arith.index_cast %scan3A_375 : i32 to index
        %get3A_414 = arith.constant 80 : index
        %get3A_415 = tpu.vector_load %arg15[%get3A_413, %get3A_414] {strides = array<i32>} : memref<125x144xf32, #tpu.memory_space<vmem>>, vector<16xf32>,
        %mul3A_416 = arith.mulf %get3A_415, %gather3A_377 : vector<16xf32>
        %swap3A_417 = arith.index_cast %scan3A_375 : i32 to index
        %swap3A_418 = arith.constant 80 : index
        %swap3A_419 = tpu.vector_load %arg15[%swap3A_417, %swap3A_418] {strides = array<i32>} : memref<125x144xf32, #tpu.memory_space<vmem>>, vector<16xf32>,
        tpu.vector_store %arg15[%swap3A_417, %swap3A_418], %mul3A_416 {strides = array<i32>} : memref<125x144xf32, #tpu.memory_space<vmem>>, vector<16xf32>,
        %get3A_420 = arith.index_cast %scan3A_375 : i32 to index
        %get3A_421 = arith.constant 96 : index
        %get3A_422 = tpu.vector_load %arg15[%get3A_420, %get3A_421] {strides = array<i32>} : memref<125x144xf32, #tpu.memory_space<vmem>>, vector<16xf32>,
        %mul3A_423 = arith.mulf %get3A_422, %gather3A_377 : vector<16xf32>
        %swap3A_424 = arith.index_cast %scan3A_375 : i32 to index
        %swap3A_425 = arith.constant 96 : index
        %swap3A_426 = tpu.vector_load %arg15[%swap3A_424, %swap3A_425] {strides = array<i32>} : memref<125x144xf32, #tpu.memory_space<vmem>>, vector<16xf32>,
        tpu.vector_store %arg15[%swap3A_424, %swap3A_425], %mul3A_423 {strides = array<i32>} : memref<125x144xf32, #tpu.memory_space<vmem>>, vector<16xf32>,
        %get3A_427 = arith.index_cast %scan3A_375 : i32 to index
        %get3A_428 = arith.constant 112 : index
        %get3A_429 = tpu.vector_load %arg15[%get3A_427, %get3A_428] {strides = array<i32>} : memref<125x144xf32, #tpu.memory_space<vmem>>, vector<16xf32>,
        %mul3A_430 = arith.mulf %get3A_429, %gather3A_377 : vector<16xf32>
        %swap3A_431 = arith.index_cast %scan3A_375 : i32 to index
        %swap3A_432 = arith.constant 112 : index
        %swap3A_433 = tpu.vector_load %arg15[%swap3A_431, %swap3A_432] {strides = array<i32>} : memref<125x144xf32, #tpu.memory_space<vmem>>, vector<16xf32>,
        tpu.vector_store %arg15[%swap3A_431, %swap3A_432], %mul3A_430 {strides = array<i32>} : memref<125x144xf32, #tpu.memory_space<vmem>>, vector<16xf32>,
        %get3A_434 = arith.index_cast %scan3A_375 : i32 to index
        %get3A_435 = arith.constant 128 : index
        %get3A_436 = tpu.vector_load %arg15[%get3A_434, %get3A_435] {strides = array<i32>} : memref<125x144xf32, #tpu.memory_space<vmem>>, vector<16xf32>,
        %mul3A_437 = arith.mulf %get3A_436, %gather3A_377 : vector<16xf32>
        %swap3A_438 = arith.index_cast %scan3A_375 : i32 to index
        %swap3A_439 = arith.constant 128 : index
        %swap3A_440 = tpu.vector_load %arg15[%swap3A_438, %swap3A_439] {strides = array<i32>} : memref<125x144xf32, #tpu.memory_space<vmem>>, vector<16xf32>,
        tpu.vector_store %arg15[%swap3A_438, %swap3A_439], %mul3A_437 {strides = array<i32>} : memref<125x144xf32, #tpu.memory_space<vmem>>, vector<16xf32>,
        %scan3A_441 = arith.constant 0 : i32
        scf.yield %scan3A_441 : i32
      }
      %scan3A_213 = arith.constant 124 : i32
      %scan3A_214 = arith.addi %scan3A_208, %scan3A_213 : i32
      %broadcast_in_dim3A_215 = vector.broadcast %scan3A_214 : i32 to vector<16xi32>
      %gather3A_216 = tpu.vector_load_idx %arg13[%broadcast_in_dim3A_215] : memref<125xf32, #tpu.memory_space<vmem>>[vector<16xi32>], vector<16xf32>,
      %get3A_217 = arith.index_cast %scan3A_214 : i32 to index
      %get3A_218 = arith.constant 0 : index
      %get3A_219 = tpu.vector_load %arg15[%get3A_217, %get3A_218] {strides = array<i32>} : memref<125x144xf32, #tpu.memory_space<vmem>>, vector<16xf32>,
      %mul3A_220 = arith.mulf %get3A_219, %gather3A_216 : vector<16xf32>
      %swap3A_221 = arith.index_cast %scan3A_214 : i32 to index
      %swap3A_222 = arith.constant 0 : index
      %swap3A_223 = tpu.vector_load %arg15[%swap3A_221, %swap3A_222] {strides = array<i32>} : memref<125x144xf32, #tpu.memory_space<vmem>>, vector<16xf32>,
      tpu.vector_store %arg15[%swap3A_221, %swap3A_222], %mul3A_220 {strides = array<i32>} : memref<125x144xf32, #tpu.memory_space<vmem>>, vector<16xf32>,
      %get3A_224 = arith.index_cast %scan3A_214 : i32 to index
      %get3A_225 = arith.constant 16 : index
      %get3A_226 = tpu.vector_load %arg15[%get3A_224, %get3A_225] {strides = array<i32>} : memref<125x144xf32, #tpu.memory_space<vmem>>, vector<16xf32>,
      %mul3A_227 = arith.mulf %get3A_226, %gather3A_216 : vector<16xf32>
      %swap3A_228 = arith.index_cast %scan3A_214 : i32 to index
      %swap3A_229 = arith.constant 16 : index
      %swap3A_230 = tpu.vector_load %arg15[%swap3A_228, %swap3A_229] {strides = array<i32>} : memref<125x144xf32, #tpu.memory_space<vmem>>, vector<16xf32>,
      tpu.vector_store %arg15[%swap3A_228, %swap3A_229], %mul3A_227 {strides = array<i32>} : memref<125x144xf32, #tpu.memory_space<vmem>>, vector<16xf32>,
      %get3A_231 = arith.index_cast %scan3A_214 : i32 to index
      %get3A_232 = arith.constant 32 : index
      %get3A_233 = tpu.vector_load %arg15[%get3A_231, %get3A_232] {strides = array<i32>} : memref<125x144xf32, #tpu.memory_space<vmem>>, vector<16xf32>,
      %mul3A_234 = arith.mulf %get3A_233, %gather3A_216 : vector<16xf32>
      %swap3A_235 = arith.index_cast %scan3A_214 : i32 to index
      %swap3A_236 = arith.constant 32 : index
      %swap3A_237 = tpu.vector_load %arg15[%swap3A_235, %swap3A_236] {strides = array<i32>} : memref<125x144xf32, #tpu.memory_space<vmem>>, vector<16xf32>,
      tpu.vector_store %arg15[%swap3A_235, %swap3A_236], %mul3A_234 {strides = array<i32>} : memref<125x144xf32, #tpu.memory_space<vmem>>, vector<16xf32>,
      %get3A_238 = arith.index_cast %scan3A_214 : i32 to index
      %get3A_239 = arith.constant 48 : index
      %get3A_240 = tpu.vector_load %arg15[%get3A_238, %get3A_239] {strides = array<i32>} : memref<125x144xf32, #tpu.memory_space<vmem>>, vector<16xf32>,
      %mul3A_241 = arith.mulf %get3A_240, %gather3A_216 : vector<16xf32>
      %swap3A_242 = arith.index_cast %scan3A_214 : i32 to index
      %swap3A_243 = arith.constant 48 : index
      %swap3A_244 = tpu.vector_load %arg15[%swap3A_242, %swap3A_243] {strides = array<i32>} : memref<125x144xf32, #tpu.memory_space<vmem>>, vector<16xf32>,
      tpu.vector_store %arg15[%swap3A_242, %swap3A_243], %mul3A_241 {strides = array<i32>} : memref<125x144xf32, #tpu.memory_space<vmem>>, vector<16xf32>,
      %get3A_245 = arith.index_cast %scan3A_214 : i32 to index
      %get3A_246 = arith.constant 64 : index
      %get3A_247 = tpu.vector_load %arg15[%get3A_245, %get3A_246] {strides = array<i32>} : memref<125x144xf32, #tpu.memory_space<vmem>>, vector<16xf32>,
      %mul3A_248 = arith.mulf %get3A_247, %gather3A_216 : vector<16xf32>
      %swap3A_249 = arith.index_cast %scan3A_214 : i32 to index
      %swap3A_250 = arith.constant 64 : index
      %swap3A_251 = tpu.vector_load %arg15[%swap3A_249, %swap3A_250] {strides = array<i32>} : memref<125x144xf32, #tpu.memory_space<vmem>>, vector<16xf32>,
      tpu.vector_store %arg15[%swap3A_249, %swap3A_250], %mul3A_248 {strides = array<i32>} : memref<125x144xf32, #tpu.memory_space<vmem>>, vector<16xf32>,
      %get3A_252 = arith.index_cast %scan3A_214 : i32 to index
      %get3A_253 = arith.constant 80 : index
      %get3A_254 = tpu.vector_load %arg15[%get3A_252, %get3A_253] {strides = array<i32>} : memref<125x144xf32, #tpu.memory_space<vmem>>, vector<16xf32>,
      %mul3A_255 = arith.mulf %get3A_254, %gather3A_216 : vector<16xf32>
      %swap3A_256 = arith.index_cast %scan3A_214 : i32 to index
      %swap3A_257 = arith.constant 80 : index
      %swap3A_258 = tpu.vector_load %arg15[%swap3A_256, %swap3A_257] {strides = array<i32>} : memref<125x144xf32, #tpu.memory_space<vmem>>, vector<16xf32>,
      tpu.vector_store %arg15[%swap3A_256, %swap3A_257], %mul3A_255 {strides = array<i32>} : memref<125x144xf32, #tpu.memory_space<vmem>>, vector<16xf32>,
      %get3A_259 = arith.index_cast %scan3A_214 : i32 to index
      %get3A_260 = arith.constant 96 : index
      %get3A_261 = tpu.vector_load %arg15[%get3A_259, %get3A_260] {strides = array<i32>} : memref<125x144xf32, #tpu.memory_space<vmem>>, vector<16xf32>,
      %mul3A_262 = arith.mulf %get3A_261, %gather3A_216 : vector<16xf32>
      %swap3A_263 = arith.index_cast %scan3A_214 : i32 to index
      %swap3A_264 = arith.constant 96 : index
      %swap3A_265 = tpu.vector_load %arg15[%swap3A_263, %swap3A_264] {strides = array<i32>} : memref<125x144xf32, #tpu.memory_space<vmem>>, vector<16xf32>,
      tpu.vector_store %arg15[%swap3A_263, %swap3A_264], %mul3A_262 {strides = array<i32>} : memref<125x144xf32, #tpu.memory_space<vmem>>, vector<16xf32>,
      %get3A_266 = arith.index_cast %scan3A_214 : i32 to index
      %get3A_267 = arith.constant 112 : index
      %get3A_268 = tpu.vector_load %arg15[%get3A_266, %get3A_267] {strides = array<i32>} : memref<125x144xf32, #tpu.memory_space<vmem>>, vector<16xf32>,
      %mul3A_269 = arith.mulf %get3A_268, %gather3A_216 : vector<16xf32>
      %swap3A_270 = arith.index_cast %scan3A_214 : i32 to index
      %swap3A_271 = arith.constant 112 : index
      %swap3A_272 = tpu.vector_load %arg15[%swap3A_270, %swap3A_271] {strides = array<i32>} : memref<125x144xf32, #tpu.memory_space<vmem>>, vector<16xf32>,
      tpu.vector_store %arg15[%swap3A_270, %swap3A_271], %mul3A_269 {strides = array<i32>} : memref<125x144xf32, #tpu.memory_space<vmem>>, vector<16xf32>,
      %get3A_273 = arith.index_cast %scan3A_214 : i32 to index
      %get3A_274 = arith.constant 128 : index
      %get3A_275 = tpu.vector_load %arg15[%get3A_273, %get3A_274] {strides = array<i32>} : memref<125x144xf32, #tpu.memory_space<vmem>>, vector<16xf32>,
      %mul3A_276 = arith.mulf %get3A_275, %gather3A_216 : vector<16xf32>
      %swap3A_277 = arith.index_cast %scan3A_214 : i32 to index
      %swap3A_278 = arith.constant 128 : index
      %swap3A_279 = tpu.vector_load %arg15[%swap3A_277, %swap3A_278] {strides = array<i32>} : memref<125x144xf32, #tpu.memory_space<vmem>>, vector<16xf32>,
      tpu.vector_store %arg15[%swap3A_277, %swap3A_278], %mul3A_276 {strides = array<i32>} : memref<125x144xf32, #tpu.memory_space<vmem>>, vector<16xf32>,
      %scan3A_280 = arith.constant 0 : i32
      %scan3A_281 = arith.constant 125 : i32
      %add3A_282 = arith.constant 2 : i32
      %add3A_283 = arith.addi %add3A_184, %add3A_282 : i32
      %lt3A_284 = arith.constant 80 : i32
      %lt3A_285 = arith.cmpi slt, %add3A_283, %lt3A_284 : i32
      %convert_element_type3A_286 = arith.extui %lt3A_285 : i1 to i32
      %cond3A_287 = arith.constant 0 : i32
      %cond3A_288 = arith.cmpi ne, %convert_element_type3A_286, %cond3A_287 : i32
      scf.if %cond3A_288 {
        %add3A_306 = arith.constant 2 : i32
        %add3A_307 = arith.addi %add3A_184, %add3A_306 : i32
        %dma_start3A_308 = arith.constant 0 : i32
        %dma_start3A_309 = tpu.memref_slice %arg3[%add3A, %add3A_307, %dma_start3A_308] : memref<32x80x125xi32, #tpu.memory_space<hbm>> -> memref<1x1x125xi32, #tpu.memory_space<hbm>>
        %dma_start3A_310 = tpu.memref_squeeze %dma_start3A_309 : memref<1x1x125xi32, #tpu.memory_space<hbm>> -> memref<125xi32, #tpu.memory_space<hbm>>
        %dma_start3A_311 = arith.constant 0 : i32
        %dma_start3A_312 = tpu.memref_slice %arg3[%add3A, %add3A_307, %dma_start3A_311] : memref<32x80x125xi32, #tpu.memory_space<hbm>> -> memref<1x1x125xi32, #tpu.memory_space<hbm>>
        %dma_start3A_313 = tpu.memref_squeeze %dma_start3A_312 : memref<1x1x125xi32, #tpu.memory_space<hbm>> -> memref<125xi32, #tpu.memory_space<hbm>>
        tpu.enqueue_dma source(%dma_start3A_313 : memref<125xi32, #tpu.memory_space<hbm>>) target(%arg9 : memref<125xi32, #tpu.memory_space<vmem>>) target_semaphore(%arg18 : memref<!tpu.dma_semaphore, #tpu.memory_space<semaphore_mem>>)
        %add3A_314 = arith.constant 2 : i32
        %add3A_315 = arith.addi %add3A_184, %add3A_314 : i32
        %dma_start3A_316 = arith.constant 0 : i32
        %dma_start3A_317 = tpu.memref_slice %arg5[%add3A, %add3A_315, %dma_start3A_316] : memref<32x80x125xf32, #tpu.memory_space<hbm>> -> memref<1x1x125xf32, #tpu.memory_space<hbm>>
        %dma_start3A_318 = tpu.memref_squeeze %dma_start3A_317 : memref<1x1x125xf32, #tpu.memory_space<hbm>> -> memref<125xf32, #tpu.memory_space<hbm>>
        %dma_start3A_319 = arith.constant 0 : i32
        %dma_start3A_320 = tpu.memref_slice %arg5[%add3A, %add3A_315, %dma_start3A_319] : memref<32x80x125xf32, #tpu.memory_space<hbm>> -> memref<1x1x125xf32, #tpu.memory_space<hbm>>
        %dma_start3A_321 = tpu.memref_squeeze %dma_start3A_320 : memref<1x1x125xf32, #tpu.memory_space<hbm>> -> memref<125xf32, #tpu.memory_space<hbm>>
        tpu.enqueue_dma source(%dma_start3A_321 : memref<125xf32, #tpu.memory_space<hbm>>) target(%arg13 : memref<125xf32, #tpu.memory_space<vmem>>) target_semaphore(%arg18 : memref<!tpu.dma_semaphore, #tpu.memory_space<semaphore_mem>>)
      } else {
      }
      %dma_wait3A_289 = arith.constant 0 : i32
      %dma_wait3A_290 = tpu.memref_slice %arg4[%add3A, %add3A_184, %dma_wait3A_289] : memref<32x80x125xi32, #tpu.memory_space<hbm>> -> memref<1x1x125xi32, #tpu.memory_space<hbm>>
      %dma_wait3A_291 = tpu.memref_squeeze %dma_wait3A_290 : memref<1x1x125xi32, #tpu.memory_space<hbm>> -> memref<125xi32, #tpu.memory_space<hbm>>
      %dma_wait3A_292 = arith.constant 0 : i32
      %dma_wait3A_293 = tpu.memref_slice %arg4[%add3A, %add3A_184, %dma_wait3A_292] : memref<32x80x125xi32, #tpu.memory_space<hbm>> -> memref<1x1x125xi32, #tpu.memory_space<hbm>>
      %dma_wait3A_294 = tpu.memref_squeeze %dma_wait3A_293 : memref<1x1x125xi32, #tpu.memory_space<hbm>> -> memref<125xi32, #tpu.memory_space<hbm>>
      tpu.wait_dma2 semaphore(%arg20 : memref<!tpu.dma_semaphore, #tpu.memory_space<semaphore_mem>>) src(%dma_wait3A_294 : memref<125xi32, #tpu.memory_space<hbm>>) dst(%arg11 : memref<125xi32, #tpu.memory_space<vmem>>)
      %lt3A_295 = arith.constant 79 : i32
      %lt3A_296 = arith.cmpi slt, %add3A_184, %lt3A_295 : i32
      %convert_element_type3A_297 = arith.extui %lt3A_296 : i1 to i32
      %cond3A_298 = arith.constant 0 : i32
      %cond3A_299 = arith.cmpi ne, %convert_element_type3A_297, %cond3A_298 : i32
      scf.if %cond3A_299 {
        %dma_start3A_306 = arith.constant 0 : i32
        %dma_start3A_307 = arith.constant 0 : i32
        %dma_start3A_308 = tpu.memref_slice %arg16[%dma_start3A_306, %dma_start3A_307] : memref<10112x144xf32, #tpu.memory_space<vmem_shared>> -> memref<10112x144xf32, #tpu.memory_space<vmem_shared>>
        tpu.enqueue_indirect_dma source(%arg15 : memref<125x144xf32, #tpu.memory_space<vmem>>) target(%dma_start3A_308 : memref<10112x144xf32, #tpu.memory_space<vmem_shared>>) offsets(%arg11 : memref<125xi32, #tpu.memory_space<vmem>>) semaphore(%arg24 : memref<!tpu.dma_semaphore, #tpu.memory_space<semaphore_mem>>) {add = true}
      } else {
      }
      %eq3A_300 = arith.constant 79 : i32
      %eq3A_301 = arith.cmpi eq, %add3A_184, %eq3A_300 : i32
      %convert_element_type3A_302 = arith.extui %eq3A_301 : i1 to i32
      %cond3A_303 = arith.constant 0 : i32
      %cond3A_304 = arith.cmpi ne, %convert_element_type3A_302, %cond3A_303 : i32
      scf.if %cond3A_304 {
        "tpu.region"() ({
          %run_scoped3A = tpu.sem_alloc : memref<!tpu.dma_semaphore, #tpu.memory_space<semaphore_mem>>
          %dma_start3A_306 = arith.constant 0 : i32
          %dma_start3A_307 = arith.constant 0 : i32
          %dma_start3A_308 = tpu.memref_slice %arg16[%dma_start3A_306, %dma_start3A_307] : memref<10112x144xf32, #tpu.memory_space<vmem_shared>> -> memref<10112x144xf32, #tpu.memory_space<vmem_shared>>
          tpu.enqueue_indirect_dma source(%arg15 : memref<125x144xf32, #tpu.memory_space<vmem>>) target(%dma_start3A_308 : memref<10112x144xf32, #tpu.memory_space<vmem_shared>>) offsets(%arg11 : memref<125xi32, #tpu.memory_space<vmem>>) semaphore(%run_scoped3A : memref<!tpu.dma_semaphore, #tpu.memory_space<semaphore_mem>>) {add = true}
          %dma_wait3A_309 = arith.constant 0 : i32
          %dma_wait3A_310 = arith.constant 0 : i32
          %dma_wait3A_311 = tpu.memref_slice %arg16[%dma_wait3A_309, %dma_wait3A_310] : memref<10112x144xf32, #tpu.memory_space<vmem_shared>> -> memref<10112x144xf32, #tpu.memory_space<vmem_shared>>
          tpu.wait_indirect_dma semaphore(%run_scoped3A : memref<!tpu.dma_semaphore, #tpu.memory_space<semaphore_mem>>) src(%arg15 : memref<125x144xf32, #tpu.memory_space<vmem>>) dst(%dma_wait3A_311 : memref<10112x144xf32, #tpu.memory_space<vmem_shared>>)
          tpu.yield
        }) : () -> ()
      } else {
      }
      %scan3A_305 = arith.constant 0 : i32
      scf.yield %scan3A_305 : i32
    }
    %scan3A_58 = arith.constant 40 : i32
    %barrier3A_59 = arith.constant 0 : index
    tpu.barrier barrier_id(%barrier3A_59)
    %mul3A_60 = arith.constant 632 : i32
    %mul3A_61 = arith.muli %arg1, %mul3A_60 : i32
    %mul3A_62 = arith.constant 632 : i32
    %mul3A_63 = arith.muli %arg1, %mul3A_62 : i32
    "tpu.region"() ({
      %run_scoped3A = tpu.sem_alloc : memref<!tpu.dma_semaphore, #tpu.memory_space<semaphore_mem>>
      %dma_start3A_64 = arith.constant 0 : i32
      %dma_start3A_65 = tpu.memref_slice %arg7[%arg0, %mul3A_63, %dma_start3A_64] : memref<2x10112x144xf32, #tpu.memory_space<hbm>> -> memref<1x632x144xf32, #tpu.memory_space<hbm>>
      %dma_start3A_66 = tpu.memref_squeeze %dma_start3A_65 : memref<1x632x144xf32, #tpu.memory_space<hbm>> -> memref<632x144xf32, #tpu.memory_space<hbm>>
      %dma_start3A_67 = arith.constant 0 : i32
      %dma_start3A_68 = tpu.memref_slice %arg16[%mul3A_61, %dma_start3A_67] : memref<10112x144xf32, #tpu.memory_space<vmem_shared>> -> memref<632x144xf32, #tpu.memory_space<vmem_shared>>
      tpu.enqueue_dma source(%dma_start3A_68 : memref<632x144xf32, #tpu.memory_space<vmem_shared>>) target(%dma_start3A_66 : memref<632x144xf32, #tpu.memory_space<hbm>>) target_semaphore(%run_scoped3A : memref<!tpu.dma_semaphore, #tpu.memory_space<semaphore_mem>>)
      %dma_wait3A_69 = arith.constant 0 : i32
      %dma_wait3A_70 = tpu.memref_slice %arg7[%arg0, %mul3A_63, %dma_wait3A_69] : memref<2x10112x144xf32, #tpu.memory_space<hbm>> -> memref<1x632x144xf32, #tpu.memory_space<hbm>>
      %dma_wait3A_71 = tpu.memref_squeeze %dma_wait3A_70 : memref<1x632x144xf32, #tpu.memory_space<hbm>> -> memref<632x144xf32, #tpu.memory_space<hbm>>
      %dma_wait3A_72 = arith.constant 0 : i32
      %dma_wait3A_73 = tpu.memref_slice %arg16[%mul3A_61, %dma_wait3A_72] : memref<10112x144xf32, #tpu.memory_space<vmem_shared>> -> memref<632x144xf32, #tpu.memory_space<vmem_shared>>
      tpu.wait_dma2 semaphore(%run_scoped3A : memref<!tpu.dma_semaphore, #tpu.memory_space<semaphore_mem>>) src(%dma_wait3A_73 : memref<632x144xf32, #tpu.memory_space<vmem_shared>>) dst(%dma_wait3A_71 : memref<632x144xf32, #tpu.memory_space<hbm>>)
      tpu.yield
    }) : () -> ()
    return
  }
}

#map = affine_map<(d0, d1) -> (0, 0)>
#map1 = affine_map<(d0, d1) -> (0, 0, 0)>
module attributes {stable_mosaic.version = 14 : i64} {
  func.func @body(%arg0: i32, %arg1: i32, %arg2: memref<10000x16xf32, #tpu.memory_space<hbm>>, %arg3: memref<32x80x125xi32, #tpu.memory_space<hbm>>, %arg4: memref<32x80x125xi32, #tpu.memory_space<hbm>>, %arg5: memref<32x80x125xf32, #tpu.memory_space<hbm>>, %arg6: memref<632x16xf32, #tpu.memory_space<hbm>>, %arg7: memref<2x10112x16xf32, #tpu.memory_space<hbm>>, %arg8: memref<125xi32, #tpu.memory_space<vmem>>, %arg9: memref<125xi32, #tpu.memory_space<vmem>>, %arg10: memref<125xi32, #tpu.memory_space<vmem>>, %arg11: memref<125xi32, #tpu.memory_space<vmem>>, %arg12: memref<125xf32, #tpu.memory_space<vmem>>, %arg13: memref<125xf32, #tpu.memory_space<vmem>>, %arg14: memref<125x16xf32, #tpu.memory_space<vmem>>, %arg15: memref<125x16xf32, #tpu.memory_space<vmem>>, %arg16: memref<10112x16xf32, #tpu.memory_space<vmem_shared>>, %arg17: memref<!tpu.dma_semaphore, #tpu.memory_space<semaphore_mem>>, %arg18: memref<!tpu.dma_semaphore, #tpu.memory_space<semaphore_mem>>, %arg19: memref<!tpu.dma_semaphore, #tpu.memory_space<semaphore_mem>>, %arg20: memref<!tpu.dma_semaphore, #tpu.memory_space<semaphore_mem>>, %arg21: memref<!tpu.dma_semaphore, #tpu.memory_space<semaphore_mem>>, %arg22: memref<!tpu.dma_semaphore, #tpu.memory_space<semaphore_mem>>, %arg23: memref<!tpu.dma_semaphore, #tpu.memory_space<semaphore_mem>>, %arg24: memref<!tpu.dma_semaphore, #tpu.memory_space<semaphore_mem>>) attributes {dimension_semantics = [#tpu.dimension_semantics<core_parallel>, #tpu.dimension_semantics<subcore_parallel>], iteration_bounds = array<i64: 2, 16>, scalar_prefetch = 0 : i64, scratch_operands = 17 : i64, tpu.core_type = #tpu.core_type<sc_vector_subcore>, window_params = [{transform_indices = #map}, {transform_indices = #map1}, {transform_indices = #map1}, {transform_indices = #map1}, {transform_indices = #map}, {transform_indices = #map1}]} {
    %mul3A = arith.constant 2 : i32
    %mul3A_0 = arith.muli %arg1, %mul3A : i32
    %add3A = arith.addi %mul3A_0, %arg0 : i32
    %mul3A_1 = arith.constant 632 : i32
    %mul3A_2 = arith.muli %arg1, %mul3A_1 : i32
    "tpu.region"() ({
      %run_scoped3A = tpu.sem_alloc : memref<!tpu.dma_semaphore, #tpu.memory_space<semaphore_mem>>
      %dma_start3A_64 = arith.constant 0 : i32
      %dma_start3A_65 = tpu.memref_slice %arg16[%mul3A_2, %dma_start3A_64] : memref<10112x16xf32, #tpu.memory_space<vmem_shared>> -> memref<632x16xf32, #tpu.memory_space<vmem_shared>>
      tpu.enqueue_dma source(%arg6 : memref<632x16xf32, #tpu.memory_space<hbm>>) target(%dma_start3A_65 : memref<632x16xf32, #tpu.memory_space<vmem_shared>>) target_semaphore(%run_scoped3A : memref<!tpu.dma_semaphore, #tpu.memory_space<semaphore_mem>>)
      %dma_wait3A_66 = arith.constant 0 : i32
      %dma_wait3A_67 = tpu.memref_slice %arg16[%mul3A_2, %dma_wait3A_66] : memref<10112x16xf32, #tpu.memory_space<vmem_shared>> -> memref<632x16xf32, #tpu.memory_space<vmem_shared>>
      tpu.wait_dma2 semaphore(%run_scoped3A : memref<!tpu.dma_semaphore, #tpu.memory_space<semaphore_mem>>) src(%arg6 : memref<632x16xf32, #tpu.memory_space<hbm>>) dst(%dma_wait3A_67 : memref<632x16xf32, #tpu.memory_space<vmem_shared>>)
      tpu.yield
    }) : () -> ()
    %barrier3A = arith.constant 0 : index
    tpu.barrier barrier_id(%barrier3A)
    %dma_start3A = arith.constant 0 : i32
    %dma_start3A_3 = arith.constant 0 : i32
    %dma_start3A_4 = tpu.memref_slice %arg3[%add3A, %dma_start3A, %dma_start3A_3] : memref<32x80x125xi32, #tpu.memory_space<hbm>> -> memref<1x1x125xi32, #tpu.memory_space<hbm>>
    %dma_start3A_5 = tpu.memref_squeeze %dma_start3A_4 : memref<1x1x125xi32, #tpu.memory_space<hbm>> -> memref<125xi32, #tpu.memory_space<hbm>>
    %dma_start3A_6 = arith.constant 0 : i32
    %dma_start3A_7 = tpu.memref_slice %arg3[%add3A, %dma_start3A, %dma_start3A_6] : memref<32x80x125xi32, #tpu.memory_space<hbm>> -> memref<1x1x125xi32, #tpu.memory_space<hbm>>
    %dma_start3A_8 = tpu.memref_squeeze %dma_start3A_7 : memref<1x1x125xi32, #tpu.memory_space<hbm>> -> memref<125xi32, #tpu.memory_space<hbm>>
    tpu.enqueue_dma source(%dma_start3A_8 : memref<125xi32, #tpu.memory_space<hbm>>) target(%arg8 : memref<125xi32, #tpu.memory_space<vmem>>) target_semaphore(%arg17 : memref<!tpu.dma_semaphore, #tpu.memory_space<semaphore_mem>>)
    %dma_start3A_9 = arith.constant 0 : i32
    %dma_start3A_10 = arith.constant 0 : i32
    %dma_start3A_11 = tpu.memref_slice %arg5[%add3A, %dma_start3A_9, %dma_start3A_10] : memref<32x80x125xf32, #tpu.memory_space<hbm>> -> memref<1x1x125xf32, #tpu.memory_space<hbm>>
    %dma_start3A_12 = tpu.memref_squeeze %dma_start3A_11 : memref<1x1x125xf32, #tpu.memory_space<hbm>> -> memref<125xf32, #tpu.memory_space<hbm>>
    %dma_start3A_13 = arith.constant 0 : i32
    %dma_start3A_14 = tpu.memref_slice %arg5[%add3A, %dma_start3A_9, %dma_start3A_13] : memref<32x80x125xf32, #tpu.memory_space<hbm>> -> memref<1x1x125xf32, #tpu.memory_space<hbm>>
    %dma_start3A_15 = tpu.memref_squeeze %dma_start3A_14 : memref<1x1x125xf32, #tpu.memory_space<hbm>> -> memref<125xf32, #tpu.memory_space<hbm>>
    tpu.enqueue_dma source(%dma_start3A_15 : memref<125xf32, #tpu.memory_space<hbm>>) target(%arg12 : memref<125xf32, #tpu.memory_space<vmem>>) target_semaphore(%arg17 : memref<!tpu.dma_semaphore, #tpu.memory_space<semaphore_mem>>)
    %dma_start3A_16 = arith.constant 1 : i32
    %dma_start3A_17 = arith.constant 0 : i32
    %dma_start3A_18 = tpu.memref_slice %arg3[%add3A, %dma_start3A_16, %dma_start3A_17] : memref<32x80x125xi32, #tpu.memory_space<hbm>> -> memref<1x1x125xi32, #tpu.memory_space<hbm>>
    %dma_start3A_19 = tpu.memref_squeeze %dma_start3A_18 : memref<1x1x125xi32, #tpu.memory_space<hbm>> -> memref<125xi32, #tpu.memory_space<hbm>>
    %dma_start3A_20 = arith.constant 0 : i32
    %dma_start3A_21 = tpu.memref_slice %arg3[%add3A, %dma_start3A_16, %dma_start3A_20] : memref<32x80x125xi32, #tpu.memory_space<hbm>> -> memref<1x1x125xi32, #tpu.memory_space<hbm>>
    %dma_start3A_22 = tpu.memref_squeeze %dma_start3A_21 : memref<1x1x125xi32, #tpu.memory_space<hbm>> -> memref<125xi32, #tpu.memory_space<hbm>>
    tpu.enqueue_dma source(%dma_start3A_22 : memref<125xi32, #tpu.memory_space<hbm>>) target(%arg9 : memref<125xi32, #tpu.memory_space<vmem>>) target_semaphore(%arg18 : memref<!tpu.dma_semaphore, #tpu.memory_space<semaphore_mem>>)
    %dma_start3A_23 = arith.constant 1 : i32
    %dma_start3A_24 = arith.constant 0 : i32
    %dma_start3A_25 = tpu.memref_slice %arg5[%add3A, %dma_start3A_23, %dma_start3A_24] : memref<32x80x125xf32, #tpu.memory_space<hbm>> -> memref<1x1x125xf32, #tpu.memory_space<hbm>>
    %dma_start3A_26 = tpu.memref_squeeze %dma_start3A_25 : memref<1x1x125xf32, #tpu.memory_space<hbm>> -> memref<125xf32, #tpu.memory_space<hbm>>
    %dma_start3A_27 = arith.constant 0 : i32
    %dma_start3A_28 = tpu.memref_slice %arg5[%add3A, %dma_start3A_23, %dma_start3A_27] : memref<32x80x125xf32, #tpu.memory_space<hbm>> -> memref<1x1x125xf32, #tpu.memory_space<hbm>>
    %dma_start3A_29 = tpu.memref_squeeze %dma_start3A_28 : memref<1x1x125xf32, #tpu.memory_space<hbm>> -> memref<125xf32, #tpu.memory_space<hbm>>
    tpu.enqueue_dma source(%dma_start3A_29 : memref<125xf32, #tpu.memory_space<hbm>>) target(%arg13 : memref<125xf32, #tpu.memory_space<vmem>>) target_semaphore(%arg18 : memref<!tpu.dma_semaphore, #tpu.memory_space<semaphore_mem>>)
    %dma_start3A_30 = arith.constant 0 : i32
    %dma_start3A_31 = arith.constant 0 : i32
    %dma_start3A_32 = tpu.memref_slice %arg4[%add3A, %dma_start3A_30, %dma_start3A_31] : memref<32x80x125xi32, #tpu.memory_space<hbm>> -> memref<1x1x125xi32, #tpu.memory_space<hbm>>
    %dma_start3A_33 = tpu.memref_squeeze %dma_start3A_32 : memref<1x1x125xi32, #tpu.memory_space<hbm>> -> memref<125xi32, #tpu.memory_space<hbm>>
    %dma_start3A_34 = arith.constant 0 : i32
    %dma_start3A_35 = tpu.memref_slice %arg4[%add3A, %dma_start3A_30, %dma_start3A_34] : memref<32x80x125xi32, #tpu.memory_space<hbm>> -> memref<1x1x125xi32, #tpu.memory_space<hbm>>
    %dma_start3A_36 = tpu.memref_squeeze %dma_start3A_35 : memref<1x1x125xi32, #tpu.memory_space<hbm>> -> memref<125xi32, #tpu.memory_space<hbm>>
    tpu.enqueue_dma source(%dma_start3A_36 : memref<125xi32, #tpu.memory_space<hbm>>) target(%arg10 : memref<125xi32, #tpu.memory_space<vmem>>) target_semaphore(%arg19 : memref<!tpu.dma_semaphore, #tpu.memory_space<semaphore_mem>>)
    %dma_wait3A = arith.constant 0 : i32
    %dma_wait3A_37 = arith.constant 0 : i32
    %dma_wait3A_38 = tpu.memref_slice %arg3[%add3A, %dma_wait3A, %dma_wait3A_37] : memref<32x80x125xi32, #tpu.memory_space<hbm>> -> memref<1x1x125xi32, #tpu.memory_space<hbm>>
    %dma_wait3A_39 = tpu.memref_squeeze %dma_wait3A_38 : memref<1x1x125xi32, #tpu.memory_space<hbm>> -> memref<125xi32, #tpu.memory_space<hbm>>
    %dma_wait3A_40 = arith.constant 0 : i32
    %dma_wait3A_41 = tpu.memref_slice %arg3[%add3A, %dma_wait3A, %dma_wait3A_40] : memref<32x80x125xi32, #tpu.memory_space<hbm>> -> memref<1x1x125xi32, #tpu.memory_space<hbm>>
    %dma_wait3A_42 = tpu.memref_squeeze %dma_wait3A_41 : memref<1x1x125xi32, #tpu.memory_space<hbm>> -> memref<125xi32, #tpu.memory_space<hbm>>
    tpu.wait_dma2 semaphore(%arg17 : memref<!tpu.dma_semaphore, #tpu.memory_space<semaphore_mem>>) src(%dma_wait3A_42 : memref<125xi32, #tpu.memory_space<hbm>>) dst(%arg8 : memref<125xi32, #tpu.memory_space<vmem>>)
    %dma_wait3A_43 = arith.constant 0 : i32
    %dma_wait3A_44 = arith.constant 0 : i32
    %dma_wait3A_45 = tpu.memref_slice %arg5[%add3A, %dma_wait3A_43, %dma_wait3A_44] : memref<32x80x125xf32, #tpu.memory_space<hbm>> -> memref<1x1x125xf32, #tpu.memory_space<hbm>>
    %dma_wait3A_46 = tpu.memref_squeeze %dma_wait3A_45 : memref<1x1x125xf32, #tpu.memory_space<hbm>> -> memref<125xf32, #tpu.memory_space<hbm>>
    %dma_wait3A_47 = arith.constant 0 : i32
    %dma_wait3A_48 = tpu.memref_slice %arg5[%add3A, %dma_wait3A_43, %dma_wait3A_47] : memref<32x80x125xf32, #tpu.memory_space<hbm>> -> memref<1x1x125xf32, #tpu.memory_space<hbm>>
    %dma_wait3A_49 = tpu.memref_squeeze %dma_wait3A_48 : memref<1x1x125xf32, #tpu.memory_space<hbm>> -> memref<125xf32, #tpu.memory_space<hbm>>
    tpu.wait_dma2 semaphore(%arg17 : memref<!tpu.dma_semaphore, #tpu.memory_space<semaphore_mem>>) src(%dma_wait3A_49 : memref<125xf32, #tpu.memory_space<hbm>>) dst(%arg12 : memref<125xf32, #tpu.memory_space<vmem>>)
    %dma_start3A_50 = arith.constant 0 : i32
    %dma_start3A_51 = arith.constant 0 : i32
    %dma_start3A_52 = tpu.memref_slice %arg2[%dma_start3A_50, %dma_start3A_51] : memref<10000x16xf32, #tpu.memory_space<hbm>> -> memref<10000x16xf32, #tpu.memory_space<hbm>>
    tpu.enqueue_indirect_dma source(%dma_start3A_52 : memref<10000x16xf32, #tpu.memory_space<hbm>>) target(%arg14 : memref<125x16xf32, #tpu.memory_space<vmem>>) offsets(%arg8 : memref<125xi32, #tpu.memory_space<vmem>>) semaphore(%arg21 : memref<!tpu.dma_semaphore, #tpu.memory_space<semaphore_mem>>)
    %scan3A = arith.constant 0 : i32
    %scan3A_53 = arith.constant 0 : i32
    %scan3A_54 = arith.constant 40 : i32
    %scan3A_55 = arith.addi %scan3A_53, %scan3A_54 : i32
    %scan3A_56 = arith.constant 1 : i32
    %scan3A_57 = scf.for %scan3A_64 = %scan3A_53 to %scan3A_55 step %scan3A_56 iter_args(%scan3A_65 = %scan3A) -> (i32)  : i32 {
      %mul3A_66 = arith.constant 2 : i32
      %mul3A_67 = arith.muli %mul3A_66, %scan3A_64 : i32
      %add3A_68 = arith.constant 0 : i32
      %add3A_69 = arith.addi %mul3A_67, %add3A_68 : i32
      %add3A_70 = arith.constant 1 : i32
      %add3A_71 = arith.addi %add3A_69, %add3A_70 : i32
      %lt3A = arith.constant 80 : i32
      %lt3A_72 = arith.cmpi slt, %add3A_71, %lt3A : i32
      %convert_element_type3A = arith.extui %lt3A_72 : i1 to i32
      %cond3A = arith.constant 0 : i32
      %cond3A_73 = arith.cmpi ne, %convert_element_type3A, %cond3A : i32
      scf.if %cond3A_73 {
        %add3A_290 = arith.constant 1 : i32
        %add3A_291 = arith.addi %add3A_69, %add3A_290 : i32
        %dma_wait3A_292 = arith.constant 0 : i32
        %dma_wait3A_293 = tpu.memref_slice %arg3[%add3A, %add3A_291, %dma_wait3A_292] : memref<32x80x125xi32, #tpu.memory_space<hbm>> -> memref<1x1x125xi32, #tpu.memory_space<hbm>>
        %dma_wait3A_294 = tpu.memref_squeeze %dma_wait3A_293 : memref<1x1x125xi32, #tpu.memory_space<hbm>> -> memref<125xi32, #tpu.memory_space<hbm>>
        %dma_wait3A_295 = arith.constant 0 : i32
        %dma_wait3A_296 = tpu.memref_slice %arg3[%add3A, %add3A_291, %dma_wait3A_295] : memref<32x80x125xi32, #tpu.memory_space<hbm>> -> memref<1x1x125xi32, #tpu.memory_space<hbm>>
        %dma_wait3A_297 = tpu.memref_squeeze %dma_wait3A_296 : memref<1x1x125xi32, #tpu.memory_space<hbm>> -> memref<125xi32, #tpu.memory_space<hbm>>
        tpu.wait_dma2 semaphore(%arg18 : memref<!tpu.dma_semaphore, #tpu.memory_space<semaphore_mem>>) src(%dma_wait3A_297 : memref<125xi32, #tpu.memory_space<hbm>>) dst(%arg9 : memref<125xi32, #tpu.memory_space<vmem>>)
        %add3A_298 = arith.constant 1 : i32
        %add3A_299 = arith.addi %add3A_69, %add3A_298 : i32
        %dma_wait3A_300 = arith.constant 0 : i32
        %dma_wait3A_301 = tpu.memref_slice %arg5[%add3A, %add3A_299, %dma_wait3A_300] : memref<32x80x125xf32, #tpu.memory_space<hbm>> -> memref<1x1x125xf32, #tpu.memory_space<hbm>>
        %dma_wait3A_302 = tpu.memref_squeeze %dma_wait3A_301 : memref<1x1x125xf32, #tpu.memory_space<hbm>> -> memref<125xf32, #tpu.memory_space<hbm>>
        %dma_wait3A_303 = arith.constant 0 : i32
        %dma_wait3A_304 = tpu.memref_slice %arg5[%add3A, %add3A_299, %dma_wait3A_303] : memref<32x80x125xf32, #tpu.memory_space<hbm>> -> memref<1x1x125xf32, #tpu.memory_space<hbm>>
        %dma_wait3A_305 = tpu.memref_squeeze %dma_wait3A_304 : memref<1x1x125xf32, #tpu.memory_space<hbm>> -> memref<125xf32, #tpu.memory_space<hbm>>
        tpu.wait_dma2 semaphore(%arg18 : memref<!tpu.dma_semaphore, #tpu.memory_space<semaphore_mem>>) src(%dma_wait3A_305 : memref<125xf32, #tpu.memory_space<hbm>>) dst(%arg13 : memref<125xf32, #tpu.memory_space<vmem>>)
      } else {
      }
      %ge3A = arith.constant 1 : i32
      %ge3A_74 = arith.cmpi sge, %add3A_69, %ge3A : i32
      %convert_element_type3A_75 = arith.extui %ge3A_74 : i1 to i32
      %cond3A_76 = arith.constant 0 : i32
      %cond3A_77 = arith.cmpi ne, %convert_element_type3A_75, %cond3A_76 : i32
      scf.if %cond3A_77 {
        %dma_wait3A_290 = arith.constant 0 : i32
        %dma_wait3A_291 = arith.constant 0 : i32
        %dma_wait3A_292 = tpu.memref_slice %arg16[%dma_wait3A_290, %dma_wait3A_291] : memref<10112x16xf32, #tpu.memory_space<vmem_shared>> -> memref<10112x16xf32, #tpu.memory_space<vmem_shared>>
        tpu.wait_indirect_dma semaphore(%arg24 : memref<!tpu.dma_semaphore, #tpu.memory_space<semaphore_mem>>) src(%arg15 : memref<125x16xf32, #tpu.memory_space<vmem>>) dst(%dma_wait3A_292 : memref<10112x16xf32, #tpu.memory_space<vmem_shared>>)
      } else {
      }
      %add3A_78 = arith.constant 1 : i32
      %add3A_79 = arith.addi %add3A_69, %add3A_78 : i32
      %lt3A_80 = arith.constant 80 : i32
      %lt3A_81 = arith.cmpi slt, %add3A_79, %lt3A_80 : i32
      %convert_element_type3A_82 = arith.extui %lt3A_81 : i1 to i32
      %cond3A_83 = arith.constant 0 : i32
      %cond3A_84 = arith.cmpi ne, %convert_element_type3A_82, %cond3A_83 : i32
      scf.if %cond3A_84 {
        %add3A_290 = arith.constant 1 : i32
        %add3A_291 = arith.addi %add3A_69, %add3A_290 : i32
        %dma_start3A_292 = arith.constant 0 : i32
        %dma_start3A_293 = tpu.memref_slice %arg4[%add3A, %add3A_291, %dma_start3A_292] : memref<32x80x125xi32, #tpu.memory_space<hbm>> -> memref<1x1x125xi32, #tpu.memory_space<hbm>>
        %dma_start3A_294 = tpu.memref_squeeze %dma_start3A_293 : memref<1x1x125xi32, #tpu.memory_space<hbm>> -> memref<125xi32, #tpu.memory_space<hbm>>
        %dma_start3A_295 = arith.constant 0 : i32
        %dma_start3A_296 = tpu.memref_slice %arg4[%add3A, %add3A_291, %dma_start3A_295] : memref<32x80x125xi32, #tpu.memory_space<hbm>> -> memref<1x1x125xi32, #tpu.memory_space<hbm>>
        %dma_start3A_297 = tpu.memref_squeeze %dma_start3A_296 : memref<1x1x125xi32, #tpu.memory_space<hbm>> -> memref<125xi32, #tpu.memory_space<hbm>>
        tpu.enqueue_dma source(%dma_start3A_297 : memref<125xi32, #tpu.memory_space<hbm>>) target(%arg11 : memref<125xi32, #tpu.memory_space<vmem>>) target_semaphore(%arg20 : memref<!tpu.dma_semaphore, #tpu.memory_space<semaphore_mem>>)
        %dma_start3A_298 = arith.constant 0 : i32
        %dma_start3A_299 = arith.constant 0 : i32
        %dma_start3A_300 = tpu.memref_slice %arg2[%dma_start3A_298, %dma_start3A_299] : memref<10000x16xf32, #tpu.memory_space<hbm>> -> memref<10000x16xf32, #tpu.memory_space<hbm>>
        tpu.enqueue_indirect_dma source(%dma_start3A_300 : memref<10000x16xf32, #tpu.memory_space<hbm>>) target(%arg15 : memref<125x16xf32, #tpu.memory_space<vmem>>) offsets(%arg9 : memref<125xi32, #tpu.memory_space<vmem>>) semaphore(%arg22 : memref<!tpu.dma_semaphore, #tpu.memory_space<semaphore_mem>>)
      } else {
      }
      %dma_wait3A_85 = arith.constant 0 : i32
      %dma_wait3A_86 = arith.constant 0 : i32
      %dma_wait3A_87 = tpu.memref_slice %arg2[%dma_wait3A_85, %dma_wait3A_86] : memref<10000x16xf32, #tpu.memory_space<hbm>> -> memref<10000x16xf32, #tpu.memory_space<hbm>>
      tpu.wait_indirect_dma semaphore(%arg21 : memref<!tpu.dma_semaphore, #tpu.memory_space<semaphore_mem>>) src(%dma_wait3A_87 : memref<10000x16xf32, #tpu.memory_space<hbm>>) dst(%arg14 : memref<125x16xf32, #tpu.memory_space<vmem>>)
      %scan3A_88 = arith.constant 0 : i32
      %scan3A_89 = arith.constant 0 : i32
      %scan3A_90 = arith.constant 120 : i32
      %scan3A_91 = arith.addi %scan3A_89, %scan3A_90 : i32
      %scan3A_92 = arith.constant 8 : i32
      %scan3A_93 = scf.for %scan3A_290 = %scan3A_89 to %scan3A_91 step %scan3A_92 iter_args(%scan3A_291 = %scan3A_88) -> (i32)  : i32 {
        %broadcast_in_dim3A_292 = vector.broadcast %scan3A_290 : i32 to vector<16xi32>
        %gather3A_293 = tpu.vector_load_idx %arg12[%broadcast_in_dim3A_292] : memref<125xf32, #tpu.memory_space<vmem>>[vector<16xi32>], vector<16xf32>,
        %get3A_294 = arith.index_cast %scan3A_290 : i32 to index
        %get3A_295 = arith.constant 0 : index
        %get3A_296 = tpu.vector_load %arg14[%get3A_294, %get3A_295] {strides = array<i32>} : memref<125x16xf32, #tpu.memory_space<vmem>>, vector<16xf32>,
        %mul3A_297 = arith.mulf %get3A_296, %gather3A_293 : vector<16xf32>
        %swap3A_298 = arith.index_cast %scan3A_290 : i32 to index
        %swap3A_299 = arith.constant 0 : index
        %swap3A_300 = tpu.vector_load %arg14[%swap3A_298, %swap3A_299] {strides = array<i32>} : memref<125x16xf32, #tpu.memory_space<vmem>>, vector<16xf32>,
        tpu.vector_store %arg14[%swap3A_298, %swap3A_299], %mul3A_297 {strides = array<i32>} : memref<125x16xf32, #tpu.memory_space<vmem>>, vector<16xf32>,
        %scan3A_301 = arith.constant 0 : i32
        %scan3A_302 = arith.constant 1 : i32
        %scan3A_303 = arith.addi %scan3A_290, %scan3A_302 : i32
        %broadcast_in_dim3A_304 = vector.broadcast %scan3A_303 : i32 to vector<16xi32>
        %gather3A_305 = tpu.vector_load_idx %arg12[%broadcast_in_dim3A_304] : memref<125xf32, #tpu.memory_space<vmem>>[vector<16xi32>], vector<16xf32>,
        %get3A_306 = arith.index_cast %scan3A_303 : i32 to index
        %get3A_307 = arith.constant 0 : index
        %get3A_308 = tpu.vector_load %arg14[%get3A_306, %get3A_307] {strides = array<i32>} : memref<125x16xf32, #tpu.memory_space<vmem>>, vector<16xf32>,
        %mul3A_309 = arith.mulf %get3A_308, %gather3A_305 : vector<16xf32>
        %swap3A_310 = arith.index_cast %scan3A_303 : i32 to index
        %swap3A_311 = arith.constant 0 : index
        %swap3A_312 = tpu.vector_load %arg14[%swap3A_310, %swap3A_311] {strides = array<i32>} : memref<125x16xf32, #tpu.memory_space<vmem>>, vector<16xf32>,
        tpu.vector_store %arg14[%swap3A_310, %swap3A_311], %mul3A_309 {strides = array<i32>} : memref<125x16xf32, #tpu.memory_space<vmem>>, vector<16xf32>,
        %scan3A_313 = arith.constant 0 : i32
        %scan3A_314 = arith.constant 2 : i32
        %scan3A_315 = arith.addi %scan3A_290, %scan3A_314 : i32
        %broadcast_in_dim3A_316 = vector.broadcast %scan3A_315 : i32 to vector<16xi32>
        %gather3A_317 = tpu.vector_load_idx %arg12[%broadcast_in_dim3A_316] : memref<125xf32, #tpu.memory_space<vmem>>[vector<16xi32>], vector<16xf32>,
        %get3A_318 = arith.index_cast %scan3A_315 : i32 to index
        %get3A_319 = arith.constant 0 : index
        %get3A_320 = tpu.vector_load %arg14[%get3A_318, %get3A_319] {strides = array<i32>} : memref<125x16xf32, #tpu.memory_space<vmem>>, vector<16xf32>,
        %mul3A_321 = arith.mulf %get3A_320, %gather3A_317 : vector<16xf32>
        %swap3A_322 = arith.index_cast %scan3A_315 : i32 to index
        %swap3A_323 = arith.constant 0 : index
        %swap3A_324 = tpu.vector_load %arg14[%swap3A_322, %swap3A_323] {strides = array<i32>} : memref<125x16xf32, #tpu.memory_space<vmem>>, vector<16xf32>,
        tpu.vector_store %arg14[%swap3A_322, %swap3A_323], %mul3A_321 {strides = array<i32>} : memref<125x16xf32, #tpu.memory_space<vmem>>, vector<16xf32>,
        %scan3A_325 = arith.constant 0 : i32
        %scan3A_326 = arith.constant 3 : i32
        %scan3A_327 = arith.addi %scan3A_290, %scan3A_326 : i32
        %broadcast_in_dim3A_328 = vector.broadcast %scan3A_327 : i32 to vector<16xi32>
        %gather3A_329 = tpu.vector_load_idx %arg12[%broadcast_in_dim3A_328] : memref<125xf32, #tpu.memory_space<vmem>>[vector<16xi32>], vector<16xf32>,
        %get3A_330 = arith.index_cast %scan3A_327 : i32 to index
        %get3A_331 = arith.constant 0 : index
        %get3A_332 = tpu.vector_load %arg14[%get3A_330, %get3A_331] {strides = array<i32>} : memref<125x16xf32, #tpu.memory_space<vmem>>, vector<16xf32>,
        %mul3A_333 = arith.mulf %get3A_332, %gather3A_329 : vector<16xf32>
        %swap3A_334 = arith.index_cast %scan3A_327 : i32 to index
        %swap3A_335 = arith.constant 0 : index
        %swap3A_336 = tpu.vector_load %arg14[%swap3A_334, %swap3A_335] {strides = array<i32>} : memref<125x16xf32, #tpu.memory_space<vmem>>, vector<16xf32>,
        tpu.vector_store %arg14[%swap3A_334, %swap3A_335], %mul3A_333 {strides = array<i32>} : memref<125x16xf32, #tpu.memory_space<vmem>>, vector<16xf32>,
        %scan3A_337 = arith.constant 0 : i32
        %scan3A_338 = arith.constant 4 : i32
        %scan3A_339 = arith.addi %scan3A_290, %scan3A_338 : i32
        %broadcast_in_dim3A_340 = vector.broadcast %scan3A_339 : i32 to vector<16xi32>
        %gather3A_341 = tpu.vector_load_idx %arg12[%broadcast_in_dim3A_340] : memref<125xf32, #tpu.memory_space<vmem>>[vector<16xi32>], vector<16xf32>,
        %get3A_342 = arith.index_cast %scan3A_339 : i32 to index
        %get3A_343 = arith.constant 0 : index
        %get3A_344 = tpu.vector_load %arg14[%get3A_342, %get3A_343] {strides = array<i32>} : memref<125x16xf32, #tpu.memory_space<vmem>>, vector<16xf32>,
        %mul3A_345 = arith.mulf %get3A_344, %gather3A_341 : vector<16xf32>
        %swap3A_346 = arith.index_cast %scan3A_339 : i32 to index
        %swap3A_347 = arith.constant 0 : index
        %swap3A_348 = tpu.vector_load %arg14[%swap3A_346, %swap3A_347] {strides = array<i32>} : memref<125x16xf32, #tpu.memory_space<vmem>>, vector<16xf32>,
        tpu.vector_store %arg14[%swap3A_346, %swap3A_347], %mul3A_345 {strides = array<i32>} : memref<125x16xf32, #tpu.memory_space<vmem>>, vector<16xf32>,
        %scan3A_349 = arith.constant 0 : i32
        %scan3A_350 = arith.constant 5 : i32
        %scan3A_351 = arith.addi %scan3A_290, %scan3A_350 : i32
        %broadcast_in_dim3A_352 = vector.broadcast %scan3A_351 : i32 to vector<16xi32>
        %gather3A_353 = tpu.vector_load_idx %arg12[%broadcast_in_dim3A_352] : memref<125xf32, #tpu.memory_space<vmem>>[vector<16xi32>], vector<16xf32>,
        %get3A_354 = arith.index_cast %scan3A_351 : i32 to index
        %get3A_355 = arith.constant 0 : index
        %get3A_356 = tpu.vector_load %arg14[%get3A_354, %get3A_355] {strides = array<i32>} : memref<125x16xf32, #tpu.memory_space<vmem>>, vector<16xf32>,
        %mul3A_357 = arith.mulf %get3A_356, %gather3A_353 : vector<16xf32>
        %swap3A_358 = arith.index_cast %scan3A_351 : i32 to index
        %swap3A_359 = arith.constant 0 : index
        %swap3A_360 = tpu.vector_load %arg14[%swap3A_358, %swap3A_359] {strides = array<i32>} : memref<125x16xf32, #tpu.memory_space<vmem>>, vector<16xf32>,
        tpu.vector_store %arg14[%swap3A_358, %swap3A_359], %mul3A_357 {strides = array<i32>} : memref<125x16xf32, #tpu.memory_space<vmem>>, vector<16xf32>,
        %scan3A_361 = arith.constant 0 : i32
        %scan3A_362 = arith.constant 6 : i32
        %scan3A_363 = arith.addi %scan3A_290, %scan3A_362 : i32
        %broadcast_in_dim3A_364 = vector.broadcast %scan3A_363 : i32 to vector<16xi32>
        %gather3A_365 = tpu.vector_load_idx %arg12[%broadcast_in_dim3A_364] : memref<125xf32, #tpu.memory_space<vmem>>[vector<16xi32>], vector<16xf32>,
        %get3A_366 = arith.index_cast %scan3A_363 : i32 to index
        %get3A_367 = arith.constant 0 : index
        %get3A_368 = tpu.vector_load %arg14[%get3A_366, %get3A_367] {strides = array<i32>} : memref<125x16xf32, #tpu.memory_space<vmem>>, vector<16xf32>,
        %mul3A_369 = arith.mulf %get3A_368, %gather3A_365 : vector<16xf32>
        %swap3A_370 = arith.index_cast %scan3A_363 : i32 to index
        %swap3A_371 = arith.constant 0 : index
        %swap3A_372 = tpu.vector_load %arg14[%swap3A_370, %swap3A_371] {strides = array<i32>} : memref<125x16xf32, #tpu.memory_space<vmem>>, vector<16xf32>,
        tpu.vector_store %arg14[%swap3A_370, %swap3A_371], %mul3A_369 {strides = array<i32>} : memref<125x16xf32, #tpu.memory_space<vmem>>, vector<16xf32>,
        %scan3A_373 = arith.constant 0 : i32
        %scan3A_374 = arith.constant 7 : i32
        %scan3A_375 = arith.addi %scan3A_290, %scan3A_374 : i32
        %broadcast_in_dim3A_376 = vector.broadcast %scan3A_375 : i32 to vector<16xi32>
        %gather3A_377 = tpu.vector_load_idx %arg12[%broadcast_in_dim3A_376] : memref<125xf32, #tpu.memory_space<vmem>>[vector<16xi32>], vector<16xf32>,
        %get3A_378 = arith.index_cast %scan3A_375 : i32 to index
        %get3A_379 = arith.constant 0 : index
        %get3A_380 = tpu.vector_load %arg14[%get3A_378, %get3A_379] {strides = array<i32>} : memref<125x16xf32, #tpu.memory_space<vmem>>, vector<16xf32>,
        %mul3A_381 = arith.mulf %get3A_380, %gather3A_377 : vector<16xf32>
        %swap3A_382 = arith.index_cast %scan3A_375 : i32 to index
        %swap3A_383 = arith.constant 0 : index
        %swap3A_384 = tpu.vector_load %arg14[%swap3A_382, %swap3A_383] {strides = array<i32>} : memref<125x16xf32, #tpu.memory_space<vmem>>, vector<16xf32>,
        tpu.vector_store %arg14[%swap3A_382, %swap3A_383], %mul3A_381 {strides = array<i32>} : memref<125x16xf32, #tpu.memory_space<vmem>>, vector<16xf32>,
        %scan3A_385 = arith.constant 0 : i32
        scf.yield %scan3A_385 : i32
      }
      %scan3A_94 = arith.constant 120 : i32
      %scan3A_95 = arith.addi %scan3A_89, %scan3A_94 : i32
      %broadcast_in_dim3A = vector.broadcast %scan3A_95 : i32 to vector<16xi32>
      %gather3A = tpu.vector_load_idx %arg12[%broadcast_in_dim3A] : memref<125xf32, #tpu.memory_space<vmem>>[vector<16xi32>], vector<16xf32>,
      %get3A = arith.index_cast %scan3A_95 : i32 to index
      %get3A_96 = arith.constant 0 : index
      %get3A_97 = tpu.vector_load %arg14[%get3A, %get3A_96] {strides = array<i32>} : memref<125x16xf32, #tpu.memory_space<vmem>>, vector<16xf32>,
      %mul3A_98 = arith.mulf %get3A_97, %gather3A : vector<16xf32>
      %swap3A = arith.index_cast %scan3A_95 : i32 to index
      %swap3A_99 = arith.constant 0 : index
      %swap3A_100 = tpu.vector_load %arg14[%swap3A, %swap3A_99] {strides = array<i32>} : memref<125x16xf32, #tpu.memory_space<vmem>>, vector<16xf32>,
      tpu.vector_store %arg14[%swap3A, %swap3A_99], %mul3A_98 {strides = array<i32>} : memref<125x16xf32, #tpu.memory_space<vmem>>, vector<16xf32>,
      %scan3A_101 = arith.constant 0 : i32
      %scan3A_102 = arith.constant 121 : i32
      %scan3A_103 = arith.addi %scan3A_89, %scan3A_102 : i32
      %broadcast_in_dim3A_104 = vector.broadcast %scan3A_103 : i32 to vector<16xi32>
      %gather3A_105 = tpu.vector_load_idx %arg12[%broadcast_in_dim3A_104] : memref<125xf32, #tpu.memory_space<vmem>>[vector<16xi32>], vector<16xf32>,
      %get3A_106 = arith.index_cast %scan3A_103 : i32 to index
      %get3A_107 = arith.constant 0 : index
      %get3A_108 = tpu.vector_load %arg14[%get3A_106, %get3A_107] {strides = array<i32>} : memref<125x16xf32, #tpu.memory_space<vmem>>, vector<16xf32>,
      %mul3A_109 = arith.mulf %get3A_108, %gather3A_105 : vector<16xf32>
      %swap3A_110 = arith.index_cast %scan3A_103 : i32 to index
      %swap3A_111 = arith.constant 0 : index
      %swap3A_112 = tpu.vector_load %arg14[%swap3A_110, %swap3A_111] {strides = array<i32>} : memref<125x16xf32, #tpu.memory_space<vmem>>, vector<16xf32>,
      tpu.vector_store %arg14[%swap3A_110, %swap3A_111], %mul3A_109 {strides = array<i32>} : memref<125x16xf32, #tpu.memory_space<vmem>>, vector<16xf32>,
      %scan3A_113 = arith.constant 0 : i32
      %scan3A_114 = arith.constant 122 : i32
      %scan3A_115 = arith.addi %scan3A_89, %scan3A_114 : i32
      %broadcast_in_dim3A_116 = vector.broadcast %scan3A_115 : i32 to vector<16xi32>
      %gather3A_117 = tpu.vector_load_idx %arg12[%broadcast_in_dim3A_116] : memref<125xf32, #tpu.memory_space<vmem>>[vector<16xi32>], vector<16xf32>,
      %get3A_118 = arith.index_cast %scan3A_115 : i32 to index
      %get3A_119 = arith.constant 0 : index
      %get3A_120 = tpu.vector_load %arg14[%get3A_118, %get3A_119] {strides = array<i32>} : memref<125x16xf32, #tpu.memory_space<vmem>>, vector<16xf32>,
      %mul3A_121 = arith.mulf %get3A_120, %gather3A_117 : vector<16xf32>
      %swap3A_122 = arith.index_cast %scan3A_115 : i32 to index
      %swap3A_123 = arith.constant 0 : index
      %swap3A_124 = tpu.vector_load %arg14[%swap3A_122, %swap3A_123] {strides = array<i32>} : memref<125x16xf32, #tpu.memory_space<vmem>>, vector<16xf32>,
      tpu.vector_store %arg14[%swap3A_122, %swap3A_123], %mul3A_121 {strides = array<i32>} : memref<125x16xf32, #tpu.memory_space<vmem>>, vector<16xf32>,
      %scan3A_125 = arith.constant 0 : i32
      %scan3A_126 = arith.constant 123 : i32
      %scan3A_127 = arith.addi %scan3A_89, %scan3A_126 : i32
      %broadcast_in_dim3A_128 = vector.broadcast %scan3A_127 : i32 to vector<16xi32>
      %gather3A_129 = tpu.vector_load_idx %arg12[%broadcast_in_dim3A_128] : memref<125xf32, #tpu.memory_space<vmem>>[vector<16xi32>], vector<16xf32>,
      %get3A_130 = arith.index_cast %scan3A_127 : i32 to index
      %get3A_131 = arith.constant 0 : index
      %get3A_132 = tpu.vector_load %arg14[%get3A_130, %get3A_131] {strides = array<i32>} : memref<125x16xf32, #tpu.memory_space<vmem>>, vector<16xf32>,
      %mul3A_133 = arith.mulf %get3A_132, %gather3A_129 : vector<16xf32>
      %swap3A_134 = arith.index_cast %scan3A_127 : i32 to index
      %swap3A_135 = arith.constant 0 : index
      %swap3A_136 = tpu.vector_load %arg14[%swap3A_134, %swap3A_135] {strides = array<i32>} : memref<125x16xf32, #tpu.memory_space<vmem>>, vector<16xf32>,
      tpu.vector_store %arg14[%swap3A_134, %swap3A_135], %mul3A_133 {strides = array<i32>} : memref<125x16xf32, #tpu.memory_space<vmem>>, vector<16xf32>,
      %scan3A_137 = arith.constant 0 : i32
      %scan3A_138 = arith.constant 124 : i32
      %scan3A_139 = arith.addi %scan3A_89, %scan3A_138 : i32
      %broadcast_in_dim3A_140 = vector.broadcast %scan3A_139 : i32 to vector<16xi32>
      %gather3A_141 = tpu.vector_load_idx %arg12[%broadcast_in_dim3A_140] : memref<125xf32, #tpu.memory_space<vmem>>[vector<16xi32>], vector<16xf32>,
      %get3A_142 = arith.index_cast %scan3A_139 : i32 to index
      %get3A_143 = arith.constant 0 : index
      %get3A_144 = tpu.vector_load %arg14[%get3A_142, %get3A_143] {strides = array<i32>} : memref<125x16xf32, #tpu.memory_space<vmem>>, vector<16xf32>,
      %mul3A_145 = arith.mulf %get3A_144, %gather3A_141 : vector<16xf32>
      %swap3A_146 = arith.index_cast %scan3A_139 : i32 to index
      %swap3A_147 = arith.constant 0 : index
      %swap3A_148 = tpu.vector_load %arg14[%swap3A_146, %swap3A_147] {strides = array<i32>} : memref<125x16xf32, #tpu.memory_space<vmem>>, vector<16xf32>,
      tpu.vector_store %arg14[%swap3A_146, %swap3A_147], %mul3A_145 {strides = array<i32>} : memref<125x16xf32, #tpu.memory_space<vmem>>, vector<16xf32>,
      %scan3A_149 = arith.constant 0 : i32
      %scan3A_150 = arith.constant 125 : i32
      %add3A_151 = arith.constant 2 : i32
      %add3A_152 = arith.addi %add3A_69, %add3A_151 : i32
      %lt3A_153 = arith.constant 80 : i32
      %lt3A_154 = arith.cmpi slt, %add3A_152, %lt3A_153 : i32
      %convert_element_type3A_155 = arith.extui %lt3A_154 : i1 to i32
      %cond3A_156 = arith.constant 0 : i32
      %cond3A_157 = arith.cmpi ne, %convert_element_type3A_155, %cond3A_156 : i32
      scf.if %cond3A_157 {
        %add3A_290 = arith.constant 2 : i32
        %add3A_291 = arith.addi %add3A_69, %add3A_290 : i32
        %dma_start3A_292 = arith.constant 0 : i32
        %dma_start3A_293 = tpu.memref_slice %arg3[%add3A, %add3A_291, %dma_start3A_292] : memref<32x80x125xi32, #tpu.memory_space<hbm>> -> memref<1x1x125xi32, #tpu.memory_space<hbm>>
        %dma_start3A_294 = tpu.memref_squeeze %dma_start3A_293 : memref<1x1x125xi32, #tpu.memory_space<hbm>> -> memref<125xi32, #tpu.memory_space<hbm>>
        %dma_start3A_295 = arith.constant 0 : i32
        %dma_start3A_296 = tpu.memref_slice %arg3[%add3A, %add3A_291, %dma_start3A_295] : memref<32x80x125xi32, #tpu.memory_space<hbm>> -> memref<1x1x125xi32, #tpu.memory_space<hbm>>
        %dma_start3A_297 = tpu.memref_squeeze %dma_start3A_296 : memref<1x1x125xi32, #tpu.memory_space<hbm>> -> memref<125xi32, #tpu.memory_space<hbm>>
        tpu.enqueue_dma source(%dma_start3A_297 : memref<125xi32, #tpu.memory_space<hbm>>) target(%arg8 : memref<125xi32, #tpu.memory_space<vmem>>) target_semaphore(%arg17 : memref<!tpu.dma_semaphore, #tpu.memory_space<semaphore_mem>>)
        %add3A_298 = arith.constant 2 : i32
        %add3A_299 = arith.addi %add3A_69, %add3A_298 : i32
        %dma_start3A_300 = arith.constant 0 : i32
        %dma_start3A_301 = tpu.memref_slice %arg5[%add3A, %add3A_299, %dma_start3A_300] : memref<32x80x125xf32, #tpu.memory_space<hbm>> -> memref<1x1x125xf32, #tpu.memory_space<hbm>>
        %dma_start3A_302 = tpu.memref_squeeze %dma_start3A_301 : memref<1x1x125xf32, #tpu.memory_space<hbm>> -> memref<125xf32, #tpu.memory_space<hbm>>
        %dma_start3A_303 = arith.constant 0 : i32
        %dma_start3A_304 = tpu.memref_slice %arg5[%add3A, %add3A_299, %dma_start3A_303] : memref<32x80x125xf32, #tpu.memory_space<hbm>> -> memref<1x1x125xf32, #tpu.memory_space<hbm>>
        %dma_start3A_305 = tpu.memref_squeeze %dma_start3A_304 : memref<1x1x125xf32, #tpu.memory_space<hbm>> -> memref<125xf32, #tpu.memory_space<hbm>>
        tpu.enqueue_dma source(%dma_start3A_305 : memref<125xf32, #tpu.memory_space<hbm>>) target(%arg12 : memref<125xf32, #tpu.memory_space<vmem>>) target_semaphore(%arg17 : memref<!tpu.dma_semaphore, #tpu.memory_space<semaphore_mem>>)
      } else {
      }
      %dma_wait3A_158 = arith.constant 0 : i32
      %dma_wait3A_159 = tpu.memref_slice %arg4[%add3A, %add3A_69, %dma_wait3A_158] : memref<32x80x125xi32, #tpu.memory_space<hbm>> -> memref<1x1x125xi32, #tpu.memory_space<hbm>>
      %dma_wait3A_160 = tpu.memref_squeeze %dma_wait3A_159 : memref<1x1x125xi32, #tpu.memory_space<hbm>> -> memref<125xi32, #tpu.memory_space<hbm>>
      %dma_wait3A_161 = arith.constant 0 : i32
      %dma_wait3A_162 = tpu.memref_slice %arg4[%add3A, %add3A_69, %dma_wait3A_161] : memref<32x80x125xi32, #tpu.memory_space<hbm>> -> memref<1x1x125xi32, #tpu.memory_space<hbm>>
      %dma_wait3A_163 = tpu.memref_squeeze %dma_wait3A_162 : memref<1x1x125xi32, #tpu.memory_space<hbm>> -> memref<125xi32, #tpu.memory_space<hbm>>
      tpu.wait_dma2 semaphore(%arg19 : memref<!tpu.dma_semaphore, #tpu.memory_space<semaphore_mem>>) src(%dma_wait3A_163 : memref<125xi32, #tpu.memory_space<hbm>>) dst(%arg10 : memref<125xi32, #tpu.memory_space<vmem>>)
      %lt3A_164 = arith.constant 79 : i32
      %lt3A_165 = arith.cmpi slt, %add3A_69, %lt3A_164 : i32
      %convert_element_type3A_166 = arith.extui %lt3A_165 : i1 to i32
      %cond3A_167 = arith.constant 0 : i32
      %cond3A_168 = arith.cmpi ne, %convert_element_type3A_166, %cond3A_167 : i32
      scf.if %cond3A_168 {
        %dma_start3A_290 = arith.constant 0 : i32
        %dma_start3A_291 = arith.constant 0 : i32
        %dma_start3A_292 = tpu.memref_slice %arg16[%dma_start3A_290, %dma_start3A_291] : memref<10112x16xf32, #tpu.memory_space<vmem_shared>> -> memref<10112x16xf32, #tpu.memory_space<vmem_shared>>
        tpu.enqueue_indirect_dma source(%arg14 : memref<125x16xf32, #tpu.memory_space<vmem>>) target(%dma_start3A_292 : memref<10112x16xf32, #tpu.memory_space<vmem_shared>>) offsets(%arg10 : memref<125xi32, #tpu.memory_space<vmem>>) semaphore(%arg23 : memref<!tpu.dma_semaphore, #tpu.memory_space<semaphore_mem>>) {add = true}
      } else {
      }
      %eq3A = arith.constant 79 : i32
      %eq3A_169 = arith.cmpi eq, %add3A_69, %eq3A : i32
      %convert_element_type3A_170 = arith.extui %eq3A_169 : i1 to i32
      %cond3A_171 = arith.constant 0 : i32
      %cond3A_172 = arith.cmpi ne, %convert_element_type3A_170, %cond3A_171 : i32
      scf.if %cond3A_172 {
        "tpu.region"() ({
          %run_scoped3A = tpu.sem_alloc : memref<!tpu.dma_semaphore, #tpu.memory_space<semaphore_mem>>
          %dma_start3A_290 = arith.constant 0 : i32
          %dma_start3A_291 = arith.constant 0 : i32
          %dma_start3A_292 = tpu.memref_slice %arg16[%dma_start3A_290, %dma_start3A_291] : memref<10112x16xf32, #tpu.memory_space<vmem_shared>> -> memref<10112x16xf32, #tpu.memory_space<vmem_shared>>
          tpu.enqueue_indirect_dma source(%arg14 : memref<125x16xf32, #tpu.memory_space<vmem>>) target(%dma_start3A_292 : memref<10112x16xf32, #tpu.memory_space<vmem_shared>>) offsets(%arg10 : memref<125xi32, #tpu.memory_space<vmem>>) semaphore(%run_scoped3A : memref<!tpu.dma_semaphore, #tpu.memory_space<semaphore_mem>>) {add = true}
          %dma_wait3A_293 = arith.constant 0 : i32
          %dma_wait3A_294 = arith.constant 0 : i32
          %dma_wait3A_295 = tpu.memref_slice %arg16[%dma_wait3A_293, %dma_wait3A_294] : memref<10112x16xf32, #tpu.memory_space<vmem_shared>> -> memref<10112x16xf32, #tpu.memory_space<vmem_shared>>
          tpu.wait_indirect_dma semaphore(%run_scoped3A : memref<!tpu.dma_semaphore, #tpu.memory_space<semaphore_mem>>) src(%arg14 : memref<125x16xf32, #tpu.memory_space<vmem>>) dst(%dma_wait3A_295 : memref<10112x16xf32, #tpu.memory_space<vmem_shared>>)
          tpu.yield
        }) : () -> ()
      } else {
      }
      %mul3A_173 = arith.constant 2 : i32
      %mul3A_174 = arith.muli %mul3A_173, %scan3A_64 : i32
      %add3A_175 = arith.constant 1 : i32
      %add3A_176 = arith.addi %mul3A_174, %add3A_175 : i32
      %add3A_177 = arith.constant 1 : i32
      %add3A_178 = arith.addi %add3A_176, %add3A_177 : i32
      %lt3A_179 = arith.constant 80 : i32
      %lt3A_180 = arith.cmpi slt, %add3A_178, %lt3A_179 : i32
      %convert_element_type3A_181 = arith.extui %lt3A_180 : i1 to i32
      %cond3A_182 = arith.constant 0 : i32
      %cond3A_183 = arith.cmpi ne, %convert_element_type3A_181, %cond3A_182 : i32
      scf.if %cond3A_183 {
        %add3A_290 = arith.constant 1 : i32
        %add3A_291 = arith.addi %add3A_176, %add3A_290 : i32
        %dma_wait3A_292 = arith.constant 0 : i32
        %dma_wait3A_293 = tpu.memref_slice %arg3[%add3A, %add3A_291, %dma_wait3A_292] : memref<32x80x125xi32, #tpu.memory_space<hbm>> -> memref<1x1x125xi32, #tpu.memory_space<hbm>>
        %dma_wait3A_294 = tpu.memref_squeeze %dma_wait3A_293 : memref<1x1x125xi32, #tpu.memory_space<hbm>> -> memref<125xi32, #tpu.memory_space<hbm>>
        %dma_wait3A_295 = arith.constant 0 : i32
        %dma_wait3A_296 = tpu.memref_slice %arg3[%add3A, %add3A_291, %dma_wait3A_295] : memref<32x80x125xi32, #tpu.memory_space<hbm>> -> memref<1x1x125xi32, #tpu.memory_space<hbm>>
        %dma_wait3A_297 = tpu.memref_squeeze %dma_wait3A_296 : memref<1x1x125xi32, #tpu.memory_space<hbm>> -> memref<125xi32, #tpu.memory_space<hbm>>
        tpu.wait_dma2 semaphore(%arg17 : memref<!tpu.dma_semaphore, #tpu.memory_space<semaphore_mem>>) src(%dma_wait3A_297 : memref<125xi32, #tpu.memory_space<hbm>>) dst(%arg8 : memref<125xi32, #tpu.memory_space<vmem>>)
        %add3A_298 = arith.constant 1 : i32
        %add3A_299 = arith.addi %add3A_176, %add3A_298 : i32
        %dma_wait3A_300 = arith.constant 0 : i32
        %dma_wait3A_301 = tpu.memref_slice %arg5[%add3A, %add3A_299, %dma_wait3A_300] : memref<32x80x125xf32, #tpu.memory_space<hbm>> -> memref<1x1x125xf32, #tpu.memory_space<hbm>>
        %dma_wait3A_302 = tpu.memref_squeeze %dma_wait3A_301 : memref<1x1x125xf32, #tpu.memory_space<hbm>> -> memref<125xf32, #tpu.memory_space<hbm>>
        %dma_wait3A_303 = arith.constant 0 : i32
        %dma_wait3A_304 = tpu.memref_slice %arg5[%add3A, %add3A_299, %dma_wait3A_303] : memref<32x80x125xf32, #tpu.memory_space<hbm>> -> memref<1x1x125xf32, #tpu.memory_space<hbm>>
        %dma_wait3A_305 = tpu.memref_squeeze %dma_wait3A_304 : memref<1x1x125xf32, #tpu.memory_space<hbm>> -> memref<125xf32, #tpu.memory_space<hbm>>
        tpu.wait_dma2 semaphore(%arg17 : memref<!tpu.dma_semaphore, #tpu.memory_space<semaphore_mem>>) src(%dma_wait3A_305 : memref<125xf32, #tpu.memory_space<hbm>>) dst(%arg12 : memref<125xf32, #tpu.memory_space<vmem>>)
      } else {
      }
      %ge3A_184 = arith.constant 1 : i32
      %ge3A_185 = arith.cmpi sge, %add3A_176, %ge3A_184 : i32
      %convert_element_type3A_186 = arith.extui %ge3A_185 : i1 to i32
      %cond3A_187 = arith.constant 0 : i32
      %cond3A_188 = arith.cmpi ne, %convert_element_type3A_186, %cond3A_187 : i32
      scf.if %cond3A_188 {
        %dma_wait3A_290 = arith.constant 0 : i32
        %dma_wait3A_291 = arith.constant 0 : i32
        %dma_wait3A_292 = tpu.memref_slice %arg16[%dma_wait3A_290, %dma_wait3A_291] : memref<10112x16xf32, #tpu.memory_space<vmem_shared>> -> memref<10112x16xf32, #tpu.memory_space<vmem_shared>>
        tpu.wait_indirect_dma semaphore(%arg23 : memref<!tpu.dma_semaphore, #tpu.memory_space<semaphore_mem>>) src(%arg14 : memref<125x16xf32, #tpu.memory_space<vmem>>) dst(%dma_wait3A_292 : memref<10112x16xf32, #tpu.memory_space<vmem_shared>>)
      } else {
      }
      %add3A_189 = arith.constant 1 : i32
      %add3A_190 = arith.addi %add3A_176, %add3A_189 : i32
      %lt3A_191 = arith.constant 80 : i32
      %lt3A_192 = arith.cmpi slt, %add3A_190, %lt3A_191 : i32
      %convert_element_type3A_193 = arith.extui %lt3A_192 : i1 to i32
      %cond3A_194 = arith.constant 0 : i32
      %cond3A_195 = arith.cmpi ne, %convert_element_type3A_193, %cond3A_194 : i32
      scf.if %cond3A_195 {
        %add3A_290 = arith.constant 1 : i32
        %add3A_291 = arith.addi %add3A_176, %add3A_290 : i32
        %dma_start3A_292 = arith.constant 0 : i32
        %dma_start3A_293 = tpu.memref_slice %arg4[%add3A, %add3A_291, %dma_start3A_292] : memref<32x80x125xi32, #tpu.memory_space<hbm>> -> memref<1x1x125xi32, #tpu.memory_space<hbm>>
        %dma_start3A_294 = tpu.memref_squeeze %dma_start3A_293 : memref<1x1x125xi32, #tpu.memory_space<hbm>> -> memref<125xi32, #tpu.memory_space<hbm>>
        %dma_start3A_295 = arith.constant 0 : i32
        %dma_start3A_296 = tpu.memref_slice %arg4[%add3A, %add3A_291, %dma_start3A_295] : memref<32x80x125xi32, #tpu.memory_space<hbm>> -> memref<1x1x125xi32, #tpu.memory_space<hbm>>
        %dma_start3A_297 = tpu.memref_squeeze %dma_start3A_296 : memref<1x1x125xi32, #tpu.memory_space<hbm>> -> memref<125xi32, #tpu.memory_space<hbm>>
        tpu.enqueue_dma source(%dma_start3A_297 : memref<125xi32, #tpu.memory_space<hbm>>) target(%arg10 : memref<125xi32, #tpu.memory_space<vmem>>) target_semaphore(%arg19 : memref<!tpu.dma_semaphore, #tpu.memory_space<semaphore_mem>>)
        %dma_start3A_298 = arith.constant 0 : i32
        %dma_start3A_299 = arith.constant 0 : i32
        %dma_start3A_300 = tpu.memref_slice %arg2[%dma_start3A_298, %dma_start3A_299] : memref<10000x16xf32, #tpu.memory_space<hbm>> -> memref<10000x16xf32, #tpu.memory_space<hbm>>
        tpu.enqueue_indirect_dma source(%dma_start3A_300 : memref<10000x16xf32, #tpu.memory_space<hbm>>) target(%arg14 : memref<125x16xf32, #tpu.memory_space<vmem>>) offsets(%arg8 : memref<125xi32, #tpu.memory_space<vmem>>) semaphore(%arg21 : memref<!tpu.dma_semaphore, #tpu.memory_space<semaphore_mem>>)
      } else {
      }
      %dma_wait3A_196 = arith.constant 0 : i32
      %dma_wait3A_197 = arith.constant 0 : i32
      %dma_wait3A_198 = tpu.memref_slice %arg2[%dma_wait3A_196, %dma_wait3A_197] : memref<10000x16xf32, #tpu.memory_space<hbm>> -> memref<10000x16xf32, #tpu.memory_space<hbm>>
      tpu.wait_indirect_dma semaphore(%arg22 : memref<!tpu.dma_semaphore, #tpu.memory_space<semaphore_mem>>) src(%dma_wait3A_198 : memref<10000x16xf32, #tpu.memory_space<hbm>>) dst(%arg15 : memref<125x16xf32, #tpu.memory_space<vmem>>)
      %scan3A_199 = arith.constant 0 : i32
      %scan3A_200 = arith.constant 0 : i32
      %scan3A_201 = arith.constant 120 : i32
      %scan3A_202 = arith.addi %scan3A_200, %scan3A_201 : i32
      %scan3A_203 = arith.constant 8 : i32
      %scan3A_204 = scf.for %scan3A_290 = %scan3A_200 to %scan3A_202 step %scan3A_203 iter_args(%scan3A_291 = %scan3A_199) -> (i32)  : i32 {
        %broadcast_in_dim3A_292 = vector.broadcast %scan3A_290 : i32 to vector<16xi32>
        %gather3A_293 = tpu.vector_load_idx %arg13[%broadcast_in_dim3A_292] : memref<125xf32, #tpu.memory_space<vmem>>[vector<16xi32>], vector<16xf32>,
        %get3A_294 = arith.index_cast %scan3A_290 : i32 to index
        %get3A_295 = arith.constant 0 : index
        %get3A_296 = tpu.vector_load %arg15[%get3A_294, %get3A_295] {strides = array<i32>} : memref<125x16xf32, #tpu.memory_space<vmem>>, vector<16xf32>,
        %mul3A_297 = arith.mulf %get3A_296, %gather3A_293 : vector<16xf32>
        %swap3A_298 = arith.index_cast %scan3A_290 : i32 to index
        %swap3A_299 = arith.constant 0 : index
        %swap3A_300 = tpu.vector_load %arg15[%swap3A_298, %swap3A_299] {strides = array<i32>} : memref<125x16xf32, #tpu.memory_space<vmem>>, vector<16xf32>,
        tpu.vector_store %arg15[%swap3A_298, %swap3A_299], %mul3A_297 {strides = array<i32>} : memref<125x16xf32, #tpu.memory_space<vmem>>, vector<16xf32>,
        %scan3A_301 = arith.constant 0 : i32
        %scan3A_302 = arith.constant 1 : i32
        %scan3A_303 = arith.addi %scan3A_290, %scan3A_302 : i32
        %broadcast_in_dim3A_304 = vector.broadcast %scan3A_303 : i32 to vector<16xi32>
        %gather3A_305 = tpu.vector_load_idx %arg13[%broadcast_in_dim3A_304] : memref<125xf32, #tpu.memory_space<vmem>>[vector<16xi32>], vector<16xf32>,
        %get3A_306 = arith.index_cast %scan3A_303 : i32 to index
        %get3A_307 = arith.constant 0 : index
        %get3A_308 = tpu.vector_load %arg15[%get3A_306, %get3A_307] {strides = array<i32>} : memref<125x16xf32, #tpu.memory_space<vmem>>, vector<16xf32>,
        %mul3A_309 = arith.mulf %get3A_308, %gather3A_305 : vector<16xf32>
        %swap3A_310 = arith.index_cast %scan3A_303 : i32 to index
        %swap3A_311 = arith.constant 0 : index
        %swap3A_312 = tpu.vector_load %arg15[%swap3A_310, %swap3A_311] {strides = array<i32>} : memref<125x16xf32, #tpu.memory_space<vmem>>, vector<16xf32>,
        tpu.vector_store %arg15[%swap3A_310, %swap3A_311], %mul3A_309 {strides = array<i32>} : memref<125x16xf32, #tpu.memory_space<vmem>>, vector<16xf32>,
        %scan3A_313 = arith.constant 0 : i32
        %scan3A_314 = arith.constant 2 : i32
        %scan3A_315 = arith.addi %scan3A_290, %scan3A_314 : i32
        %broadcast_in_dim3A_316 = vector.broadcast %scan3A_315 : i32 to vector<16xi32>
        %gather3A_317 = tpu.vector_load_idx %arg13[%broadcast_in_dim3A_316] : memref<125xf32, #tpu.memory_space<vmem>>[vector<16xi32>], vector<16xf32>,
        %get3A_318 = arith.index_cast %scan3A_315 : i32 to index
        %get3A_319 = arith.constant 0 : index
        %get3A_320 = tpu.vector_load %arg15[%get3A_318, %get3A_319] {strides = array<i32>} : memref<125x16xf32, #tpu.memory_space<vmem>>, vector<16xf32>,
        %mul3A_321 = arith.mulf %get3A_320, %gather3A_317 : vector<16xf32>
        %swap3A_322 = arith.index_cast %scan3A_315 : i32 to index
        %swap3A_323 = arith.constant 0 : index
        %swap3A_324 = tpu.vector_load %arg15[%swap3A_322, %swap3A_323] {strides = array<i32>} : memref<125x16xf32, #tpu.memory_space<vmem>>, vector<16xf32>,
        tpu.vector_store %arg15[%swap3A_322, %swap3A_323], %mul3A_321 {strides = array<i32>} : memref<125x16xf32, #tpu.memory_space<vmem>>, vector<16xf32>,
        %scan3A_325 = arith.constant 0 : i32
        %scan3A_326 = arith.constant 3 : i32
        %scan3A_327 = arith.addi %scan3A_290, %scan3A_326 : i32
        %broadcast_in_dim3A_328 = vector.broadcast %scan3A_327 : i32 to vector<16xi32>
        %gather3A_329 = tpu.vector_load_idx %arg13[%broadcast_in_dim3A_328] : memref<125xf32, #tpu.memory_space<vmem>>[vector<16xi32>], vector<16xf32>,
        %get3A_330 = arith.index_cast %scan3A_327 : i32 to index
        %get3A_331 = arith.constant 0 : index
        %get3A_332 = tpu.vector_load %arg15[%get3A_330, %get3A_331] {strides = array<i32>} : memref<125x16xf32, #tpu.memory_space<vmem>>, vector<16xf32>,
        %mul3A_333 = arith.mulf %get3A_332, %gather3A_329 : vector<16xf32>
        %swap3A_334 = arith.index_cast %scan3A_327 : i32 to index
        %swap3A_335 = arith.constant 0 : index
        %swap3A_336 = tpu.vector_load %arg15[%swap3A_334, %swap3A_335] {strides = array<i32>} : memref<125x16xf32, #tpu.memory_space<vmem>>, vector<16xf32>,
        tpu.vector_store %arg15[%swap3A_334, %swap3A_335], %mul3A_333 {strides = array<i32>} : memref<125x16xf32, #tpu.memory_space<vmem>>, vector<16xf32>,
        %scan3A_337 = arith.constant 0 : i32
        %scan3A_338 = arith.constant 4 : i32
        %scan3A_339 = arith.addi %scan3A_290, %scan3A_338 : i32
        %broadcast_in_dim3A_340 = vector.broadcast %scan3A_339 : i32 to vector<16xi32>
        %gather3A_341 = tpu.vector_load_idx %arg13[%broadcast_in_dim3A_340] : memref<125xf32, #tpu.memory_space<vmem>>[vector<16xi32>], vector<16xf32>,
        %get3A_342 = arith.index_cast %scan3A_339 : i32 to index
        %get3A_343 = arith.constant 0 : index
        %get3A_344 = tpu.vector_load %arg15[%get3A_342, %get3A_343] {strides = array<i32>} : memref<125x16xf32, #tpu.memory_space<vmem>>, vector<16xf32>,
        %mul3A_345 = arith.mulf %get3A_344, %gather3A_341 : vector<16xf32>
        %swap3A_346 = arith.index_cast %scan3A_339 : i32 to index
        %swap3A_347 = arith.constant 0 : index
        %swap3A_348 = tpu.vector_load %arg15[%swap3A_346, %swap3A_347] {strides = array<i32>} : memref<125x16xf32, #tpu.memory_space<vmem>>, vector<16xf32>,
        tpu.vector_store %arg15[%swap3A_346, %swap3A_347], %mul3A_345 {strides = array<i32>} : memref<125x16xf32, #tpu.memory_space<vmem>>, vector<16xf32>,
        %scan3A_349 = arith.constant 0 : i32
        %scan3A_350 = arith.constant 5 : i32
        %scan3A_351 = arith.addi %scan3A_290, %scan3A_350 : i32
        %broadcast_in_dim3A_352 = vector.broadcast %scan3A_351 : i32 to vector<16xi32>
        %gather3A_353 = tpu.vector_load_idx %arg13[%broadcast_in_dim3A_352] : memref<125xf32, #tpu.memory_space<vmem>>[vector<16xi32>], vector<16xf32>,
        %get3A_354 = arith.index_cast %scan3A_351 : i32 to index
        %get3A_355 = arith.constant 0 : index
        %get3A_356 = tpu.vector_load %arg15[%get3A_354, %get3A_355] {strides = array<i32>} : memref<125x16xf32, #tpu.memory_space<vmem>>, vector<16xf32>,
        %mul3A_357 = arith.mulf %get3A_356, %gather3A_353 : vector<16xf32>
        %swap3A_358 = arith.index_cast %scan3A_351 : i32 to index
        %swap3A_359 = arith.constant 0 : index
        %swap3A_360 = tpu.vector_load %arg15[%swap3A_358, %swap3A_359] {strides = array<i32>} : memref<125x16xf32, #tpu.memory_space<vmem>>, vector<16xf32>,
        tpu.vector_store %arg15[%swap3A_358, %swap3A_359], %mul3A_357 {strides = array<i32>} : memref<125x16xf32, #tpu.memory_space<vmem>>, vector<16xf32>,
        %scan3A_361 = arith.constant 0 : i32
        %scan3A_362 = arith.constant 6 : i32
        %scan3A_363 = arith.addi %scan3A_290, %scan3A_362 : i32
        %broadcast_in_dim3A_364 = vector.broadcast %scan3A_363 : i32 to vector<16xi32>
        %gather3A_365 = tpu.vector_load_idx %arg13[%broadcast_in_dim3A_364] : memref<125xf32, #tpu.memory_space<vmem>>[vector<16xi32>], vector<16xf32>,
        %get3A_366 = arith.index_cast %scan3A_363 : i32 to index
        %get3A_367 = arith.constant 0 : index
        %get3A_368 = tpu.vector_load %arg15[%get3A_366, %get3A_367] {strides = array<i32>} : memref<125x16xf32, #tpu.memory_space<vmem>>, vector<16xf32>,
        %mul3A_369 = arith.mulf %get3A_368, %gather3A_365 : vector<16xf32>
        %swap3A_370 = arith.index_cast %scan3A_363 : i32 to index
        %swap3A_371 = arith.constant 0 : index
        %swap3A_372 = tpu.vector_load %arg15[%swap3A_370, %swap3A_371] {strides = array<i32>} : memref<125x16xf32, #tpu.memory_space<vmem>>, vector<16xf32>,
        tpu.vector_store %arg15[%swap3A_370, %swap3A_371], %mul3A_369 {strides = array<i32>} : memref<125x16xf32, #tpu.memory_space<vmem>>, vector<16xf32>,
        %scan3A_373 = arith.constant 0 : i32
        %scan3A_374 = arith.constant 7 : i32
        %scan3A_375 = arith.addi %scan3A_290, %scan3A_374 : i32
        %broadcast_in_dim3A_376 = vector.broadcast %scan3A_375 : i32 to vector<16xi32>
        %gather3A_377 = tpu.vector_load_idx %arg13[%broadcast_in_dim3A_376] : memref<125xf32, #tpu.memory_space<vmem>>[vector<16xi32>], vector<16xf32>,
        %get3A_378 = arith.index_cast %scan3A_375 : i32 to index
        %get3A_379 = arith.constant 0 : index
        %get3A_380 = tpu.vector_load %arg15[%get3A_378, %get3A_379] {strides = array<i32>} : memref<125x16xf32, #tpu.memory_space<vmem>>, vector<16xf32>,
        %mul3A_381 = arith.mulf %get3A_380, %gather3A_377 : vector<16xf32>
        %swap3A_382 = arith.index_cast %scan3A_375 : i32 to index
        %swap3A_383 = arith.constant 0 : index
        %swap3A_384 = tpu.vector_load %arg15[%swap3A_382, %swap3A_383] {strides = array<i32>} : memref<125x16xf32, #tpu.memory_space<vmem>>, vector<16xf32>,
        tpu.vector_store %arg15[%swap3A_382, %swap3A_383], %mul3A_381 {strides = array<i32>} : memref<125x16xf32, #tpu.memory_space<vmem>>, vector<16xf32>,
        %scan3A_385 = arith.constant 0 : i32
        scf.yield %scan3A_385 : i32
      }
      %scan3A_205 = arith.constant 120 : i32
      %scan3A_206 = arith.addi %scan3A_200, %scan3A_205 : i32
      %broadcast_in_dim3A_207 = vector.broadcast %scan3A_206 : i32 to vector<16xi32>
      %gather3A_208 = tpu.vector_load_idx %arg13[%broadcast_in_dim3A_207] : memref<125xf32, #tpu.memory_space<vmem>>[vector<16xi32>], vector<16xf32>,
      %get3A_209 = arith.index_cast %scan3A_206 : i32 to index
      %get3A_210 = arith.constant 0 : index
      %get3A_211 = tpu.vector_load %arg15[%get3A_209, %get3A_210] {strides = array<i32>} : memref<125x16xf32, #tpu.memory_space<vmem>>, vector<16xf32>,
      %mul3A_212 = arith.mulf %get3A_211, %gather3A_208 : vector<16xf32>
      %swap3A_213 = arith.index_cast %scan3A_206 : i32 to index
      %swap3A_214 = arith.constant 0 : index
      %swap3A_215 = tpu.vector_load %arg15[%swap3A_213, %swap3A_214] {strides = array<i32>} : memref<125x16xf32, #tpu.memory_space<vmem>>, vector<16xf32>,
      tpu.vector_store %arg15[%swap3A_213, %swap3A_214], %mul3A_212 {strides = array<i32>} : memref<125x16xf32, #tpu.memory_space<vmem>>, vector<16xf32>,
      %scan3A_216 = arith.constant 0 : i32
      %scan3A_217 = arith.constant 121 : i32
      %scan3A_218 = arith.addi %scan3A_200, %scan3A_217 : i32
      %broadcast_in_dim3A_219 = vector.broadcast %scan3A_218 : i32 to vector<16xi32>
      %gather3A_220 = tpu.vector_load_idx %arg13[%broadcast_in_dim3A_219] : memref<125xf32, #tpu.memory_space<vmem>>[vector<16xi32>], vector<16xf32>,
      %get3A_221 = arith.index_cast %scan3A_218 : i32 to index
      %get3A_222 = arith.constant 0 : index
      %get3A_223 = tpu.vector_load %arg15[%get3A_221, %get3A_222] {strides = array<i32>} : memref<125x16xf32, #tpu.memory_space<vmem>>, vector<16xf32>,
      %mul3A_224 = arith.mulf %get3A_223, %gather3A_220 : vector<16xf32>
      %swap3A_225 = arith.index_cast %scan3A_218 : i32 to index
      %swap3A_226 = arith.constant 0 : index
      %swap3A_227 = tpu.vector_load %arg15[%swap3A_225, %swap3A_226] {strides = array<i32>} : memref<125x16xf32, #tpu.memory_space<vmem>>, vector<16xf32>,
      tpu.vector_store %arg15[%swap3A_225, %swap3A_226], %mul3A_224 {strides = array<i32>} : memref<125x16xf32, #tpu.memory_space<vmem>>, vector<16xf32>,
      %scan3A_228 = arith.constant 0 : i32
      %scan3A_229 = arith.constant 122 : i32
      %scan3A_230 = arith.addi %scan3A_200, %scan3A_229 : i32
      %broadcast_in_dim3A_231 = vector.broadcast %scan3A_230 : i32 to vector<16xi32>
      %gather3A_232 = tpu.vector_load_idx %arg13[%broadcast_in_dim3A_231] : memref<125xf32, #tpu.memory_space<vmem>>[vector<16xi32>], vector<16xf32>,
      %get3A_233 = arith.index_cast %scan3A_230 : i32 to index
      %get3A_234 = arith.constant 0 : index
      %get3A_235 = tpu.vector_load %arg15[%get3A_233, %get3A_234] {strides = array<i32>} : memref<125x16xf32, #tpu.memory_space<vmem>>, vector<16xf32>,
      %mul3A_236 = arith.mulf %get3A_235, %gather3A_232 : vector<16xf32>
      %swap3A_237 = arith.index_cast %scan3A_230 : i32 to index
      %swap3A_238 = arith.constant 0 : index
      %swap3A_239 = tpu.vector_load %arg15[%swap3A_237, %swap3A_238] {strides = array<i32>} : memref<125x16xf32, #tpu.memory_space<vmem>>, vector<16xf32>,
      tpu.vector_store %arg15[%swap3A_237, %swap3A_238], %mul3A_236 {strides = array<i32>} : memref<125x16xf32, #tpu.memory_space<vmem>>, vector<16xf32>,
      %scan3A_240 = arith.constant 0 : i32
      %scan3A_241 = arith.constant 123 : i32
      %scan3A_242 = arith.addi %scan3A_200, %scan3A_241 : i32
      %broadcast_in_dim3A_243 = vector.broadcast %scan3A_242 : i32 to vector<16xi32>
      %gather3A_244 = tpu.vector_load_idx %arg13[%broadcast_in_dim3A_243] : memref<125xf32, #tpu.memory_space<vmem>>[vector<16xi32>], vector<16xf32>,
      %get3A_245 = arith.index_cast %scan3A_242 : i32 to index
      %get3A_246 = arith.constant 0 : index
      %get3A_247 = tpu.vector_load %arg15[%get3A_245, %get3A_246] {strides = array<i32>} : memref<125x16xf32, #tpu.memory_space<vmem>>, vector<16xf32>,
      %mul3A_248 = arith.mulf %get3A_247, %gather3A_244 : vector<16xf32>
      %swap3A_249 = arith.index_cast %scan3A_242 : i32 to index
      %swap3A_250 = arith.constant 0 : index
      %swap3A_251 = tpu.vector_load %arg15[%swap3A_249, %swap3A_250] {strides = array<i32>} : memref<125x16xf32, #tpu.memory_space<vmem>>, vector<16xf32>,
      tpu.vector_store %arg15[%swap3A_249, %swap3A_250], %mul3A_248 {strides = array<i32>} : memref<125x16xf32, #tpu.memory_space<vmem>>, vector<16xf32>,
      %scan3A_252 = arith.constant 0 : i32
      %scan3A_253 = arith.constant 124 : i32
      %scan3A_254 = arith.addi %scan3A_200, %scan3A_253 : i32
      %broadcast_in_dim3A_255 = vector.broadcast %scan3A_254 : i32 to vector<16xi32>
      %gather3A_256 = tpu.vector_load_idx %arg13[%broadcast_in_dim3A_255] : memref<125xf32, #tpu.memory_space<vmem>>[vector<16xi32>], vector<16xf32>,
      %get3A_257 = arith.index_cast %scan3A_254 : i32 to index
      %get3A_258 = arith.constant 0 : index
      %get3A_259 = tpu.vector_load %arg15[%get3A_257, %get3A_258] {strides = array<i32>} : memref<125x16xf32, #tpu.memory_space<vmem>>, vector<16xf32>,
      %mul3A_260 = arith.mulf %get3A_259, %gather3A_256 : vector<16xf32>
      %swap3A_261 = arith.index_cast %scan3A_254 : i32 to index
      %swap3A_262 = arith.constant 0 : index
      %swap3A_263 = tpu.vector_load %arg15[%swap3A_261, %swap3A_262] {strides = array<i32>} : memref<125x16xf32, #tpu.memory_space<vmem>>, vector<16xf32>,
      tpu.vector_store %arg15[%swap3A_261, %swap3A_262], %mul3A_260 {strides = array<i32>} : memref<125x16xf32, #tpu.memory_space<vmem>>, vector<16xf32>,
      %scan3A_264 = arith.constant 0 : i32
      %scan3A_265 = arith.constant 125 : i32
      %add3A_266 = arith.constant 2 : i32
      %add3A_267 = arith.addi %add3A_176, %add3A_266 : i32
      %lt3A_268 = arith.constant 80 : i32
      %lt3A_269 = arith.cmpi slt, %add3A_267, %lt3A_268 : i32
      %convert_element_type3A_270 = arith.extui %lt3A_269 : i1 to i32
      %cond3A_271 = arith.constant 0 : i32
      %cond3A_272 = arith.cmpi ne, %convert_element_type3A_270, %cond3A_271 : i32
      scf.if %cond3A_272 {
        %add3A_290 = arith.constant 2 : i32
        %add3A_291 = arith.addi %add3A_176, %add3A_290 : i32
        %dma_start3A_292 = arith.constant 0 : i32
        %dma_start3A_293 = tpu.memref_slice %arg3[%add3A, %add3A_291, %dma_start3A_292] : memref<32x80x125xi32, #tpu.memory_space<hbm>> -> memref<1x1x125xi32, #tpu.memory_space<hbm>>
        %dma_start3A_294 = tpu.memref_squeeze %dma_start3A_293 : memref<1x1x125xi32, #tpu.memory_space<hbm>> -> memref<125xi32, #tpu.memory_space<hbm>>
        %dma_start3A_295 = arith.constant 0 : i32
        %dma_start3A_296 = tpu.memref_slice %arg3[%add3A, %add3A_291, %dma_start3A_295] : memref<32x80x125xi32, #tpu.memory_space<hbm>> -> memref<1x1x125xi32, #tpu.memory_space<hbm>>
        %dma_start3A_297 = tpu.memref_squeeze %dma_start3A_296 : memref<1x1x125xi32, #tpu.memory_space<hbm>> -> memref<125xi32, #tpu.memory_space<hbm>>
        tpu.enqueue_dma source(%dma_start3A_297 : memref<125xi32, #tpu.memory_space<hbm>>) target(%arg9 : memref<125xi32, #tpu.memory_space<vmem>>) target_semaphore(%arg18 : memref<!tpu.dma_semaphore, #tpu.memory_space<semaphore_mem>>)
        %add3A_298 = arith.constant 2 : i32
        %add3A_299 = arith.addi %add3A_176, %add3A_298 : i32
        %dma_start3A_300 = arith.constant 0 : i32
        %dma_start3A_301 = tpu.memref_slice %arg5[%add3A, %add3A_299, %dma_start3A_300] : memref<32x80x125xf32, #tpu.memory_space<hbm>> -> memref<1x1x125xf32, #tpu.memory_space<hbm>>
        %dma_start3A_302 = tpu.memref_squeeze %dma_start3A_301 : memref<1x1x125xf32, #tpu.memory_space<hbm>> -> memref<125xf32, #tpu.memory_space<hbm>>
        %dma_start3A_303 = arith.constant 0 : i32
        %dma_start3A_304 = tpu.memref_slice %arg5[%add3A, %add3A_299, %dma_start3A_303] : memref<32x80x125xf32, #tpu.memory_space<hbm>> -> memref<1x1x125xf32, #tpu.memory_space<hbm>>
        %dma_start3A_305 = tpu.memref_squeeze %dma_start3A_304 : memref<1x1x125xf32, #tpu.memory_space<hbm>> -> memref<125xf32, #tpu.memory_space<hbm>>
        tpu.enqueue_dma source(%dma_start3A_305 : memref<125xf32, #tpu.memory_space<hbm>>) target(%arg13 : memref<125xf32, #tpu.memory_space<vmem>>) target_semaphore(%arg18 : memref<!tpu.dma_semaphore, #tpu.memory_space<semaphore_mem>>)
      } else {
      }
      %dma_wait3A_273 = arith.constant 0 : i32
      %dma_wait3A_274 = tpu.memref_slice %arg4[%add3A, %add3A_176, %dma_wait3A_273] : memref<32x80x125xi32, #tpu.memory_space<hbm>> -> memref<1x1x125xi32, #tpu.memory_space<hbm>>
      %dma_wait3A_275 = tpu.memref_squeeze %dma_wait3A_274 : memref<1x1x125xi32, #tpu.memory_space<hbm>> -> memref<125xi32, #tpu.memory_space<hbm>>
      %dma_wait3A_276 = arith.constant 0 : i32
      %dma_wait3A_277 = tpu.memref_slice %arg4[%add3A, %add3A_176, %dma_wait3A_276] : memref<32x80x125xi32, #tpu.memory_space<hbm>> -> memref<1x1x125xi32, #tpu.memory_space<hbm>>
      %dma_wait3A_278 = tpu.memref_squeeze %dma_wait3A_277 : memref<1x1x125xi32, #tpu.memory_space<hbm>> -> memref<125xi32, #tpu.memory_space<hbm>>
      tpu.wait_dma2 semaphore(%arg20 : memref<!tpu.dma_semaphore, #tpu.memory_space<semaphore_mem>>) src(%dma_wait3A_278 : memref<125xi32, #tpu.memory_space<hbm>>) dst(%arg11 : memref<125xi32, #tpu.memory_space<vmem>>)
      %lt3A_279 = arith.constant 79 : i32
      %lt3A_280 = arith.cmpi slt, %add3A_176, %lt3A_279 : i32
      %convert_element_type3A_281 = arith.extui %lt3A_280 : i1 to i32
      %cond3A_282 = arith.constant 0 : i32
      %cond3A_283 = arith.cmpi ne, %convert_element_type3A_281, %cond3A_282 : i32
      scf.if %cond3A_283 {
        %dma_start3A_290 = arith.constant 0 : i32
        %dma_start3A_291 = arith.constant 0 : i32
        %dma_start3A_292 = tpu.memref_slice %arg16[%dma_start3A_290, %dma_start3A_291] : memref<10112x16xf32, #tpu.memory_space<vmem_shared>> -> memref<10112x16xf32, #tpu.memory_space<vmem_shared>>
        tpu.enqueue_indirect_dma source(%arg15 : memref<125x16xf32, #tpu.memory_space<vmem>>) target(%dma_start3A_292 : memref<10112x16xf32, #tpu.memory_space<vmem_shared>>) offsets(%arg11 : memref<125xi32, #tpu.memory_space<vmem>>) semaphore(%arg24 : memref<!tpu.dma_semaphore, #tpu.memory_space<semaphore_mem>>) {add = true}
      } else {
      }
      %eq3A_284 = arith.constant 79 : i32
      %eq3A_285 = arith.cmpi eq, %add3A_176, %eq3A_284 : i32
      %convert_element_type3A_286 = arith.extui %eq3A_285 : i1 to i32
      %cond3A_287 = arith.constant 0 : i32
      %cond3A_288 = arith.cmpi ne, %convert_element_type3A_286, %cond3A_287 : i32
      scf.if %cond3A_288 {
        "tpu.region"() ({
          %run_scoped3A = tpu.sem_alloc : memref<!tpu.dma_semaphore, #tpu.memory_space<semaphore_mem>>
          %dma_start3A_290 = arith.constant 0 : i32
          %dma_start3A_291 = arith.constant 0 : i32
          %dma_start3A_292 = tpu.memref_slice %arg16[%dma_start3A_290, %dma_start3A_291] : memref<10112x16xf32, #tpu.memory_space<vmem_shared>> -> memref<10112x16xf32, #tpu.memory_space<vmem_shared>>
          tpu.enqueue_indirect_dma source(%arg15 : memref<125x16xf32, #tpu.memory_space<vmem>>) target(%dma_start3A_292 : memref<10112x16xf32, #tpu.memory_space<vmem_shared>>) offsets(%arg11 : memref<125xi32, #tpu.memory_space<vmem>>) semaphore(%run_scoped3A : memref<!tpu.dma_semaphore, #tpu.memory_space<semaphore_mem>>) {add = true}
          %dma_wait3A_293 = arith.constant 0 : i32
          %dma_wait3A_294 = arith.constant 0 : i32
          %dma_wait3A_295 = tpu.memref_slice %arg16[%dma_wait3A_293, %dma_wait3A_294] : memref<10112x16xf32, #tpu.memory_space<vmem_shared>> -> memref<10112x16xf32, #tpu.memory_space<vmem_shared>>
          tpu.wait_indirect_dma semaphore(%run_scoped3A : memref<!tpu.dma_semaphore, #tpu.memory_space<semaphore_mem>>) src(%arg15 : memref<125x16xf32, #tpu.memory_space<vmem>>) dst(%dma_wait3A_295 : memref<10112x16xf32, #tpu.memory_space<vmem_shared>>)
          tpu.yield
        }) : () -> ()
      } else {
      }
      %scan3A_289 = arith.constant 0 : i32
      scf.yield %scan3A_289 : i32
    }
    %scan3A_58 = arith.constant 40 : i32
    %barrier3A_59 = arith.constant 0 : index
    tpu.barrier barrier_id(%barrier3A_59)
    %mul3A_60 = arith.constant 632 : i32
    %mul3A_61 = arith.muli %arg1, %mul3A_60 : i32
    %mul3A_62 = arith.constant 632 : i32
    %mul3A_63 = arith.muli %arg1, %mul3A_62 : i32
    "tpu.region"() ({
      %run_scoped3A = tpu.sem_alloc : memref<!tpu.dma_semaphore, #tpu.memory_space<semaphore_mem>>
      %dma_start3A_64 = arith.constant 0 : i32
      %dma_start3A_65 = tpu.memref_slice %arg7[%arg0, %mul3A_63, %dma_start3A_64] : memref<2x10112x16xf32, #tpu.memory_space<hbm>> -> memref<1x632x16xf32, #tpu.memory_space<hbm>>
      %dma_start3A_66 = tpu.memref_squeeze %dma_start3A_65 : memref<1x632x16xf32, #tpu.memory_space<hbm>> -> memref<632x16xf32, #tpu.memory_space<hbm>>
      %dma_start3A_67 = arith.constant 0 : i32
      %dma_start3A_68 = tpu.memref_slice %arg16[%mul3A_61, %dma_start3A_67] : memref<10112x16xf32, #tpu.memory_space<vmem_shared>> -> memref<632x16xf32, #tpu.memory_space<vmem_shared>>
      tpu.enqueue_dma source(%dma_start3A_68 : memref<632x16xf32, #tpu.memory_space<vmem_shared>>) target(%dma_start3A_66 : memref<632x16xf32, #tpu.memory_space<hbm>>) target_semaphore(%run_scoped3A : memref<!tpu.dma_semaphore, #tpu.memory_space<semaphore_mem>>)
      %dma_wait3A_69 = arith.constant 0 : i32
      %dma_wait3A_70 = tpu.memref_slice %arg7[%arg0, %mul3A_63, %dma_wait3A_69] : memref<2x10112x16xf32, #tpu.memory_space<hbm>> -> memref<1x632x16xf32, #tpu.memory_space<hbm>>
      %dma_wait3A_71 = tpu.memref_squeeze %dma_wait3A_70 : memref<1x632x16xf32, #tpu.memory_space<hbm>> -> memref<632x16xf32, #tpu.memory_space<hbm>>
      %dma_wait3A_72 = arith.constant 0 : i32
      %dma_wait3A_73 = tpu.memref_slice %arg16[%mul3A_61, %dma_wait3A_72] : memref<10112x16xf32, #tpu.memory_space<vmem_shared>> -> memref<632x16xf32, #tpu.memory_space<vmem_shared>>
      tpu.wait_dma2 semaphore(%run_scoped3A : memref<!tpu.dma_semaphore, #tpu.memory_space<semaphore_mem>>) src(%dma_wait3A_73 : memref<632x16xf32, #tpu.memory_space<vmem_shared>>) dst(%dma_wait3A_71 : memref<632x16xf32, #tpu.memory_space<hbm>>)
      tpu.yield
    }) : () -> ()
    return
  }
}

module attributes {stable_mosaic.version = 14 : i64} {
  func.func @_fold_body(%arg0: memref<128x128xf32, #tpu.memory_space<vmem>>, %arg1: memref<1x128xf32, #tpu.memory_space<vmem>>, %arg2: memref<128x192xf32, #tpu.memory_space<vmem>>, %arg3: memref<192x192xf32, #tpu.memory_space<vmem>>, %arg4: memref<192x16xf32, #tpu.memory_space<vmem>>, %arg5: memref<128x192xf32, #tpu.memory_space<vmem>>, %arg6: memref<1x192xf32, #tpu.memory_space<vmem>>, %arg7: memref<1x192xf32, #tpu.memory_space<vmem>>, %arg8: memref<1x16xf32, #tpu.memory_space<vmem>>, %arg9: memref<128x192xf32, #tpu.memory_space<vmem>>, %arg10: memref<1x192xf32, #tpu.memory_space<vmem>>, %arg11: memref<192x16xf32, #tpu.memory_space<vmem>>, %arg12: memref<128x16xf32, #tpu.memory_space<vmem>>, %arg13: memref<1x16xf32, #tpu.memory_space<vmem>>) attributes {dimension_semantics = [], scalar_prefetch = 0 : i64, scratch_operands = 0 : i64, tpu.core_type = #tpu.core_type<tc>} {
    %get3A = arith.constant 0 : index
    %get3A_0 = arith.constant 0 : index
    %get3A_1 = vector.load %arg0[%get3A, %get3A_0] : memref<128x128xf32, #tpu.memory_space<vmem>>, vector<128x128xf32>
    %get3A_2 = arith.constant 0 : index
    %get3A_3 = arith.constant 0 : index
    %get3A_4 = vector.load %arg1[%get3A_2, %get3A_3] : memref<1x128xf32, #tpu.memory_space<vmem>>, vector<1x128xf32>
    %get3A_5 = arith.constant 0 : index
    %get3A_6 = arith.constant 0 : index
    %get3A_7 = vector.load %arg4[%get3A_5, %get3A_6] : memref<192x16xf32, #tpu.memory_space<vmem>>, vector<192x16xf32>
    %get3A_8 = arith.constant 0 : index
    %get3A_9 = arith.constant 0 : index
    %get3A_10 = vector.load %arg5[%get3A_8, %get3A_9] : memref<128x192xf32, #tpu.memory_space<vmem>>, vector<128x192xf32>
    %get3A_11 = arith.constant 0 : index
    %get3A_12 = arith.constant 0 : index
    %get3A_13 = vector.load %arg2[%get3A_11, %get3A_12] : memref<128x192xf32, #tpu.memory_space<vmem>>, vector<128x192xf32>
    %dot_general3A = arith.constant dense<0.000000e+00> : vector<128x192xf32>
    %dot_general3A_14 = tpu.matmul %get3A_1, %get3A_13, %dot_general3A {dimension_numbers = #tpu.dot_dimension_numbers<[1], [0], [0], [1], [0, 0, 1, 1], [], []>, transpose_lhs_hint = false} : vector<128x128xf32>, vector<128x192xf32>, vector<128x192xf32> -> vector<128x192xf32>
    %swap3A = arith.constant 0 : index
    %swap3A_15 = arith.constant 0 : index
    %swap3A_16 = vector.load %arg9[%swap3A, %swap3A_15] : memref<128x192xf32, #tpu.memory_space<vmem>>, vector<128x192xf32>
    tpu.vector_store %arg9[%swap3A, %swap3A_15], %dot_general3A_14 {strides = array<i32>} : memref<128x192xf32, #tpu.memory_space<vmem>>, vector<128x192xf32>,
    %get3A_17 = arith.constant 0 : index
    %get3A_18 = arith.constant 0 : index
    %get3A_19 = vector.load %arg2[%get3A_17, %get3A_18] : memref<128x192xf32, #tpu.memory_space<vmem>>, vector<128x192xf32>
    %dot_general3A_20 = arith.constant dense<0.000000e+00> : vector<1x192xf32>
    %dot_general3A_21 = tpu.matmul %get3A_4, %get3A_19, %dot_general3A_20 {dimension_numbers = #tpu.dot_dimension_numbers<[1], [0], [0], [1], [0, 0, 1, 1], [], []>, transpose_lhs_hint = false} : vector<1x128xf32>, vector<128x192xf32>, vector<1x192xf32> -> vector<1x192xf32>
    %swap3A_22 = arith.constant 0 : index
    %swap3A_23 = arith.constant 0 : index
    %swap3A_24 = vector.load %arg10[%swap3A_22, %swap3A_23] : memref<1x192xf32, #tpu.memory_space<vmem>>, vector<1x192xf32>
    tpu.vector_store %arg10[%swap3A_22, %swap3A_23], %dot_general3A_21 {strides = array<i32>} : memref<1x192xf32, #tpu.memory_space<vmem>>, vector<1x192xf32>,
    %get3A_25 = arith.constant 0 : index
    %get3A_26 = arith.constant 0 : index
    %get3A_27 = vector.load %arg3[%get3A_25, %get3A_26] : memref<192x192xf32, #tpu.memory_space<vmem>>, vector<192x192xf32>
    %dot_general3A_28 = arith.constant dense<0.000000e+00> : vector<192x16xf32>
    %dot_general3A_29 = tpu.matmul %get3A_27, %get3A_7, %dot_general3A_28 {dimension_numbers = #tpu.dot_dimension_numbers<[1], [0], [0], [1], [0, 0, 1, 1], [], []>, transpose_lhs_hint = false} : vector<192x192xf32>, vector<192x16xf32>, vector<192x16xf32> -> vector<192x16xf32>
    %swap3A_30 = arith.constant 0 : index
    %swap3A_31 = arith.constant 0 : index
    %swap3A_32 = vector.load %arg11[%swap3A_30, %swap3A_31] : memref<192x16xf32, #tpu.memory_space<vmem>>, vector<192x16xf32>
    tpu.vector_store %arg11[%swap3A_30, %swap3A_31], %dot_general3A_29 {strides = array<i32>} : memref<192x16xf32, #tpu.memory_space<vmem>>, vector<192x16xf32>,
    %dot_general3A_33 = arith.constant dense<0.000000e+00> : vector<128x192xf32>
    %dot_general3A_34 = tpu.matmul %get3A_1, %get3A_10, %dot_general3A_33 {dimension_numbers = #tpu.dot_dimension_numbers<[1], [0], [0], [1], [0, 0, 1, 1], [], []>, transpose_lhs_hint = false} : vector<128x128xf32>, vector<128x192xf32>, vector<128x192xf32> -> vector<128x192xf32>
    %dot_general3A_35 = arith.constant dense<0.000000e+00> : vector<128x16xf32>
    %dot_general3A_36 = tpu.matmul %dot_general3A_34, %get3A_7, %dot_general3A_35 {dimension_numbers = #tpu.dot_dimension_numbers<[1], [0], [0], [1], [0, 0, 1, 1], [], []>, transpose_lhs_hint = false} : vector<128x192xf32>, vector<192x16xf32>, vector<128x16xf32> -> vector<128x16xf32>
    %swap3A_37 = arith.constant 0 : index
    %swap3A_38 = arith.constant 0 : index
    %swap3A_39 = vector.load %arg12[%swap3A_37, %swap3A_38] : memref<128x16xf32, #tpu.memory_space<vmem>>, vector<128x16xf32>
    tpu.vector_store %arg12[%swap3A_37, %swap3A_38], %dot_general3A_36 {strides = array<i32>} : memref<128x16xf32, #tpu.memory_space<vmem>>, vector<128x16xf32>,
    %dot_general3A_40 = arith.constant dense<0.000000e+00> : vector<1x192xf32>
    %dot_general3A_41 = tpu.matmul %get3A_4, %get3A_10, %dot_general3A_40 {dimension_numbers = #tpu.dot_dimension_numbers<[1], [0], [0], [1], [0, 0, 1, 1], [], []>, transpose_lhs_hint = false} : vector<1x128xf32>, vector<128x192xf32>, vector<1x192xf32> -> vector<1x192xf32>
    %get3A_42 = arith.constant 0 : index
    %get3A_43 = arith.constant 0 : index
    %get3A_44 = vector.load %arg6[%get3A_42, %get3A_43] : memref<1x192xf32, #tpu.memory_space<vmem>>, vector<1x192xf32>
    %add3A = arith.addf %dot_general3A_41, %get3A_44 : vector<1x192xf32>
    %get3A_45 = arith.constant 0 : index
    %get3A_46 = arith.constant 0 : index
    %get3A_47 = vector.load %arg7[%get3A_45, %get3A_46] : memref<1x192xf32, #tpu.memory_space<vmem>>, vector<1x192xf32>
    %mul3A = arith.constant 5.000000e-01 : f32
    %mul3A_48 = vector.broadcast %mul3A : f32 to vector<1x192xf32>
    %mul3A_49 = arith.mulf %mul3A_48, %get3A_47 : vector<1x192xf32>
    %add3A_50 = arith.addf %add3A, %mul3A_49 : vector<1x192xf32>
    %dot_general3A_51 = arith.constant dense<0.000000e+00> : vector<1x16xf32>
    %dot_general3A_52 = tpu.matmul %add3A_50, %get3A_7, %dot_general3A_51 {dimension_numbers = #tpu.dot_dimension_numbers<[1], [0], [0], [1], [0, 0, 1, 1], [], []>, transpose_lhs_hint = false} : vector<1x192xf32>, vector<192x16xf32>, vector<1x16xf32> -> vector<1x16xf32>
    %get3A_53 = arith.constant 0 : index
    %get3A_54 = arith.constant 0 : index
    %get3A_55 = vector.load %arg8[%get3A_53, %get3A_54] : memref<1x16xf32, #tpu.memory_space<vmem>>, vector<1x16xf32>
    %add3A_56 = arith.addf %dot_general3A_52, %get3A_55 : vector<1x16xf32>
    %swap3A_57 = arith.constant 0 : index
    %swap3A_58 = arith.constant 0 : index
    %swap3A_59 = vector.load %arg13[%swap3A_57, %swap3A_58] : memref<1x16xf32, #tpu.memory_space<vmem>>, vector<1x16xf32>
    tpu.vector_store %arg13[%swap3A_57, %swap3A_58], %add3A_56 {strides = array<i32>} : memref<1x16xf32, #tpu.memory_space<vmem>>, vector<1x16xf32>,
    return
  }
}

module attributes {stable_mosaic.version = 14 : i64} {
  func.func @_lin_b_body2(%arg0: i32, %arg1: memref<2x10112x144xf32, #tpu.memory_space<any>>, %arg2: memref<1000x128xf32, #tpu.memory_space<vmem>>, %arg3: memref<1x192xf32, #tpu.memory_space<vmem>>, %arg4: memref<128x192xf32, #tpu.memory_space<vmem>>, %arg5: memref<1x192xf32, #tpu.memory_space<vmem>>, %arg6: memref<192x16xf32, #tpu.memory_space<vmem>>, %arg7: memref<128x16xf32, #tpu.memory_space<vmem>>, %arg8: memref<1x16xf32, #tpu.memory_space<vmem>>, %arg9: memref<10000x16xf32, #tpu.memory_space<any>>, %arg10: memref<10000x16xf32, #tpu.memory_space<any>>, %arg11: memref<2x1000x144xf32, #tpu.memory_space<vmem>>, %arg12: memref<1000x16xf32, #tpu.memory_space<vmem>>, %arg13: memref<1000x16xf32, #tpu.memory_space<vmem>>, %arg14: memref<!tpu.dma_semaphore, #tpu.memory_space<semaphore_mem>>, %arg15: memref<!tpu.dma_semaphore, #tpu.memory_space<semaphore_mem>>) attributes {dimension_semantics = [#tpu.dimension_semantics<arbitrary>], iteration_bounds = array<i64: 10>, scalar_prefetch = 0 : i64, scratch_operands = 5 : i64, tpu.core_type = #tpu.core_type<tc>, window_params = [{}, {transform_indices = @transform_1, window_bounds = array<i64: 1000, 128>}, {pipeline_mode = #tpu.pipeline_mode<synchronous>, transform_indices = @transform_2, window_bounds = array<i64: 1, 192>}, {pipeline_mode = #tpu.pipeline_mode<synchronous>, transform_indices = @transform_3, window_bounds = array<i64: 128, 192>}, {pipeline_mode = #tpu.pipeline_mode<synchronous>, transform_indices = @transform_4, window_bounds = array<i64: 1, 192>}, {pipeline_mode = #tpu.pipeline_mode<synchronous>, transform_indices = @transform_5, window_bounds = array<i64: 192, 16>}, {pipeline_mode = #tpu.pipeline_mode<synchronous>, transform_indices = @transform_6, window_bounds = array<i64: 128, 16>}, {pipeline_mode = #tpu.pipeline_mode<synchronous>, transform_indices = @transform_7, window_bounds = array<i64: 1, 16>}, {}, {}]} {
    %mul3A = arith.constant 1000 : i32
    %mul3A_0 = arith.muli %arg0, %mul3A : i32
    %dma_start3A = arith.constant 0 : i32
    %dma_start3A_1 = arith.constant 0 : i32
    %dma_start3A_2 = tpu.memref_slice %arg1[%dma_start3A, %mul3A_0, %dma_start3A_1] : memref<2x10112x144xf32, #tpu.memory_space<any>> -> memref<2x1000x144xf32, #tpu.memory_space<any>>
    tpu.enqueue_dma source(%dma_start3A_2 : memref<2x1000x144xf32, #tpu.memory_space<any>>) target(%arg11 : memref<2x1000x144xf32, #tpu.memory_space<vmem>>) target_semaphore(%arg14 : memref<!tpu.dma_semaphore, #tpu.memory_space<semaphore_mem>>)
    %mul3A_3 = arith.constant 1000 : i32
    %mul3A_4 = arith.muli %arg0, %mul3A_3 : i32
    %dma_wait3A = arith.constant 0 : i32
    %dma_wait3A_5 = arith.constant 0 : i32
    %dma_wait3A_6 = tpu.memref_slice %arg1[%dma_wait3A, %mul3A_4, %dma_wait3A_5] : memref<2x10112x144xf32, #tpu.memory_space<any>> -> memref<2x1000x144xf32, #tpu.memory_space<any>>
    tpu.wait_dma2 semaphore(%arg14 : memref<!tpu.dma_semaphore, #tpu.memory_space<semaphore_mem>>) src(%dma_wait3A_6 : memref<2x1000x144xf32, #tpu.memory_space<any>>) dst(%arg11 : memref<2x1000x144xf32, #tpu.memory_space<vmem>>)
    %get3A = arith.constant 0 : index
    %get3A_7 = arith.constant 0 : index
    %get3A_8 = arith.constant 0 : index
    %get3A_9 = vector.load %arg11[%get3A, %get3A_7, %get3A_8] : memref<2x1000x144xf32, #tpu.memory_space<vmem>>, vector<2x1000x144xf32>
    %slice3A = vector.extract_strided_slice %get3A_9 {offsets = [0, 0, 0], sizes = [1, 1000, 128], strides = [1, 1, 1]} : vector<2x1000x144xf32> to vector<1x1000x128xf32>
    %squeeze3A = vector.shape_cast %slice3A : vector<1x1000x128xf32> to vector<1000x128xf32>
    %slice3A_10 = vector.extract_strided_slice %get3A_9 {offsets = [1, 0, 0], sizes = [1, 1000, 128], strides = [1, 1, 1]} : vector<2x1000x144xf32> to vector<1x1000x128xf32>
    %squeeze3A_11 = vector.shape_cast %slice3A_10 : vector<1x1000x128xf32> to vector<1000x128xf32>
    %add3A = arith.addf %squeeze3A, %squeeze3A_11 : vector<1000x128xf32>
    %slice3A_12 = vector.extract_strided_slice %get3A_9 {offsets = [0, 0, 128], sizes = [1, 1000, 1], strides = [1, 1, 1]} : vector<2x1000x144xf32> to vector<1x1000x1xf32>
    %squeeze3A_13 = vector.shape_cast %slice3A_12 : vector<1x1000x1xf32> to vector<1000x1xf32>
    %slice3A_14 = vector.extract_strided_slice %get3A_9 {offsets = [1, 0, 128], sizes = [1, 1000, 1], strides = [1, 1, 1]} : vector<2x1000x144xf32> to vector<1x1000x1xf32>
    %squeeze3A_15 = vector.shape_cast %slice3A_14 : vector<1x1000x1xf32> to vector<1000x1xf32>
    %add3A_16 = arith.addf %squeeze3A_13, %squeeze3A_15 : vector<1000x1xf32>
    %get3A_17 = arith.constant 0 : index
    %get3A_18 = arith.constant 0 : index
    %get3A_19 = vector.load %arg4[%get3A_17, %get3A_18] : memref<128x192xf32, #tpu.memory_space<vmem>>, vector<128x192xf32>
    %dot_general3A = arith.constant dense<0.000000e+00> : vector<1000x192xf32>
    %dot_general3A_20 = tpu.matmul %add3A, %get3A_19, %dot_general3A {dimension_numbers = #tpu.dot_dimension_numbers<[1], [0], [0], [1], [0, 0, 1, 1], [], []>, transpose_lhs_hint = false} : vector<1000x128xf32>, vector<128x192xf32>, vector<1000x192xf32> -> vector<1000x192xf32>
    %get3A_21 = arith.constant 0 : index
    %get3A_22 = arith.constant 0 : index
    %get3A_23 = vector.load %arg5[%get3A_21, %get3A_22] : memref<1x192xf32, #tpu.memory_space<vmem>>, vector<1x192xf32>
    %mul3A_24 = vector.broadcast %add3A_16 : vector<1000x1xf32> to vector<1000x192xf32>
    %mul3A_25 = vector.broadcast %get3A_23 : vector<1x192xf32> to vector<1000x192xf32>
    %mul3A_26 = arith.mulf %mul3A_24, %mul3A_25 : vector<1000x192xf32>
    %add3A_27 = arith.addf %dot_general3A_20, %mul3A_26 : vector<1000x192xf32>
    %get3A_28 = arith.constant 0 : index
    %get3A_29 = arith.constant 0 : index
    %get3A_30 = vector.load %arg3[%get3A_28, %get3A_29] : memref<1x192xf32, #tpu.memory_space<vmem>>, vector<1x192xf32>
    %add3A_31 = vector.broadcast %get3A_30 : vector<1x192xf32> to vector<1000x192xf32>
    %add3A_32 = arith.addf %add3A_27, %add3A_31 : vector<1000x192xf32>
    %max3A = arith.constant 0.000000e+00 : f32
    %max3A_33 = vector.broadcast %max3A : f32 to vector<1000x192xf32>
    %max3A_34 = arith.maximumf %add3A_32, %max3A_33 : vector<1000x192xf32>
    %get3A_35 = arith.constant 0 : index
    %get3A_36 = arith.constant 0 : index
    %get3A_37 = vector.load %arg6[%get3A_35, %get3A_36] : memref<192x16xf32, #tpu.memory_space<vmem>>, vector<192x16xf32>
    %dot_general3A_38 = arith.constant dense<0.000000e+00> : vector<1000x16xf32>
    %dot_general3A_39 = tpu.matmul %max3A_34, %get3A_37, %dot_general3A_38 {dimension_numbers = #tpu.dot_dimension_numbers<[1], [0], [0], [1], [0, 0, 1, 1], [], []>, transpose_lhs_hint = false} : vector<1000x192xf32>, vector<192x16xf32>, vector<1000x16xf32> -> vector<1000x16xf32>
    %swap3A = arith.constant 0 : index
    %swap3A_40 = arith.constant 0 : index
    %swap3A_41 = vector.load %arg12[%swap3A, %swap3A_40] : memref<1000x16xf32, #tpu.memory_space<vmem>>, vector<1000x16xf32>
    tpu.vector_store %arg12[%swap3A, %swap3A_40], %dot_general3A_39 {strides = array<i32>} : memref<1000x16xf32, #tpu.memory_space<vmem>>, vector<1000x16xf32>,
    %get3A_42 = arith.constant 0 : index
    %get3A_43 = arith.constant 0 : index
    %get3A_44 = vector.load %arg2[%get3A_42, %get3A_43] : memref<1000x128xf32, #tpu.memory_space<vmem>>, vector<1000x128xf32>
    %get3A_45 = arith.constant 0 : index
    %get3A_46 = arith.constant 0 : index
    %get3A_47 = vector.load %arg7[%get3A_45, %get3A_46] : memref<128x16xf32, #tpu.memory_space<vmem>>, vector<128x16xf32>
    %dot_general3A_48 = arith.constant dense<0.000000e+00> : vector<1000x16xf32>
    %dot_general3A_49 = tpu.matmul %get3A_44, %get3A_47, %dot_general3A_48 {dimension_numbers = #tpu.dot_dimension_numbers<[1], [0], [0], [1], [0, 0, 1, 1], [], []>, transpose_lhs_hint = false} : vector<1000x128xf32>, vector<128x16xf32>, vector<1000x16xf32> -> vector<1000x16xf32>
    %get3A_50 = arith.constant 0 : index
    %get3A_51 = arith.constant 0 : index
    %get3A_52 = vector.load %arg8[%get3A_50, %get3A_51] : memref<1x16xf32, #tpu.memory_space<vmem>>, vector<1x16xf32>
    %add3A_53 = vector.broadcast %get3A_52 : vector<1x16xf32> to vector<1000x16xf32>
    %add3A_54 = arith.addf %dot_general3A_49, %add3A_53 : vector<1000x16xf32>
    %swap3A_55 = arith.constant 0 : index
    %swap3A_56 = arith.constant 0 : index
    %swap3A_57 = vector.load %arg13[%swap3A_55, %swap3A_56] : memref<1000x16xf32, #tpu.memory_space<vmem>>, vector<1000x16xf32>
    tpu.vector_store %arg13[%swap3A_55, %swap3A_56], %add3A_54 {strides = array<i32>} : memref<1000x16xf32, #tpu.memory_space<vmem>>, vector<1000x16xf32>,
    %mul3A_58 = arith.constant 1000 : i32
    %mul3A_59 = arith.muli %arg0, %mul3A_58 : i32
    %dma_start3A_60 = arith.constant 0 : i32
    %dma_start3A_61 = tpu.memref_slice %arg9[%mul3A_59, %dma_start3A_60] : memref<10000x16xf32, #tpu.memory_space<any>> -> memref<1000x16xf32, #tpu.memory_space<any>>
    tpu.enqueue_dma source(%arg12 : memref<1000x16xf32, #tpu.memory_space<vmem>>) target(%dma_start3A_61 : memref<1000x16xf32, #tpu.memory_space<any>>) target_semaphore(%arg15 : memref<!tpu.dma_semaphore, #tpu.memory_space<semaphore_mem>>)
    %mul3A_62 = arith.constant 1000 : i32
    %mul3A_63 = arith.muli %arg0, %mul3A_62 : i32
    %dma_wait3A_64 = arith.constant 0 : i32
    %dma_wait3A_65 = tpu.memref_slice %arg9[%mul3A_63, %dma_wait3A_64] : memref<10000x16xf32, #tpu.memory_space<any>> -> memref<1000x16xf32, #tpu.memory_space<any>>
    tpu.wait_dma2 semaphore(%arg15 : memref<!tpu.dma_semaphore, #tpu.memory_space<semaphore_mem>>) src(%arg12 : memref<1000x16xf32, #tpu.memory_space<vmem>>) dst(%dma_wait3A_65 : memref<1000x16xf32, #tpu.memory_space<any>>)
    %mul3A_66 = arith.constant 1000 : i32
    %mul3A_67 = arith.muli %arg0, %mul3A_66 : i32
    %dma_start3A_68 = arith.constant 0 : i32
    %dma_start3A_69 = tpu.memref_slice %arg10[%mul3A_67, %dma_start3A_68] : memref<10000x16xf32, #tpu.memory_space<any>> -> memref<1000x16xf32, #tpu.memory_space<any>>
    tpu.enqueue_dma source(%arg13 : memref<1000x16xf32, #tpu.memory_space<vmem>>) target(%dma_start3A_69 : memref<1000x16xf32, #tpu.memory_space<any>>) target_semaphore(%arg15 : memref<!tpu.dma_semaphore, #tpu.memory_space<semaphore_mem>>)
    %mul3A_70 = arith.constant 1000 : i32
    %mul3A_71 = arith.muli %arg0, %mul3A_70 : i32
    %dma_wait3A_72 = arith.constant 0 : i32
    %dma_wait3A_73 = tpu.memref_slice %arg10[%mul3A_71, %dma_wait3A_72] : memref<10000x16xf32, #tpu.memory_space<any>> -> memref<1000x16xf32, #tpu.memory_space<any>>
    tpu.wait_dma2 semaphore(%arg15 : memref<!tpu.dma_semaphore, #tpu.memory_space<semaphore_mem>>) src(%arg13 : memref<1000x16xf32, #tpu.memory_space<vmem>>) dst(%dma_wait3A_73 : memref<1000x16xf32, #tpu.memory_space<any>>)
    return
  }
  func.func @transform_1(%arg0: i32) -> (i32, i32) {
    %c0_i32 = arith.constant 0 : i32
    %c0_i32_0 = arith.constant 0 : i32
    return %arg0, %c0_i32 : i32, i32
  }
  func.func @transform_2(%arg0: i32) -> (i32, i32) {
    %c0_i32 = arith.constant 0 : i32
    %c0_i32_0 = arith.constant 0 : i32
    %c0_i32_1 = arith.constant 0 : i32
    return %c0_i32, %c0_i32_0 : i32, i32
  }
  func.func @transform_3(%arg0: i32) -> (i32, i32) {
    %c0_i32 = arith.constant 0 : i32
    %c0_i32_0 = arith.constant 0 : i32
    %c0_i32_1 = arith.constant 0 : i32
    return %c0_i32, %c0_i32_0 : i32, i32
  }
  func.func @transform_4(%arg0: i32) -> (i32, i32) {
    %c0_i32 = arith.constant 0 : i32
    %c0_i32_0 = arith.constant 0 : i32
    %c0_i32_1 = arith.constant 0 : i32
    return %c0_i32, %c0_i32_0 : i32, i32
  }
  func.func @transform_5(%arg0: i32) -> (i32, i32) {
    %c0_i32 = arith.constant 0 : i32
    %c0_i32_0 = arith.constant 0 : i32
    %c0_i32_1 = arith.constant 0 : i32
    return %c0_i32, %c0_i32_0 : i32, i32
  }
  func.func @transform_6(%arg0: i32) -> (i32, i32) {
    %c0_i32 = arith.constant 0 : i32
    %c0_i32_0 = arith.constant 0 : i32
    %c0_i32_1 = arith.constant 0 : i32
    return %c0_i32, %c0_i32_0 : i32, i32
  }
  func.func @transform_7(%arg0: i32) -> (i32, i32) {
    %c0_i32 = arith.constant 0 : i32
    %c0_i32_0 = arith.constant 0 : i32
    %c0_i32_1 = arith.constant 0 : i32
    return %c0_i32, %c0_i32_0 : i32, i32
  }
}

module attributes {stable_mosaic.version = 14 : i64} {
  func.func @_final_body(%arg0: memref<1250x128xf32, #tpu.memory_space<vmem>>, %arg1: memref<2x1264x128xf32, #tpu.memory_space<vmem>>, %arg2: memref<1250x128xf32, #tpu.memory_space<vmem>>) attributes {dimension_semantics = [], scalar_prefetch = 0 : i64, scratch_operands = 0 : i64, tpu.core_type = #tpu.core_type<tc>} {
    %get3A = arith.constant 0 : index
    %get3A_0 = arith.constant 0 : index
    %get3A_1 = arith.constant 0 : index
    %get3A_2 = vector.load %arg1[%get3A, %get3A_0, %get3A_1] : memref<2x1264x128xf32, #tpu.memory_space<vmem>>, vector<2x1264x128xf32>
    %get3A_3 = arith.constant 0 : index
    %get3A_4 = arith.constant 0 : index
    %get3A_5 = vector.load %arg0[%get3A_3, %get3A_4] : memref<1250x128xf32, #tpu.memory_space<vmem>>, vector<1250x128xf32>
    %slice3A = vector.extract_strided_slice %get3A_2 {offsets = [0, 0, 0], sizes = [1, 1250, 128], strides = [1, 1, 1]} : vector<2x1264x128xf32> to vector<1x1250x128xf32>
    %squeeze3A = vector.shape_cast %slice3A : vector<1x1250x128xf32> to vector<1250x128xf32>
    %slice3A_6 = vector.extract_strided_slice %get3A_2 {offsets = [1, 0, 0], sizes = [1, 1250, 128], strides = [1, 1, 1]} : vector<2x1264x128xf32> to vector<1x1250x128xf32>
    %squeeze3A_7 = vector.shape_cast %slice3A_6 : vector<1x1250x128xf32> to vector<1250x128xf32>
    %add3A = arith.addf %squeeze3A, %squeeze3A_7 : vector<1250x128xf32>
    %mul3A = arith.constant 5.000000e-01 : f32
    %mul3A_8 = vector.broadcast %mul3A : f32 to vector<1250x128xf32>
    %mul3A_9 = arith.mulf %mul3A_8, %add3A : vector<1250x128xf32>
    %add3A_10 = arith.addf %get3A_5, %mul3A_9 : vector<1250x128xf32>
    %reduce_min3A = vector.shape_cast %add3A_10 : vector<1250x128xf32> to vector<1x1250x128xf32>
    %reduce_min3A_11 = arith.constant dense<0x7F800000> : vector<1xf32>
    %reduce_min3A_12 = vector.multi_reduction <minimumf>, %reduce_min3A, %reduce_min3A_11 [1, 2] : vector<1x1250x128xf32> to vector<1xf32>
    %reduce_min3A_13 = vector.shape_cast %reduce_min3A_12 : vector<1xf32> to vector<1x1x1xf32>
    %reduce_min3A_14 = vector.extract %reduce_min3A_13[0, 0, 0] : f32 from vector<1x1x1xf32>
    %reduce_max3A = vector.shape_cast %add3A_10 : vector<1250x128xf32> to vector<1x1250x128xf32>
    %reduce_max3A_15 = arith.constant dense<0xFF800000> : vector<1xf32>
    %reduce_max3A_16 = vector.multi_reduction <maximumf>, %reduce_max3A, %reduce_max3A_15 [1, 2] : vector<1x1250x128xf32> to vector<1xf32>
    %reduce_max3A_17 = vector.shape_cast %reduce_max3A_16 : vector<1xf32> to vector<1x1x1xf32>
    %reduce_max3A_18 = vector.extract %reduce_max3A_17[0, 0, 0] : f32 from vector<1x1x1xf32>
    %sub3A = vector.broadcast %reduce_min3A_14 : f32 to vector<1250x128xf32>
    %sub3A_19 = arith.subf %add3A_10, %sub3A : vector<1250x128xf32>
    %mul3A_20 = arith.constant 2.000000e+00 : f32
    %mul3A_21 = vector.broadcast %mul3A_20 : f32 to vector<1250x128xf32>
    %mul3A_22 = arith.mulf %mul3A_21, %sub3A_19 : vector<1250x128xf32>
    %sub3A_23 = arith.subf %reduce_max3A_18, %reduce_min3A_14 : f32
    %div3A = vector.broadcast %sub3A_23 : f32 to vector<1250x128xf32>
    %div3A_24 = arith.divf %mul3A_22, %div3A : vector<1250x128xf32>
    %sub3A_25 = arith.constant 1.000000e+00 : f32
    %sub3A_26 = vector.broadcast %sub3A_25 : f32 to vector<1250x128xf32>
    %sub3A_27 = arith.subf %div3A_24, %sub3A_26 : vector<1250x128xf32>
    %swap3A = arith.constant 0 : index
    %swap3A_28 = arith.constant 0 : index
    %swap3A_29 = vector.load %arg2[%swap3A, %swap3A_28] : memref<1250x128xf32, #tpu.memory_space<vmem>>, vector<1250x128xf32>
    tpu.vector_store %arg2[%swap3A, %swap3A_28], %sub3A_27 {strides = array<i32>} : memref<1250x128xf32, #tpu.memory_space<vmem>>, vector<1250x128xf32>,
    return
  }
}

</mosaic_0001>

<sc_bundles>
// kernel: kernel.10.cloned.1.call-start
scs
__scs_entry_jumppad:
0x0: {  	(pc) =	sbr.rel $0x88, $3  }
0x1: {  	(tag) =	ssettag $0x0;
	lr =	simm.s32 $0x1  }
0x2: {  	[smem:$0x3F94] =	sst lr;
	_ =	strace $0xD0000000  }
0x3: {  	_ = 	snop  }
0x4: {  	_ = 	snop  }
0x5: {  	_ = 	snop  }
0x6: {  	_ = 	snop  }
0x7: {  	_ = 	snop  }
__scs_overlays_trampoline_lowered:
0x8: {  	[smem:$0x3FA3] =	sst s0  }
0x9: {  	[smem:$0x3FA4] =	sst s1  }
0xa: {  	[smem:$0x3FA5] =	sst s2  }
0xb: {  	[smem:$0x3FA6] =	sst s3  }
0xc: {  	[smem:$0x3FA7] =	sst s4  }
0xd: {  	[smem:$0x3FA8] =	sst s5  }
0xe: {  	[smem:$0x3FA9] =	sst s6  }
0xf: {  	[smem:$0x3FAA] =	sst s7  }
0x10: {  	[smem:$0x3FAB] =	sst s8  }
0x11: {  	[smem:$0x3FAC] =	sst s9;
	s0 =	simm.s32 @!p0 $0x0  }
0x12: {  	s1 =	sld [smem:$0x3F92];
	s0 =	simm.s32 @p0 $0x1  }
0x13: {  	[smem:$0x3FAD] =	sst s0;
	s0 =	simm.s32 @!p1 $0x0  }
0x14: {  	s2 =	sld [smem:$0x3F91];
	s0 =	simm.s32 @p1 $0x1  }
0x15: {  	[smem:$0x3FAE] =	sst s0;
	s0 =	simm.s32 @!p2 $0x0  }
0x16: {  	s3 =	sld [smem:$0x3FDB];
	s0 =	simm.s32 @p2 $0x1  }
0x17: {  	s4 =	simm.s32 $0x1BF5;
	[smem:$0x3FB0] =	sst s0  }
0x18: {  	s0 =	sld [smem:$0x3F93];
	_ =	swait.ge [sflag:s4], $0x0  }
0x19: {  	s7 =	sld [smem:$0x3F94]  }
0x1a: {  	s8 =	sadd.s32 $0xFFFFE003, lr  }
0x1b: {  	s9 =	sadd.s32 $0xFFFFFEF7, lr;
	s5 =	simm.s32 $0xFFFFFFFF;
	p2 =	slt.u32 s8, $0xFFFFF086  }
0x1c: {  	p1 =	slt.u32 s9, $0xF7A;
	s5 =	simm.s32 @!p2 $0x0  }
0x1d: {  	s5 =	simm.s32 @p1 $0x1;
	p0 =	seq.s32 s7, s2  }
0x1e: {  	s7 =	smul.u32 @!p0 $0xF7A, s2;
	p2 =	seq.s32 @!p0 s5, $0x0  }
0x1f: {  	s9 =	smul.u32 $0xF7A, s1;
	s8 =	simm.s32 @!p0 $0x1BF5;
	p2 =	por !p2, p0  }
0x20: {  	[sflag:s8] =	ssyncset.s32 @!p0 $0xFFFFF086;
	s6 =	sadd.s32 @!p0 s3, s7;
	s7 =	simm.s32 @!p0 $0x108  }
0x21: {  	s3 =	sadd.s32 s3, s9;
	s6 =	sadd.s32 @!p0 $0x88, s6;
	s7 =	simm.s32 @p2 $0x1082  }
0x22: {  	[simem:s7], [sflag:s8] =	dma.local @!p0 [hbm:s6], $0xF7A  }
0x23: {  	s9 =	sor.u32 $0xD0000000, s2;
	s6 =	simm.s32 $0x108;
	_ =	swait.ge @!p0 [sflag:s8], $0x0  }
0x24: {  	s3 =	sadd.s32 $0x88, s3;
	s6 =	simm.s32 @!p1 $0x1082;
	[sflag:s4] =	ssyncset.s32 $0xFFFFF086  }
0x25: {  	[simem:s6], [sflag:s4] =	dma.local [hbm:s3], $0xF7A  }
0x26: {  	[smem:$0x3F94] =	sst s1;
	(tag) =	ssettag s2;
	_ =	strace s9  }
0x27: {  	s1 =	sld [smem:$0x3FA4]  }
0x28: {  	s2 =	sld [smem:$0x3FA5]  }
0x29: {  	s4 =	sld [smem:$0x3FA7]  }
0x2a: {  	p0 =	seq.s32 s5, $0x0;
	s5 =	sld [smem:$0x3FA8]  }
0x2b: {  	s6 =	sld [smem:$0x3FA9]  }
0x2c: {  	s7 =	sld [smem:$0x3FAA]  }
0x2d: {  	s3 =	simm.s32 $0x108;
	s8 =	sld [smem:$0x3FAB]  }
0x2e: {  	s3 =	simm.s32 @!p0 $0x1082;
	s9 =	sld [smem:$0x3FAC]  }
0x2f: {  	lr =	sadd.s32 s0, s3;
	s0 =	sld [smem:$0x3FA3]  }
0x30: {  	s3 =	sld [smem:$0x3FA6]  }
0x31: {  	[smem:$0x3FAF] =	sst s10  }
0x32: {  	s10 =	sld [smem:$0x3FAD];
	_ =	sdelay $0x3  }
0x33: {  	p0 =	seq.s32 s10, $0x1;
	s10 =	sld [smem:$0x3FAF];
	_ =	sdelay $0x3  }
0x34: {  	[smem:$0x3FAF] =	sst s10  }
0x35: {  	s10 =	sld [smem:$0x3FAE];
	_ =	sdelay $0x3  }
0x36: {  	p1 =	seq.s32 s10, $0x1;
	s10 =	sld [smem:$0x3FAF];
	_ =	sdelay $0x3  }
0x37: {  	[smem:$0x3FAF] =	sst s10  }
0x38: {  	s10 =	sld [smem:$0x3FB0]  }
0x39: {  	_ = 	snop;
	(pc) =	sbr.ind lr, $3  }
0x3a: {  	_ = 	snop  }
0x3b: {  	_ = 	snop  }
0x3c: {  	p2 =	seq.s32 s10, $0x1;
	s10 =	sld [smem:$0x3FAF]  }
0x3d: {  	_ =	shalt  }
0x3e: {  	_ =	shalt  }
0x3f: {  	_ =	shalt  }
0x40: {  	_ =	shalt  }
0x41: {  	_ =	shalt  }
0x42: {  	_ =	shalt  }
0x43: {  	_ =	shalt  }
0x44: {  	_ =	shalt  }
0x45: {  	_ =	shalt  }
0x46: {  	_ =	shalt  }
0x47: {  	_ =	shalt  }
0x48: {  	_ =	shalt  }
0x49: {  	_ =	shalt  }
0x4a: {  	_ =	shalt  }
0x4b: {  	_ =	shalt  }
0x4c: {  	_ =	shalt  }
0x4d: {  	_ =	shalt  }
0x4e: {  	_ =	shalt  }
0x4f: {  	_ =	shalt  }
0x50: {  	_ =	shalt  }
0x51: {  	_ =	shalt  }
0x52: {  	_ =	shalt  }
0x53: {  	_ =	shalt  }
0x54: {  	_ =	shalt  }
0x55: {  	_ =	shalt  }
0x56: {  	_ =	shalt  }
0x57: {  	_ =	shalt  }
0x58: {  	_ =	shalt  }
0x59: {  	_ =	shalt  }
0x5a: {  	_ =	shalt  }
0x5b: {  	_ =	shalt  }
0x5c: {  	_ =	shalt  }
0x5d: {  	_ =	shalt  }
0x5e: {  	_ =	shalt  }
0x5f: {  	_ =	shalt  }
0x60: {  	_ =	shalt  }
0x61: {  	_ =	shalt  }
0x62: {  	_ =	shalt  }
0x63: {  	_ =	shalt  }
0x64: {  	_ =	shalt  }
0x65: {  	_ =	shalt  }
0x66: {  	_ =	shalt  }
0x67: {  	_ =	shalt  }
0x68: {  	_ =	shalt  }
0x69: {  	_ =	shalt  }
0x6a: {  	_ =	shalt  }
0x6b: {  	_ =	shalt  }
0x6c: {  	_ =	shalt  }
0x6d: {  	_ =	shalt  }
0x6e: {  	_ =	shalt  }
0x6f: {  	_ =	shalt  }
0x70: {  	_ =	shalt  }
0x71: {  	_ =	shalt  }
0x72: {  	_ =	shalt  }
0x73: {  	_ =	shalt  }
0x74: {  	_ =	shalt  }
0x75: {  	_ =	shalt  }
0x76: {  	_ =	shalt  }
0x77: {  	_ =	shalt  }
0x78: {  	_ =	shalt  }
0x79: {  	_ =	shalt  }
0x7a: {  	_ =	shalt  }
0x7b: {  	_ =	shalt  }
0x7c: {  	_ =	shalt  }
0x7d: {  	_ =	shalt  }
0x7e: {  	_ =	shalt  }
0x7f: {  	_ =	shalt  }
0x80: {  	_ =	shalt  }
0x81: {  	_ =	shalt  }
0x82: {  	_ =	shalt  }
0x83: {  	_ =	shalt  }
0x84: {  	_ =	shalt  }
0x85: {  	_ =	shalt  }
0x86: {  	_ =	shalt  }
0x87: {  	_ =	shalt  }
.Lfunc_end0:
.L_simem_size_0:
called_computation.1_lowered:
.L_overlay_start_0:
0x88: {  	s2 =	sld [smem:$0x3FD9]  }
0x89: {  	s3 =	sld [smem:$0x3FFE];
	_ =	sdelay $0x1  }
0x8a: {  	s1 =	srdreg.scid  }
0x8b: {  	s0 =	sand.u32 $0x1, s1  }
0x8c: {  	s17 =	sshll.u32 s0, $0xA;
	s2 =	sadd.s32 s3, s2  }
0x8d: {  	s2 =	sadd.s32 s2, s17  }
0x8e: {  	[smem:$0x3FBB] =	sst s2  }
0x8f: {  	_ = 	snop  }
0x90: {  	s2 =	sld [smem:$0x3FD0];
	(tm) =	ssettm $0x1  }
0x91: {  	s18 =	sld [smem:$0x3FFB];
	_ =	sdelay $0x3  }
0x92: {  	_ =	strace s18  }
0x93: {  	s3 =	sld [smem:$0x3FFC];
	_ =	sdelay $0x3  }
0x94: {  	_ =	strace s3  }
0x95: {  	s3 =	sld [smem:$0x3FFD];
	_ =	sdelay $0x3  }
0x96: {  	_ =	strace s3  }
0x97: {  	_ =	strace $0x8FFFFFFF  }
0x98: {  	s19 =	sld [smem:$0x3FDB];
	_ =	sdelay $0x1  }
0x99: {  	s4 =	simm.s32 $_scs_section_size  }
0x9a: {  	s5 =	simm.s32 $_size__tile_overlayer_lowered;
	s6 =	simm.s32 $_tile_overlayer_lowered  }
0x9b: {  	s22 =	simm.s32 $0x1BFF;
	s21 =	sshll.u32 s6, $0x1;
	s3 =	sadd.s32 s4, s19  }
0x9c: {  	s7 =	simm.s32 $0x0;
	s20 =	sshll.u32 s5, $0x1;
	s5 =	sadd.s32 s21, s3  }
0x9d: {  	[timem:s7], [sflag:s22] =	dma.local [hbm:s5], s20  }
0x9e: {  	_ =	swait.ge [sflag:s22], s20  }
0x9f: {  	s4 =	ssub.s32 $0x0, s20;
	[sflag:s22] =	ssyncset.done $0x0  }
0xa0: {  	[sflag:s22] =	ssyncadd.s32 s4;
	_ =	sdelay $0x1  }
0xa1: {  	s23 =	simm.s32 $0x1B8B  }
0xa2: {  	_ =	swait.ge [sflag:s23], $0x1  }
0xa3: {  	[sflag:s23] =	ssyncset.done $0x0  }
0xa4: {  	s25 =	simm.s32 $0x1B8E;
	s24 =	sld [smem:$0x3FFE];
	[sflag:s23] =	ssyncadd.s32 $0xFFFFFFFF  }
0xa5: {  	s26 =	simm.s32 $execute0_lowered;
	[smem:$0x3FD2] =	sst s25  }
0xa6: {  	s5 =	sshll.u32 s26, $0x1;
	_ =	strace $0x80000049;
	[dreg:$0x1] =	wrdreg $0xFFFFFFFF  }
0xa7: {  	s28 =	simm.s32 $_size_execute0_lowered;
	s3 =	sadd.s32 s3, s5;
	[dreg:$0x0] =	wrdreg $0x0  }
0xa8: {  	s5 =	sshll.u32 s28, $0x1;
	[dreg:$0x2] =	wrdreg s3  }
0xa9: {  	[dreg:$0x3] =	wrdreg s5  }
0xaa: {  	[dreg:$0x4] =	wrdreg $0xC0  }
0xab: {  	_ =	task [dreg:s7], $0x5FFFF  }
0xac: {  	[dreg:$0x1] =	wrdreg $0xFFFFFFFF  }
0xad: {  	[dreg:$0x0] =	wrdreg $0x60  }
0xae: {  	[dreg:$0x2] =	wrdreg s2  }
0xaf: {  	[dreg:$0x3] =	wrdreg s24  }
0xb0: {  	[dreg:$0x4] =	wrdreg $0x12A00  }
0xb1: {  	[dreg:$0x5] =	wrdreg $0x9  }
0xb2: {  	_ =	task.clear_ibuf [dreg:s7], $0x6FFFF;
	_ =	strace $0x90000049  }
0xb3: {  	s29 =	simm.s32 $0x9;
	_ =	strace $0x8000004B  }
0xb4: {  	_ =	swait.ge [sflag:s29], $0x1  }
0xb5: {  	[sflag:s29] =	ssyncadd.s32 $0xFFFFFFFF  }
0xb6: {  	_ =	strace $0x9000004B  }
0xb7: {  	_ =	sfence  }
0xb8: {  	s30 =	sld [smem:$0x0];
	_ =	sdelay $0x2  }
0xb9: {  	s31 =	sshll.u32 s1, $0xD;
	s1 =	sshrl.u32 s1, $0x2  }
0xba: {  	s3 =	sand.u32 $0x4000, s31;
	s1 =	sadd.s32 s1, s30  }
0xbb: {  	s0 =	sor.u32 s3, s0;
	s1 =	sshll.u32 s1, $0x11  }
0xbc: {  	s0 =	sor.u32 s1, s0  }
0xbd: {  	s0 =	sadd.s32 $0x8F2B, s0  }
0xbe: {  	[sflag:s0] =	ssyncadd.remote.s32 $0x1  }
0xbf: {  	_ =	sfence.sel $0xFFFF  }
0xc0: {  	[dreg:$0x0] =	wrdreg $0xFFFFFFFF;
	(pc) =	sbr.abs _section_cstart, $3  }
0xc1: {  	[dreg:$0x1] =	wrdreg $0xFFFFFFFF  }
0xc2: {  	_ =	task.clear_ibuf [dreg:s7], $0x2FFFF;
	_ =	strace $0x9FFFFFFF  }
0xc3: {  	(tm) =	ssettm $0x7FFFFFFF  }
tec
execute0_lowered:
.L_overlay_start_1:
0x0: {  	(tag) =	ssettag $0x1  }
0x1: {  	s1 =	rddreg [dreg:$0x0]  }
0x2: {  	s0 =	rddreg [dreg:$0x1]  }
0x3: {  	s3 =	rddreg [dreg:$0x2];
	s4 =	simm.s32 $0x0  }
0x4: {  	s2 =	srdreg.scid;
	s13 =	stileid.u32;
	s28 =	simm.s32 $0x7D  }
0x5: {  	s30 =	simm.s32 $0x2;
	s31 =	simm.s32 $0x180;
	s29 =	simm.s32 $0x4  }
0x6: {  	[smem:$0x7FF] =	sst s4;
	s2 =	sand.u32 $0x1, s2;
	s9 =	smul.u32 $0x2780, s13  }
0x7: {  	s5 =	sadd.s32 $0x2600, s0;
	s6 =	sadd.s32 $0xC600, s0;
	s7 =	sadd.s32 $0x42600, s0  }
0x8: {  	s10 =	sshll.u32 s13, $0x1;
	s16 =	sadd.s32 $0x16600, s0;
	s18 =	sshll.u32 s13, $0x6  }
0x9: {  	_ =	strace $0x8000004A;
	s8 =	smul.u32 $0x27800, s2;
	s11 =	ssub.s32 $0x2, s2  }
0xa: {  	s2 =	sor.u32 s2, s10;
	[dreg:$0x4] =	wrdreg s16;
	s12 =	sshrl.u32 s11, $0x1  }
0xb: {  	s13 =	sor.u32 $0x1C09, s18;
	s8 =	sadd.s32 s9, s8;
	s17 =	ssub.s32 s11, s12  }
0xc: {  	s9 =	sadd.s32 s9, s3;
	s15 =	sshrl.u32 s8, $0x3;
	s8 =	smul.u32 $0x2800, s2  }
0xd: {  	s26 =	smax.u32 s17, $0x1;
	s11 =	sshrl.u32 s9, $0x3;
	s2 =	simm.s32 $0x5  }
0xe: {  	s9 =	simm.s32 $0x0;
	s0 =	sadd.s32 s15, s0;
	[dreg:$0xb] =	wrdreg s26  }
0xf: {  	s26 =	simm.s32 $0x1;
	[dreg:$0xc] =	wrdreg s11;
	s19 =	sshrl.u32 s8, $0x3  }
0x10: {  	s16 =	sor.u32 $0x180, s8;
	s0 =	sadd.s32 $0x16C00, s0;
	s20 =	sadd.s32 s5, s19  }
0x11: {  	s21 =	sor.u32 $0x10, s19;
	s22 =	sadd.s32 s7, s19;
	[dreg:$0xa] =	wrdreg s0  }
0x12: {  	s25 =	sadd.s32 s6, s19;
	s19 =	sor.u32 $0x100, s8;
	[dreg:$0x5] =	wrdreg s20  }
0x13: {  	s0 =	simm.s32 $0xAD0;
	[dreg:$0x6] =	wrdreg s22;
	s23 =	sadd.s32 s5, s21  }
0x14: {  	v0 =	vimm.s32 $0x0;
	vm0 =	vcmask $0x300;
	s24 =	sadd.s32 s7, s21;
	[dreg:$0x9] =	wrdreg s25;
	s21 =	simm.s32 $0x9  }
0x15: {  	v1 =	vimm.s32 $0x78;
	v2 =	vimm.s32 $0x79;
	v3 =	vimm.s32 $0x7A;
	s22 =	simm.s32 $0x200;
	s25 =	simm.s32 $0x6;
	[dreg:$0x7] =	wrdreg s23  }
0x16: {  	v4 =	vimm.s32 $0x7B;
	v5 =	vimm.s32 $0x7C;
	v0 =	vsel vm0, $0x3, v0;
	[dreg:$0x8] =	wrdreg s24;
	s23 =	simm.s32 $0x80;
	s24 =	simm.s32 $0x280  }
.LBB2_1:
0x17: {  	s10 =	rddreg [dreg:$0x4]  }
0x18: {  	[spmem:s11], [sflag:s13] =	dma.local [hbm:s10], $0x4F0  }
0x19: {  	_ =	swait.ge [sflag:s21], $0x4F0  }
0x1a: {  	[sflag:s21] =	ssyncset.done $0x0  }
0x1b: {  	[sflag:s21] =	ssyncadd.s32 $0xFFFFFB10  }
0x1c: {  	[bflag:$0x0] =	sbarrier.arrive $0xFFFF  }
0x1d: {  	s11 =	rddreg [dreg:$0x5]  }
0x1e: {  	[tilespmem:s4], [sflag:$0x1] =	stream.linear.gather [hbm4b:s11+s4], $0x80, $0x38;
	[tilespmem:$0x3A20] =	vst v63  }
0x1f: {  	s12 =	rddreg [dreg:$0x6]  }
0x20: {  	[tilespmem:s22], [sflag:$0x1] =	stream.linear.gather [hbm4b:s12+s4], $0x80, $0x38;
	[tilespmem:$0x3A20] =	vst v63  }
0x21: {  	s20 =	smov.u32 s13;
	s13 =	rddreg [dreg:$0x7]  }
0x22: {  	[tilespmem:s23], [sflag:$0x2] =	stream.linear.gather [hbm4b:s13+s4], $0x80, $0x38;
	[tilespmem:$0x3A20] =	vst v63  }
0x23: {  	s14 =	rddreg [dreg:$0x8]  }
0x24: {  	[tilespmem:s24], [sflag:$0x2] =	stream.linear.gather [hbm4b:s14+s4], $0x80, $0x38;
	[tilespmem:$0x3A20] =	vst v63  }
0x25: {  	s17 =	simm.s32 $0x100;
	s15 =	rddreg [dreg:$0x9]  }
0x26: {  	[tilespmem:s17], [sflag:$0x3] =	stream.linear.gather [hbm4b:s15+s4], $0x80, $0x38;
	[tilespmem:$0x3A20] =	vst v63  }
0x27: {  	_ =	swait.ge [sflag:s26], $0x80  }
0x28: {  	[sflag:s26] =	ssyncset.done $0x0  }
0x29: {  	[sflag:s26] =	ssyncadd.s32 $0xFFFFFF80  }
0x2a: {  	_ =	swait.ge [sflag:s26], $0x80  }
0x2b: {  	[sflag:s26] =	ssyncset.done $0x0  }
0x2c: {  	s18 =	simm.s32 $0x300;
	s11 =	simm.s32 $0x0;
	[sflag:s26] =	ssyncadd.s32 $0xFFFFFF80  }
0x2d: {  	[tilespmem:s18], [sflag:$0x5] =	stream.indirect.gather [hbm4b:s1+s28], $0x10, s4, s28, $0xb8;
	[tilespmem:$0x3A20] =	vst v63  }
.LBB2_2:
0x2e: {  	_ =	swait.ge [sflag:s30], $0x80  }
0x2f: {  	[sflag:s30] =	ssyncset.done $0x0  }
0x30: {  	[sflag:s30] =	ssyncadd.s32 $0xFFFFFF80  }
0x31: {  	s12 =	sshllo.u32 s11, $0x1;
	_ =	swait.ge [sflag:s30], $0x80  }
0x32: {  	p0 =	seq.s32 s11, $0x0;
	s15 =	simm.s32 $0x0;
	[sflag:s30] =	ssyncset.done $0x0  }
0x33: {  	s13 =	simm.s32 @!p0 $0x8;
	s14 =	sshll.u32 s12, $0x7;
	[sflag:s30] =	ssyncadd.s32 $0xFFFFFF80  }
0x34: {  	v6 =	vmov s15;
	s14 =	sadd.s32 s8, s14;
	_ =	swait.ge @!p0 [sflag:s13], $0x7D0  }
0x35: {  	v6 =	vshrl.u32 v6, $0x3;
	s14 =	sshrl.u32 s14, $0x3;
	[sflag:s13] =	ssyncset.done @!p0 $0x0  }
0x36: {  	v6 =	vshll.u32 v6, v0;
	s14 =	sadd.s32 s6, s14;
	[sflag:s13] =	ssyncadd.s32 @!p0 $0xFFFFF830  }
0x37: {  	v6 =	vbroadcast v6, $0x0;
	[tilespmem:s31], [sflag:$0x4] =	stream.linear.gather [hbm4b:s14+s15], $0x80, $0x38;
	[tilespmem:$0x3A20] =	vst v63  }
0x38: {  	_ = 	snop  }
0x39: {  	[tilespmem:s0], [sflag:$0x6] =	stream.indirect.gather [hbm4b:s1+s28], $0x10, s23, s28, $0xb8;
	[tilespmem:$0x3A20] =	vst v63  }
0x3a: {  	_ =	swait.ge [sflag:s2], $0x7D0  }
0x3b: {  	s15 =	simm.s32 $0x1;
	[sflag:s2] =	ssyncset.done $0x0  }
0x3c: {  	v7 =	vmov s15;
	[sflag:s2] =	ssyncadd.s32 $0xFFFFF830  }
0x3d: {  	s13 =	simm.s32 $0x340;
	v7 =	vshrl.u32 v7, $0x3;
	v6 =	vld.idx.msk [tilespmem:v6+s22+$0x0], $0xffff  }
0x3e: {  	v7 =	vshll.u32 v7, v0;
	v8 =	vld [tilespmem:s13+$0xFFFFFFC0]  }
0x3f: {  	v7 =	vadd.s32 $0x1, v7  }
0x40: {  	v7 =	vbroadcast v7, $0x0;
	_ =	sdelay $0x2  }
0x41: {  	v6 =	vmul.f32 v8, v6  }
0x42: {  	s17 =	simm.s32 $0x2  }
0x43: {  	v8 =	vld [tilespmem:s13+$0xFFFFFFD0];
	[tilespmem:s13+$0xFFFFFFC0] =	vst v6;
	v6 =	vmov s17  }
0x44: {  	v7 =	vld.idx.msk [tilespmem:v7+s22+$0x0], $0xffff;
	v6 =	vshrl.u32 v6, $0x3  }
0x45: {  	v6 =	vshll.u32 v6, v0  }
0x46: {  	v6 =	vadd.s32 $0x2, v6  }
0x47: {  	v6 =	vbroadcast v6, $0x0;
	_ =	sdelay $0x1  }
0x48: {  	v7 =	vmul.f32 v8, v7  }
0x49: {  	s18 =	simm.s32 $0x3  }
0x4a: {  	[tilespmem:s13+$0xFFFFFFD0] =	vst v7;
	v7 =	vmov s18  }
0x4b: {  	v8 =	vld [tilespmem:s13+$0xFFFFFFE0];
	v7 =	vshrl.u32 v7, $0x3  }
0x4c: {  	v6 =	vld.idx.msk [tilespmem:v6+s22+$0x0], $0xffff;
	v7 =	vshll.u32 v7, v0  }
0x4d: {  	v7 =	vadd.s32 $0x3, v7  }
0x4e: {  	v7 =	vbroadcast v7, $0x0;
	_ =	sdelay $0x2  }
0x4f: {  	v6 =	vmul.f32 v8, v6  }
0x50: {  	s10 =	simm.s32 $0x4  }
0x51: {  	v8 =	vld [tilespmem:s13+$0xFFFFFFF0];
	[tilespmem:s13+$0xFFFFFFE0] =	vst v6;
	v6 =	vmov s10  }
0x52: {  	v7 =	vld.idx.msk [tilespmem:v7+s22+$0x0], $0xffff;
	v6 =	vshrl.u32 v6, $0x3  }
0x53: {  	v6 =	vshll.u32 v6, v0  }
0x54: {  	v6 =	vadd.s32 $0x4, v6  }
0x55: {  	v6 =	vbroadcast v6, $0x0;
	_ =	sdelay $0x1  }
0x56: {  	v7 =	vmul.f32 v8, v7  }
0x57: {  	s15 =	simm.s32 $0x5  }
0x58: {  	[tilespmem:s13+$0xFFFFFFF0] =	vst v7;
	v7 =	vmov s15  }
0x59: {  	v8 =	vld [tilespmem:s13+$0x0];
	v7 =	vshrl.u32 v7, $0x3  }
0x5a: {  	v6 =	vld.idx.msk [tilespmem:v6+s22+$0x0], $0xffff;
	v7 =	vshll.u32 v7, v0  }
0x5b: {  	v7 =	vadd.s32 $0x5, v7  }
0x5c: {  	v7 =	vbroadcast v7, $0x0;
	_ =	sdelay $0x2  }
0x5d: {  	v6 =	vmul.f32 v8, v6  }
0x5e: {  	s17 =	simm.s32 $0x6  }
0x5f: {  	v8 =	vld [tilespmem:s13+$0x10];
	[tilespmem:s13+$0x0] =	vst v6;
	v6 =	vmov s17  }
0x60: {  	v7 =	vld.idx.msk [tilespmem:v7+s22+$0x0], $0xffff;
	v6 =	vshrl.u32 v6, $0x3  }
0x61: {  	v6 =	vshll.u32 v6, v0  }
0x62: {  	v6 =	vadd.s32 $0x6, v6  }
0x63: {  	v6 =	vbroadcast v6, $0x0;
	_ =	sdelay $0x1  }
0x64: {  	v7 =	vmul.f32 v8, v7  }
0x65: {  	s18 =	simm.s32 $0x7  }
0x66: {  	[tilespmem:s13+$0x10] =	vst v7;
	v7 =	vmov s18  }
0x67: {  	v8 =	vld [tilespmem:s13+$0x20];
	v7 =	vshrl.u32 v7, $0x3  }
0x68: {  	v6 =	vld.idx.msk [tilespmem:v6+s22+$0x0], $0xffff;
	v7 =	vshll.u32 v7, v0  }
0x69: {  	v7 =	vadd.s32 $0x7, v7  }
0x6a: {  	v9 =	vbroadcast v7, $0x0;
	_ =	sdelay $0x2  }
0x6b: {  	v6 =	vmul.f32 v8, v6;
	_ =	sdelay $0x1  }
0x6c: {  	s14 =	simm.s32 $0x8;
	[tilespmem:s13+$0x20] =	vst v6  }
0x6d: {  	s15 =	simm.s32 $0x10;
	v7 =	vmov s14;
	v6 =	vld.idx.msk [tilespmem:v9+s22+$0x0], $0xffff  }
.LBB2_3:
0x6e: {  	p0 =	slt.u32 s15, $0x70;
	v7 =	vshrl.u32 v7, $0x3;
	v8 =	vld [tilespmem:s13+$0x30]  }
0x6f: {  	v7 =	vshll.u32 v7, v0  }
0x70: {  	v7 =	vbroadcast v7, $0x0;
	_ =	sdelay $0x2  }
0x71: {  	v6 =	vmul.f32 v8, v6  }
0x72: {  	s17 =	sadd.s32 $0x1, s14  }
0x73: {  	v8 =	vmov s17;
	[tilespmem:s13+$0x30] =	vst v6  }
0x74: {  	s13 =	sadd.s32 $0x80, s13;
	v6 =	vld.idx.msk [tilespmem:v7+s22+$0x0], $0xffff;
	v7 =	vshrl.u32 v8, $0x3  }
0x75: {  	v8 =	vld [tilespmem:s13+$0xFFFFFFC0];
	v7 =	vshll.u32 v7, v0  }
0x76: {  	v7 =	vadd.s32 $0x1, v7  }
0x77: {  	v7 =	vbroadcast v7, $0x0;
	_ =	sdelay $0x2  }
0x78: {  	v6 =	vmul.f32 v8, v6  }
0x79: {  	s17 =	sadd.s32 $0x2, s14  }
0x7a: {  	[tilespmem:s13+$0xFFFFFFC0] =	vst v6;
	v6 =	vmov s17  }
0x7b: {  	v7 =	vld.idx.msk [tilespmem:v7+s22+$0x0], $0xffff;
	v6 =	vshrl.u32 v6, $0x3  }
0x7c: {  	v8 =	vld [tilespmem:s13+$0xFFFFFFD0];
	v6 =	vshll.u32 v6, v0  }
0x7d: {  	v6 =	vadd.s32 $0x2, v6  }
0x7e: {  	v6 =	vbroadcast v6, $0x0;
	_ =	sdelay $0x2  }
0x7f: {  	v7 =	vmul.f32 v8, v7  }
0x80: {  	s17 =	sadd.s32 $0x3, s14  }
0x81: {  	[tilespmem:s13+$0xFFFFFFD0] =	vst v7;
	v7 =	vmov s17  }
0x82: {  	v6 =	vld.idx.msk [tilespmem:v6+s22+$0x0], $0xffff;
	v7 =	vshrl.u32 v7, $0x3  }
0x83: {  	v8 =	vld [tilespmem:s13+$0xFFFFFFE0];
	v7 =	vshll.u32 v7, v0  }
0x84: {  	v7 =	vadd.s32 $0x3, v7  }
0x85: {  	v7 =	vbroadcast v7, $0x0;
	_ =	sdelay $0x2  }
0x86: {  	v6 =	vmul.f32 v8, v6  }
0x87: {  	s17 =	sadd.s32 $0x4, s14  }
0x88: {  	[tilespmem:s13+$0xFFFFFFE0] =	vst v6;
	v6 =	vmov s17  }
0x89: {  	v7 =	vld.idx.msk [tilespmem:v7+s22+$0x0], $0xffff;
	v6 =	vshrl.u32 v6, $0x3  }
0x8a: {  	v8 =	vld [tilespmem:s13+$0xFFFFFFF0];
	v6 =	vshll.u32 v6, v0  }
0x8b: {  	v6 =	vadd.s32 $0x4, v6  }
0x8c: {  	v6 =	vbroadcast v6, $0x0;
	_ =	sdelay $0x2  }
0x8d: {  	v7 =	vmul.f32 v8, v7  }
0x8e: {  	s17 =	sadd.s32 $0x5, s14  }
0x8f: {  	[tilespmem:s13+$0xFFFFFFF0] =	vst v7;
	v7 =	vmov s17  }
0x90: {  	v6 =	vld.idx.msk [tilespmem:v6+s22+$0x0], $0xffff;
	v7 =	vshrl.u32 v7, $0x3  }
0x91: {  	v8 =	vld [tilespmem:s13+$0x0];
	v7 =	vshll.u32 v7, v0  }
0x92: {  	v7 =	vadd.s32 $0x5, v7  }
0x93: {  	v7 =	vbroadcast v7, $0x0;
	_ =	sdelay $0x2  }
0x94: {  	v6 =	vmul.f32 v8, v6  }
0x95: {  	s17 =	sadd.s32 $0x6, s14  }
0x96: {  	[tilespmem:s13+$0x0] =	vst v6;
	v6 =	vmov s17  }
0x97: {  	v7 =	vld.idx.msk [tilespmem:v7+s22+$0x0], $0xffff;
	v6 =	vshrl.u32 v6, $0x3  }
0x98: {  	v8 =	vld [tilespmem:s13+$0x10];
	v6 =	vshll.u32 v6, v0  }
0x99: {  	v6 =	vadd.s32 $0x6, v6  }
0x9a: {  	v6 =	vbroadcast v6, $0x0;
	_ =	sdelay $0x2  }
0x9b: {  	v7 =	vmul.f32 v8, v7  }
0x9c: {  	s17 =	sadd.s32 $0x7, s14;
	s14 =	smov.u32 s15  }
0x9d: {  	[tilespmem:s13+$0x10] =	vst v7;
	v7 =	vmov s17  }
0x9e: {  	v6 =	vld.idx.msk [tilespmem:v6+s22+$0x0], $0xffff;
	v7 =	vshrl.u32 v7, $0x3  }
0x9f: {  	v8 =	vld [tilespmem:s13+$0x20];
	v7 =	vshll.u32 v7, v0  }
0xa0: {  	v7 =	vadd.s32 $0x7, v7  }
0xa1: {  	v9 =	vbroadcast v7, $0x0;
	_ =	sdelay $0x1  }
.Ltmp0:
0xa2: {  	(pc) =	sbr.rel @p0 .LBB2_3-.Ltmp0, $3  }
0xa3: {  	v6 =	vmul.f32 v8, v6;
	_ =	sdelay $0x1  }
0xa4: {  	[tilespmem:s13+$0x20] =	vst v6  }
0xa5: {  	s15 =	sadd.s32 $0x8, s15;
	v7 =	vmov s14;
	v6 =	vld.idx.msk [tilespmem:v9+s22+$0x0], $0xffff  }
0xa6: {  	v7 =	vshrl.u32 v7, $0x3;
	v8 =	vld [tilespmem:s13+$0x30]  }
0xa7: {  	v7 =	vshll.u32 v7, v0  }
0xa8: {  	v7 =	vbroadcast v7, $0x0;
	_ =	sdelay $0x2  }
0xa9: {  	v6 =	vmul.f32 v8, v6  }
0xaa: {  	s15 =	sadd.s32 $0x1, s14  }
0xab: {  	v8 =	vmov s15;
	[tilespmem:s13+$0x30] =	vst v6  }
0xac: {  	s13 =	sadd.s32 $0x80, s13;
	v6 =	vld.idx.msk [tilespmem:v7+s22+$0x0], $0xffff;
	v7 =	vshrl.u32 v8, $0x3  }
0xad: {  	v8 =	vld [tilespmem:s13+$0xFFFFFFC0];
	v7 =	vshll.u32 v7, v0  }
0xae: {  	v7 =	vadd.s32 $0x1, v7  }
0xaf: {  	v7 =	vbroadcast v7, $0x0;
	_ =	sdelay $0x2  }
0xb0: {  	v6 =	vmul.f32 v8, v6  }
0xb1: {  	s18 =	sadd.s32 $0x2, s14  }
0xb2: {  	v8 =	vld [tilespmem:s13+$0xFFFFFFD0];
	[tilespmem:s13+$0xFFFFFFC0] =	vst v6;
	v6 =	vmov s18  }
0xb3: {  	v6 =	vshrl.u32 v6, $0x3;
	v7 =	vld.idx.msk [tilespmem:v7+s22+$0x0], $0xffff  }
0xb4: {  	v6 =	vshll.u32 v6, v0  }
0xb5: {  	v6 =	vadd.s32 $0x2, v6  }
0xb6: {  	v6 =	vbroadcast v6, $0x0;
	_ =	sdelay $0x1  }
0xb7: {  	v7 =	vmul.f32 v8, v7  }
0xb8: {  	s10 =	sadd.s32 $0x3, s14  }
0xb9: {  	[tilespmem:s13+$0xFFFFFFD0] =	vst v7;
	v7 =	vmov s10  }
0xba: {  	v8 =	vld [tilespmem:s13+$0xFFFFFFE0];
	v7 =	vshrl.u32 v7, $0x3  }
0xbb: {  	v6 =	vld.idx.msk [tilespmem:v6+s22+$0x0], $0xffff;
	v7 =	vshll.u32 v7, v0  }
0xbc: {  	v7 =	vadd.s32 $0x3, v7  }
0xbd: {  	v7 =	vbroadcast v7, $0x0;
	_ =	sdelay $0x2  }
0xbe: {  	v6 =	vmul.f32 v8, v6  }
0xbf: {  	s17 =	sadd.s32 $0x4, s14  }
0xc0: {  	v8 =	vld [tilespmem:s13+$0xFFFFFFF0];
	[tilespmem:s13+$0xFFFFFFE0] =	vst v6;
	v6 =	vmov s17  }
0xc1: {  	v6 =	vshrl.u32 v6, $0x3;
	v7 =	vld.idx.msk [tilespmem:v7+s22+$0x0], $0xffff  }
0xc2: {  	v6 =	vshll.u32 v6, v0  }
0xc3: {  	v6 =	vadd.s32 $0x4, v6  }
0xc4: {  	v6 =	vbroadcast v6, $0x0;
	_ =	sdelay $0x1  }
0xc5: {  	v7 =	vmul.f32 v8, v7  }
0xc6: {  	s18 =	sadd.s32 $0x5, s14  }
0xc7: {  	[tilespmem:s13+$0xFFFFFFF0] =	vst v7;
	v7 =	vmov s18  }
0xc8: {  	v8 =	vld [tilespmem:s13+$0x0];
	v7 =	vshrl.u32 v7, $0x3  }
0xc9: {  	v6 =	vld.idx.msk [tilespmem:v6+s22+$0x0], $0xffff;
	v7 =	vshll.u32 v7, v0  }
0xca: {  	v7 =	vadd.s32 $0x5, v7  }
0xcb: {  	v7 =	vbroadcast v7, $0x0;
	_ =	sdelay $0x2  }
0xcc: {  	v6 =	vmul.f32 v8, v6  }
0xcd: {  	s10 =	sadd.s32 $0x6, s14  }
0xce: {  	v8 =	vld [tilespmem:s13+$0x10];
	[tilespmem:s13+$0x0] =	vst v6;
	v6 =	vmov s10  }
0xcf: {  	v6 =	vshrl.u32 v6, $0x3;
	v7 =	vld.idx.msk [tilespmem:v7+s22+$0x0], $0xffff  }
0xd0: {  	v6 =	vshll.u32 v6, v0  }
0xd1: {  	v6 =	vadd.s32 $0x6, v6  }
0xd2: {  	v6 =	vbroadcast v6, $0x0;
	_ =	sdelay $0x1  }
0xd3: {  	v7 =	vmul.f32 v8, v7  }
0xd4: {  	s17 =	sadd.s32 $0x7, s14  }
0xd5: {  	[tilespmem:s13+$0x10] =	vst v7;
	v7 =	vmov s17  }
0xd6: {  	v8 =	vld [tilespmem:s13+$0x20];
	v7 =	vshrl.u32 v7, $0x3  }
0xd7: {  	v6 =	vld.idx.msk [tilespmem:v6+s22+$0x0], $0xffff;
	v7 =	vshll.u32 v7, v0  }
0xd8: {  	v7 =	vadd.s32 $0x7, v7  }
0xd9: {  	v7 =	vbroadcast v7, $0x0;
	_ =	sdelay $0x2  }
0xda: {  	v6 =	vmul.f32 v8, v6;
	_ =	sdelay $0x1  }
0xdb: {  	[tilespmem:s13+$0x20] =	vst v6  }
0xdc: {  	v6 =	vld.idx.msk [tilespmem:v7+s22+$0x0], $0xffff  }
0xdd: {  	v7 =	vld [tilespmem:s13+$0x30];
	_ =	sdelay $0x4  }
0xde: {  	v6 =	vmul.f32 v7, v6;
	_ =	sdelay $0x1  }
0xdf: {  	[tilespmem:s13+$0x30] =	vst v6  }
0xe0: {  	v6 =	vld.idx.msk [tilespmem:v1+s22+$0x0], $0xffff  }
0xe1: {  	v7 =	vld [tilespmem:$0xA80];
	_ =	sdelay $0x4  }
0xe2: {  	v6 =	vmul.f32 v7, v6;
	_ =	sdelay $0x1  }
0xe3: {  	v7 =	vld [tilespmem:$0xA90];
	[tilespmem:$0xA80] =	vst v6  }
0xe4: {  	v6 =	vld.idx.msk [tilespmem:v2+s22+$0x0], $0xffff;
	_ =	sdelay $0x4  }
0xe5: {  	v6 =	vmul.f32 v7, v6;
	_ =	sdelay $0x1  }
0xe6: {  	v7 =	vld [tilespmem:$0xAA0];
	[tilespmem:$0xA90] =	vst v6  }
0xe7: {  	v6 =	vld.idx.msk [tilespmem:v3+s22+$0x0], $0xffff;
	_ =	sdelay $0x4  }
0xe8: {  	v6 =	vmul.f32 v7, v6;
	_ =	sdelay $0x1  }
0xe9: {  	v7 =	vld [tilespmem:$0xAB0];
	[tilespmem:$0xAA0] =	vst v6  }
0xea: {  	v6 =	vld.idx.msk [tilespmem:v4+s22+$0x0], $0xffff;
	_ =	sdelay $0x4  }
0xeb: {  	v6 =	vmul.f32 v7, v6;
	_ =	sdelay $0x1  }
0xec: {  	v7 =	vld [tilespmem:$0xAC0];
	[tilespmem:$0xAB0] =	vst v6  }
0xed: {  	v6 =	vld.idx.msk [tilespmem:v5+s22+$0x0], $0xffff;
	_ =	sdelay $0x2  }
0xee: {  	p0 =	sne.s32 s11, $0x27  }
0xef: {  	s13 =	sshll.u32 @p0 s11, $0x8  }
0xf0: {  	s13 =	sadd.s32 @p0 s19, s13;
	v6 =	vmul.f32 v7, v6  }
0xf1: {  	s13 =	sshrl.u32 @p0 s13, $0x3  }
0xf2: {  	s15 =	simm.s32 @p0 $0x0;
	s14 =	sadd.s32 @p0 s5, s13;
	[tilespmem:$0xAC0] =	vst v6  }
0xf3: {  	[tilespmem:s15], [sflag:$0x1] =	stream.linear.gather @p0 [hbm4b:s14+s15], $0x80, $0x38;
	[tilespmem:$0x3A20] =	vst v63  }
0xf4: {  	s17 =	simm.s32 @p0 $0x200;
	s14 =	sadd.s32 @p0 s7, s13  }
0xf5: {  	[tilespmem:s17], [sflag:$0x1] =	stream.linear.gather @p0 [hbm4b:s14+s15], $0x80, $0x38;
	[tilespmem:$0x3A20] =	vst v63  }
0xf6: {  	s14 =	simm.s32 @p0 $0x3  }
0xf7: {  	_ =	swait.ge @p0 [sflag:s14], $0x80  }
0xf8: {  	s18 =	simm.s32 @p0 $0x300;
	s10 =	simm.s32 @p0 $0x1;
	[sflag:s14] =	ssyncset.done @p0 $0x0  }
0xf9: {  	s17 =	simm.s32 @p0 $0x100;
	[sflag:s14] =	ssyncadd.s32 @p0 $0xFFFFFF80;
	s14 =	simm.s32 @p0 $0x7D  }
0xfa: {  	[spmem:s3] =	stream.indirect.scatter.add.f32 @p0 [tilespmem:s18], [sflag:$0x7], $0x10, s17, s14, $0xb8;
	[tilespmem:$0x3A20] =	vst v63  }
0xfb: {  	_ =	swait.ge @p0 [sflag:s10], $0x80  }
0xfc: {  	[sflag:s10] =	ssyncset.done @p0 $0x0  }
0xfd: {  	[sflag:s10] =	ssyncadd.s32 @p0 $0xFFFFFF80  }
0xfe: {  	_ =	swait.ge @p0 [sflag:s10], $0x80  }
0xff: {  	[sflag:s10] =	ssyncset.done @p0 $0x0  }
0x100: {  	[sflag:s10] =	ssyncadd.s32 @p0 $0xFFFFFF80;
	s10 =	simm.s32 @p0 $0x7  }
0x101: {  	_ =	swait.ge @p0 [sflag:s10], $0x7D0  }
0x102: {  	[sflag:s10] =	ssyncset.done @p0 $0x0  }
0x103: {  	[sflag:s10] =	ssyncadd.s32 @p0 $0xFFFFF830;
	s10 =	sadd.s32 @p0 s6, s13  }
0x104: {  	[tilespmem:s17], [sflag:$0x3] =	stream.linear.gather @p0 [hbm4b:s10+s15], $0x80, $0x38;
	[tilespmem:$0x3A20] =	vst v63  }
0x105: {  	s10 =	simm.s32 @!p0 $0x3  }
0x106: {  	[tilespmem:s18], [sflag:$0x5] =	stream.indirect.gather @p0 [hbm4b:s1+s14], $0x10, s15, s14, $0xb8;
	[tilespmem:$0x3A20] =	vst v63  }
0x107: {  	s18 =	simm.s32 $0x0;
	_ =	swait.ge @!p0 [sflag:s10], $0x80  }
0x108: {  	s13 =	simm.s32 @!p0 $0x7D;
	s14 =	simm.s32 @!p0 $0x100;
	v6 =	vmov s18;
	[sflag:s10] =	ssyncset.done @!p0 $0x0  }
0x109: {  	s15 =	simm.s32 @!p0 $0x300;
	v6 =	vshrl.u32 v6, $0x3;
	[sflag:s10] =	ssyncadd.s32 @!p0 $0xFFFFFF80;
	s10 =	simm.s32 @!p0 $0x7  }
0x10a: {  	v6 =	vshll.u32 v6, v0;
	[spmem:s3] =	stream.indirect.scatter.add.f32 @!p0 [tilespmem:s15], [sflag:$0x7], $0x10, s14, s13, $0xb8;
	[tilespmem:$0x3A20] =	vst v63  }
0x10b: {  	v6 =	vbroadcast v6, $0x0;
	_ =	swait.ge @!p0 [sflag:s10], $0x7D0  }
0x10c: {  	[sflag:s10] =	ssyncset.done @!p0 $0x0  }
0x10d: {  	[sflag:s10] =	ssyncadd.s32 @!p0 $0xFFFFF830  }
0x10e: {  	_ =	swait.ge [sflag:s25], $0x7D0  }
0x10f: {  	s15 =	simm.s32 $0x1;
	[sflag:s25] =	ssyncset.done $0x0  }
0x110: {  	v7 =	vmov s15;
	[sflag:s25] =	ssyncadd.s32 $0xFFFFF830  }
0x111: {  	s13 =	simm.s32 $0xB10;
	v7 =	vshrl.u32 v7, $0x3;
	v6 =	vld.idx.msk [tilespmem:v6+s24+$0x0], $0xffff  }
0x112: {  	v7 =	vshll.u32 v7, v0;
	v8 =	vld [tilespmem:s13+$0xFFFFFFC0]  }
0x113: {  	v7 =	vadd.s32 $0x1, v7  }
0x114: {  	v7 =	vbroadcast v7, $0x0;
	_ =	sdelay $0x2  }
0x115: {  	v6 =	vmul.f32 v8, v6  }
0x116: {  	s17 =	simm.s32 $0x2  }
0x117: {  	v8 =	vld [tilespmem:s13+$0xFFFFFFD0];
	[tilespmem:s13+$0xFFFFFFC0] =	vst v6;
	v6 =	vmov s17  }
0x118: {  	v7 =	vld.idx.msk [tilespmem:v7+s24+$0x0], $0xffff;
	v6 =	vshrl.u32 v6, $0x3  }
0x119: {  	v6 =	vshll.u32 v6, v0  }
0x11a: {  	v6 =	vadd.s32 $0x2, v6  }
0x11b: {  	v6 =	vbroadcast v6, $0x0;
	_ =	sdelay $0x1  }
0x11c: {  	v7 =	vmul.f32 v8, v7  }
0x11d: {  	s18 =	simm.s32 $0x3  }
0x11e: {  	[tilespmem:s13+$0xFFFFFFD0] =	vst v7;
	v7 =	vmov s18  }
0x11f: {  	v8 =	vld [tilespmem:s13+$0xFFFFFFE0];
	v7 =	vshrl.u32 v7, $0x3  }
0x120: {  	v6 =	vld.idx.msk [tilespmem:v6+s24+$0x0], $0xffff;
	v7 =	vshll.u32 v7, v0  }
0x121: {  	v7 =	vadd.s32 $0x3, v7  }
0x122: {  	v7 =	vbroadcast v7, $0x0;
	_ =	sdelay $0x2  }
0x123: {  	v6 =	vmul.f32 v8, v6  }
0x124: {  	s14 =	simm.s32 $0x4  }
0x125: {  	v8 =	vld [tilespmem:s13+$0xFFFFFFF0];
	[tilespmem:s13+$0xFFFFFFE0] =	vst v6;
	v6 =	vmov s14  }
0x126: {  	v7 =	vld.idx.msk [tilespmem:v7+s24+$0x0], $0xffff;
	v6 =	vshrl.u32 v6, $0x3  }
0x127: {  	v6 =	vshll.u32 v6, v0  }
0x128: {  	v6 =	vadd.s32 $0x4, v6  }
0x129: {  	v6 =	vbroadcast v6, $0x0;
	_ =	sdelay $0x1  }
0x12a: {  	v7 =	vmul.f32 v8, v7  }
0x12b: {  	s15 =	simm.s32 $0x5  }
0x12c: {  	[tilespmem:s13+$0xFFFFFFF0] =	vst v7;
	v7 =	vmov s15  }
0x12d: {  	v8 =	vld [tilespmem:s13+$0x0];
	v7 =	vshrl.u32 v7, $0x3  }
0x12e: {  	v6 =	vld.idx.msk [tilespmem:v6+s24+$0x0], $0xffff;
	v7 =	vshll.u32 v7, v0  }
0x12f: {  	v7 =	vadd.s32 $0x5, v7  }
0x130: {  	v7 =	vbroadcast v7, $0x0;
	_ =	sdelay $0x2  }
0x131: {  	v6 =	vmul.f32 v8, v6  }
0x132: {  	s17 =	simm.s32 $0x6  }
0x133: {  	v8 =	vld [tilespmem:s13+$0x10];
	[tilespmem:s13+$0x0] =	vst v6;
	v6 =	vmov s17  }
0x134: {  	v7 =	vld.idx.msk [tilespmem:v7+s24+$0x0], $0xffff;
	v6 =	vshrl.u32 v6, $0x3  }
0x135: {  	v6 =	vshll.u32 v6, v0  }
0x136: {  	v6 =	vadd.s32 $0x6, v6  }
0x137: {  	v6 =	vbroadcast v6, $0x0;
	_ =	sdelay $0x1  }
0x138: {  	v7 =	vmul.f32 v8, v7  }
0x139: {  	s18 =	simm.s32 $0x7  }
0x13a: {  	[tilespmem:s13+$0x10] =	vst v7;
	v7 =	vmov s18  }
0x13b: {  	v8 =	vld [tilespmem:s13+$0x20];
	v7 =	vshrl.u32 v7, $0x3  }
0x13c: {  	v6 =	vld.idx.msk [tilespmem:v6+s24+$0x0], $0xffff;
	v7 =	vshll.u32 v7, v0  }
0x13d: {  	v7 =	vadd.s32 $0x7, v7  }
0x13e: {  	v9 =	vbroadcast v7, $0x0;
	_ =	sdelay $0x2  }
0x13f: {  	v6 =	vmul.f32 v8, v6;
	_ =	sdelay $0x1  }
0x140: {  	s14 =	simm.s32 $0x8;
	[tilespmem:s13+$0x20] =	vst v6  }
0x141: {  	s15 =	simm.s32 $0x10;
	v7 =	vmov s14;
	v6 =	vld.idx.msk [tilespmem:v9+s24+$0x0], $0xffff  }
.LBB2_5:
0x142: {  	p1 =	slt.u32 s15, $0x70;
	v7 =	vshrl.u32 v7, $0x3;
	v8 =	vld [tilespmem:s13+$0x30]  }
0x143: {  	v7 =	vshll.u32 v7, v0  }
0x144: {  	v7 =	vbroadcast v7, $0x0;
	_ =	sdelay $0x2  }
0x145: {  	v6 =	vmul.f32 v8, v6  }
0x146: {  	s10 =	sadd.s32 $0x1, s14  }
0x147: {  	v8 =	vmov s10;
	[tilespmem:s13+$0x30] =	vst v6  }
0x148: {  	s13 =	sadd.s32 $0x80, s13;
	v6 =	vld.idx.msk [tilespmem:v7+s24+$0x0], $0xffff;
	v7 =	vshrl.u32 v8, $0x3  }
0x149: {  	v8 =	vld [tilespmem:s13+$0xFFFFFFC0];
	v7 =	vshll.u32 v7, v0  }
0x14a: {  	v7 =	vadd.s32 $0x1, v7  }
0x14b: {  	v7 =	vbroadcast v7, $0x0;
	_ =	sdelay $0x2  }
0x14c: {  	v6 =	vmul.f32 v8, v6  }
0x14d: {  	s10 =	sadd.s32 $0x2, s14  }
0x14e: {  	[tilespmem:s13+$0xFFFFFFC0] =	vst v6;
	v6 =	vmov s10  }
0x14f: {  	v7 =	vld.idx.msk [tilespmem:v7+s24+$0x0], $0xffff;
	v6 =	vshrl.u32 v6, $0x3  }
0x150: {  	v8 =	vld [tilespmem:s13+$0xFFFFFFD0];
	v6 =	vshll.u32 v6, v0  }
0x151: {  	v6 =	vadd.s32 $0x2, v6  }
0x152: {  	v6 =	vbroadcast v6, $0x0;
	_ =	sdelay $0x2  }
0x153: {  	v7 =	vmul.f32 v8, v7  }
0x154: {  	s10 =	sadd.s32 $0x3, s14  }
0x155: {  	[tilespmem:s13+$0xFFFFFFD0] =	vst v7;
	v7 =	vmov s10  }
0x156: {  	v6 =	vld.idx.msk [tilespmem:v6+s24+$0x0], $0xffff;
	v7 =	vshrl.u32 v7, $0x3  }
0x157: {  	v8 =	vld [tilespmem:s13+$0xFFFFFFE0];
	v7 =	vshll.u32 v7, v0  }
0x158: {  	v7 =	vadd.s32 $0x3, v7  }
0x159: {  	v7 =	vbroadcast v7, $0x0;
	_ =	sdelay $0x2  }
0x15a: {  	v6 =	vmul.f32 v8, v6  }
0x15b: {  	s10 =	sadd.s32 $0x4, s14  }
0x15c: {  	[tilespmem:s13+$0xFFFFFFE0] =	vst v6;
	v6 =	vmov s10  }
0x15d: {  	v7 =	vld.idx.msk [tilespmem:v7+s24+$0x0], $0xffff;
	v6 =	vshrl.u32 v6, $0x3  }
0x15e: {  	v8 =	vld [tilespmem:s13+$0xFFFFFFF0];
	v6 =	vshll.u32 v6, v0  }
0x15f: {  	v6 =	vadd.s32 $0x4, v6  }
0x160: {  	v6 =	vbroadcast v6, $0x0;
	_ =	sdelay $0x2  }
0x161: {  	v7 =	vmul.f32 v8, v7  }
0x162: {  	s10 =	sadd.s32 $0x5, s14  }
0x163: {  	[tilespmem:s13+$0xFFFFFFF0] =	vst v7;
	v7 =	vmov s10  }
0x164: {  	v6 =	vld.idx.msk [tilespmem:v6+s24+$0x0], $0xffff;
	v7 =	vshrl.u32 v7, $0x3  }
0x165: {  	v8 =	vld [tilespmem:s13+$0x0];
	v7 =	vshll.u32 v7, v0  }
0x166: {  	v7 =	vadd.s32 $0x5, v7  }
0x167: {  	v7 =	vbroadcast v7, $0x0;
	_ =	sdelay $0x2  }
0x168: {  	v6 =	vmul.f32 v8, v6  }
0x169: {  	s10 =	sadd.s32 $0x6, s14  }
0x16a: {  	[tilespmem:s13+$0x0] =	vst v6;
	v6 =	vmov s10  }
0x16b: {  	v7 =	vld.idx.msk [tilespmem:v7+s24+$0x0], $0xffff;
	v6 =	vshrl.u32 v6, $0x3  }
0x16c: {  	v8 =	vld [tilespmem:s13+$0x10];
	v6 =	vshll.u32 v6, v0  }
0x16d: {  	v6 =	vadd.s32 $0x6, v6  }
0x16e: {  	v6 =	vbroadcast v6, $0x0;
	_ =	sdelay $0x2  }
0x16f: {  	v7 =	vmul.f32 v8, v7  }
0x170: {  	s10 =	sadd.s32 $0x7, s14;
	s14 =	smov.u32 s15  }
0x171: {  	[tilespmem:s13+$0x10] =	vst v7;
	v7 =	vmov s10  }
0x172: {  	v6 =	vld.idx.msk [tilespmem:v6+s24+$0x0], $0xffff;
	v7 =	vshrl.u32 v7, $0x3  }
0x173: {  	v8 =	vld [tilespmem:s13+$0x20];
	v7 =	vshll.u32 v7, v0  }
0x174: {  	v7 =	vadd.s32 $0x7, v7  }
0x175: {  	v9 =	vbroadcast v7, $0x0;
	_ =	sdelay $0x1  }
.Ltmp1:
0x176: {  	(pc) =	sbr.rel @p1 .LBB2_5-.Ltmp1, $3  }
0x177: {  	v6 =	vmul.f32 v8, v6;
	_ =	sdelay $0x1  }
0x178: {  	[tilespmem:s13+$0x20] =	vst v6  }
0x179: {  	s15 =	sadd.s32 $0x8, s15;
	v7 =	vmov s14;
	v6 =	vld.idx.msk [tilespmem:v9+s24+$0x0], $0xffff  }
0x17a: {  	v7 =	vshrl.u32 v7, $0x3;
	v8 =	vld [tilespmem:s13+$0x30]  }
0x17b: {  	v7 =	vshll.u32 v7, v0  }
0x17c: {  	v7 =	vbroadcast v7, $0x0;
	_ =	sdelay $0x2  }
0x17d: {  	v6 =	vmul.f32 v8, v6  }
0x17e: {  	s10 =	sadd.s32 $0x1, s14  }
0x17f: {  	v56 =	vmov s10;
	[tilespmem:s13+$0x30] =	vst v6  }
0x180: {  	s13 =	sadd.s32 $0x80, s13;
	v6 =	vld.idx.msk [tilespmem:v7+s24+$0x0], $0xffff;
	v7 =	vshrl.u32 v56, $0x3  }
0x181: {  	v57 =	vld [tilespmem:s13+$0xFFFFFFC0];
	v7 =	vshll.u32 v7, v0  }
0x182: {  	v7 =	vadd.s32 $0x1, v7  }
0x183: {  	v7 =	vbroadcast v7, $0x0;
	_ =	sdelay $0x2  }
0x184: {  	v6 =	vmul.f32 v57, v6  }
0x185: {  	s15 =	sadd.s32 $0x2, s14  }
0x186: {  	v58 =	vld [tilespmem:s13+$0xFFFFFFD0];
	[tilespmem:s13+$0xFFFFFFC0] =	vst v6;
	v6 =	vmov s15  }
0x187: {  	v6 =	vshrl.u32 v6, $0x3;
	v7 =	vld.idx.msk [tilespmem:v7+s24+$0x0], $0xffff  }
0x188: {  	v6 =	vshll.u32 v6, v0  }
0x189: {  	v6 =	vadd.s32 $0x2, v6  }
0x18a: {  	v6 =	vbroadcast v6, $0x0;
	_ =	sdelay $0x1  }
0x18b: {  	v7 =	vmul.f32 v58, v7  }
0x18c: {  	s17 =	sadd.s32 $0x3, s14  }
0x18d: {  	[tilespmem:s13+$0xFFFFFFD0] =	vst v7;
	v7 =	vmov s17  }
0x18e: {  	v59 =	vld [tilespmem:s13+$0xFFFFFFE0];
	v7 =	vshrl.u32 v7, $0x3  }
0x18f: {  	v6 =	vld.idx.msk [tilespmem:v6+s24+$0x0], $0xffff;
	v7 =	vshll.u32 v7, v0  }
0x190: {  	v7 =	vadd.s32 $0x3, v7  }
0x191: {  	v7 =	vbroadcast v7, $0x0;
	_ =	sdelay $0x2  }
0x192: {  	v6 =	vmul.f32 v59, v6  }
0x193: {  	s18 =	sadd.s32 $0x4, s14  }
0x194: {  	v60 =	vld [tilespmem:s13+$0xFFFFFFF0];
	[tilespmem:s13+$0xFFFFFFE0] =	vst v6;
	v6 =	vmov s18  }
0x195: {  	v6 =	vshrl.u32 v6, $0x3;
	v7 =	vld.idx.msk [tilespmem:v7+s24+$0x0], $0xffff  }
0x196: {  	v6 =	vshll.u32 v6, v0  }
0x197: {  	v6 =	vadd.s32 $0x4, v6  }
0x198: {  	v6 =	vbroadcast v6, $0x0;
	_ =	sdelay $0x1  }
0x199: {  	v7 =	vmul.f32 v60, v7  }
0x19a: {  	s15 =	sadd.s32 $0x5, s14  }
0x19b: {  	[tilespmem:s13+$0xFFFFFFF0] =	vst v7;
	v7 =	vmov s15  }
0x19c: {  	v61 =	vld [tilespmem:s13+$0x0];
	v7 =	vshrl.u32 v7, $0x3  }
0x19d: {  	v6 =	vld.idx.msk [tilespmem:v6+s24+$0x0], $0xffff;
	v7 =	vshll.u32 v7, v0  }
0x19e: {  	v7 =	vadd.s32 $0x5, v7  }
0x19f: {  	v7 =	vbroadcast v7, $0x0;
	_ =	sdelay $0x2  }
0x1a0: {  	v6 =	vmul.f32 v61, v6  }
0x1a1: {  	s17 =	sadd.s32 $0x6, s14  }
0x1a2: {  	v62 =	vld [tilespmem:s13+$0x10];
	[tilespmem:s13+$0x0] =	vst v6;
	v6 =	vmov s17  }
0x1a3: {  	v6 =	vshrl.u32 v6, $0x3;
	v7 =	vld.idx.msk [tilespmem:v7+s24+$0x0], $0xffff  }
0x1a4: {  	v6 =	vshll.u32 v6, v0  }
0x1a5: {  	v6 =	vadd.s32 $0x6, v6  }
0x1a6: {  	v6 =	vbroadcast v6, $0x0;
	_ =	sdelay $0x1  }
0x1a7: {  	v7 =	vmul.f32 v62, v7  }
0x1a8: {  	s18 =	sadd.s32 $0x7, s14  }
0x1a9: {  	[tilespmem:s13+$0x10] =	vst v7;
	v7 =	vmov s18  }
0x1aa: {  	v63 =	vld [tilespmem:s13+$0x20];
	v7 =	vshrl.u32 v7, $0x3  }
0x1ab: {  	v6 =	vld.idx.msk [tilespmem:v6+s24+$0x0], $0xffff;
	v7 =	vshll.u32 v7, v0  }
0x1ac: {  	v7 =	vadd.s32 $0x7, v7  }
0x1ad: {  	v7 =	vbroadcast v7, $0x0;
	_ =	sdelay $0x2  }
0x1ae: {  	v6 =	vmul.f32 v63, v6;
	_ =	sdelay $0x1  }
0x1af: {  	[tilespmem:s13+$0x20] =	vst v6  }
0x1b0: {  	v6 =	vld.idx.msk [tilespmem:v7+s24+$0x0], $0xffff  }
0x1b1: {  	v7 =	vld [tilespmem:s13+$0x30];
	_ =	sdelay $0x4  }
0x1b2: {  	v6 =	vmul.f32 v7, v6;
	_ =	sdelay $0x1  }
0x1b3: {  	[tilespmem:s13+$0x30] =	vst v6  }
0x1b4: {  	v6 =	vld.idx.msk [tilespmem:v1+s24+$0x0], $0xffff  }
0x1b5: {  	v7 =	vld [tilespmem:$0x1250];
	_ =	sdelay $0x4  }
0x1b6: {  	v6 =	vmul.f32 v7, v6;
	_ =	sdelay $0x1  }
0x1b7: {  	v7 =	vld [tilespmem:$0x1260];
	[tilespmem:$0x1250] =	vst v6  }
0x1b8: {  	v6 =	vld.idx.msk [tilespmem:v2+s24+$0x0], $0xffff;
	_ =	sdelay $0x4  }
0x1b9: {  	v6 =	vmul.f32 v7, v6;
	_ =	sdelay $0x1  }
0x1ba: {  	v7 =	vld [tilespmem:$0x1270];
	[tilespmem:$0x1260] =	vst v6  }
0x1bb: {  	v6 =	vld.idx.msk [tilespmem:v3+s24+$0x0], $0xffff;
	_ =	sdelay $0x4  }
0x1bc: {  	v6 =	vmul.f32 v7, v6;
	_ =	sdelay $0x1  }
0x1bd: {  	v7 =	vld [tilespmem:$0x1280];
	[tilespmem:$0x1270] =	vst v6  }
0x1be: {  	v6 =	vld.idx.msk [tilespmem:v4+s24+$0x0], $0xffff;
	_ =	sdelay $0x4  }
0x1bf: {  	v6 =	vmul.f32 v7, v6;
	_ =	sdelay $0x1  }
0x1c0: {  	v7 =	vld [tilespmem:$0x1290];
	[tilespmem:$0x1280] =	vst v6  }
0x1c1: {  	v6 =	vld.idx.msk [tilespmem:v5+s24+$0x0], $0xffff;
	_ =	sdelay $0x2  }
0x1c2: {  	p1 =	seq.s32 s11, $0x27  }
0x1c3: {  	s10 =	sshll.u32 @!p1 s11, $0x8  }
0x1c4: {  	s10 =	sadd.s32 @!p1 s10, s16;
	v6 =	vmul.f32 v7, v6  }
0x1c5: {  	s10 =	sshrl.u32 @!p1 s10, $0x3  }
0x1c6: {  	s14 =	simm.s32 @!p1 $0x0;
	s15 =	simm.s32 @!p1 $0x80;
	s13 =	sadd.s32 @!p1 s5, s10;
	[tilespmem:$0x1290] =	vst v6  }
0x1c7: {  	[tilespmem:s15], [sflag:$0x2] =	stream.linear.gather @!p1 [hbm4b:s13+s14], $0x80, $0x38;
	[tilespmem:$0x3A20] =	vst v63  }
0x1c8: {  	s10 =	sadd.s32 @!p1 s7, s10;
	s13 =	simm.s32 @!p1 $0x280  }
0x1c9: {  	[tilespmem:s13], [sflag:$0x2] =	stream.linear.gather @!p1 [hbm4b:s10+s14], $0x80, $0x38;
	[tilespmem:$0x3A20] =	vst v63  }
.Ltmp2:
0x1ca: {  	_ = 	snop;
	(pc) =	sbr.rel @p0 .LBB2_2-.Ltmp2, $4  }
0x1cb: {  	p1 =	sgt.u32 s12, $0x4E;
	_ =	swait.ge [sflag:s29], $0x80  }
0x1cc: {  	s11 =	sadd.s32 $0x1, s11;
	s10 =	simm.s32 @!p1 $0x7D;
	[sflag:s29] =	ssyncset.done $0x0  }
0x1cd: {  	s12 =	simm.s32 @!p1 $0x180;
	s13 =	simm.s32 @!p1 $0xAD0;
	[sflag:s29] =	ssyncadd.s32 $0xFFFFFF80  }
0x1ce: {  	[spmem:s3] =	stream.indirect.scatter.add.f32 @!p1 [tilespmem:s13], [sflag:$0x8], $0x10, s12, s10, $0xb8;
	[tilespmem:$0x3A20] =	vst v63  }
0x1cf: {  	[spmem:s3] =	stream.indirect.scatter.add.f32 [tilespmem:s0], [sflag:$0x9], $0x10, s31, s28, $0xb8;
	[tilespmem:$0x3A20] =	vst v63  }
0x1d0: {  	_ =	swait.ge [sflag:s21], $0x7D0  }
0x1d1: {  	[sflag:s21] =	ssyncset.done $0x0  }
0x1d2: {  	[sflag:s21] =	ssyncadd.s32 $0xFFFFF830  }
0x1d3: {  	[bflag:$0x0] =	sbarrier.arrive $0xFFFF  }
0x1d4: {  	s10 =	rddreg [dreg:$0xa]  }
0x1d5: {  	s11 =	rddreg [dreg:$0xc]  }
0x1d6: {  	[hbm:s10], [sflag:s20] =	dma.local [spmem:s11], $0x4F0  }
0x1d7: {  	_ =	swait.ge [sflag:s21], $0x4F0  }
0x1d8: {  	s13 =	smov.u32 s20;
	s9 =	sadd.s32 $0x1, s9;
	s20 =	rddreg [dreg:$0xb]  }
0x1d9: {  	p0 =	sne.s32 s9, s20  }
.Ltmp3:
0x1da: {  	_ = 	snop;
	(pc) =	sbr.rel @p0 .LBB2_1-.Ltmp3, $3  }
0x1db: {  	_ =	sdelay $0x1  }
0x1dc: {  	[sflag:s21] =	ssyncset.done $0x0  }
0x1dd: {  	[sflag:s21] =	ssyncadd.s32 $0xFFFFFB10  }
0x1de: {  	_ =	sfence.sel $0x180000  }
0x1df: {  	[bflag:$0x0] =	sbarrier.arrive $0xFFFF  }
0x1e0: {  	_ =	strace $0x9000004A  }
0x1e1: {  	s0 =	stileid.u32;
	[bflag:$0x2] =	sbarrier.arrive $0xFFFF  }
0x1e2: {  	p0 =	sne.s32 s0, $0x0;
	s0 =	rddreg [dreg:$0x3]  }
0x1e3: {  	s0 =	sadd.s32 @!p0 $0x100000, s0  }
0x1e4: {  	[sflag:s0] =	ssyncadd.tile.s32 @!p0 $0x1;
	_ =	shalt  }
.Lfunc_end2:
_tile_overlayer_lowered:
.L_overlay_start_2:
0x1e5: {  	(tag) =	ssettag $0x2  }
0x1e6: {  	s0 =	rddreg [dreg:$0x0];
	s2 =	stileid.u32  }
0x1e7: {  	s1 =	rddreg [dreg:$0x1];
	p0 =	sne.s32 s2, $0x0  }
0x1e8: {  	s3 =	rddreg [dreg:$0x2];
	[bflag:$0x3] =	sbarrier.arrive $0xFFFF;
	s2 =	simm.s32 @!p0 $0x1C09  }
0x1e9: {  	[timem:s3], [sflag:s2] =	dma.local @!p0 [hbm:s0], s1  }
0x1ea: {  	s0 =	simm.s32 @!p0 $0x9  }
0x1eb: {  	_ =	swait.ge @!p0 [sflag:s0], s1  }
0x1ec: {  	s1 =	ssub.s32 @!p0 $0x0, s1;
	[sflag:s0] =	ssyncset.done @!p0 $0x0  }
0x1ed: {  	[sflag:s0] =	ssyncadd.s32 @!p0 s1  }
0x1ee: {  	[bflag:$0x3] =	sbarrier.arrive $0xFFFF  }
0x1ef: {  	_ =	shalt  }

// kernel: kernel.7.cloned.1.call-start
scs
__scs_entry_jumppad:
0x0: {  	(pc) =	sbr.rel $0x88, $3  }
0x1: {  	(tag) =	ssettag $0x0;
	lr =	simm.s32 $0x1  }
0x2: {  	[smem:$0x3F94] =	sst lr;
	_ =	strace $0xD0000000  }
0x3: {  	_ = 	snop  }
0x4: {  	_ = 	snop  }
0x5: {  	_ = 	snop  }
0x6: {  	_ = 	snop  }
0x7: {  	_ = 	snop  }
__scs_overlays_trampoline_lowered:
0x8: {  	[smem:$0x3FA3] =	sst s0  }
0x9: {  	[smem:$0x3FA4] =	sst s1  }
0xa: {  	[smem:$0x3FA5] =	sst s2  }
0xb: {  	[smem:$0x3FA6] =	sst s3  }
0xc: {  	[smem:$0x3FA7] =	sst s4  }
0xd: {  	[smem:$0x3FA8] =	sst s5  }
0xe: {  	[smem:$0x3FA9] =	sst s6  }
0xf: {  	[smem:$0x3FAA] =	sst s7  }
0x10: {  	[smem:$0x3FAB] =	sst s8  }
0x11: {  	[smem:$0x3FAC] =	sst s9;
	s0 =	simm.s32 @!p0 $0x0  }
0x12: {  	s1 =	sld [smem:$0x3F92];
	s0 =	simm.s32 @p0 $0x1  }
0x13: {  	[smem:$0x3FAD] =	sst s0;
	s0 =	simm.s32 @!p1 $0x0  }
0x14: {  	s2 =	sld [smem:$0x3F91];
	s0 =	simm.s32 @p1 $0x1  }
0x15: {  	[smem:$0x3FAE] =	sst s0;
	s0 =	simm.s32 @!p2 $0x0  }
0x16: {  	s3 =	sld [smem:$0x3FDB];
	s0 =	simm.s32 @p2 $0x1  }
0x17: {  	s4 =	simm.s32 $0x1BF5;
	[smem:$0x3FB0] =	sst s0  }
0x18: {  	s0 =	sld [smem:$0x3F93];
	_ =	swait.ge [sflag:s4], $0x0  }
0x19: {  	s7 =	sld [smem:$0x3F94]  }
0x1a: {  	s8 =	sadd.s32 $0xFFFFE003, lr  }
0x1b: {  	s9 =	sadd.s32 $0xFFFFFEF7, lr;
	s5 =	simm.s32 $0xFFFFFFFF;
	p2 =	slt.u32 s8, $0xFFFFF086  }
0x1c: {  	p1 =	slt.u32 s9, $0xF7A;
	s5 =	simm.s32 @!p2 $0x0  }
0x1d: {  	s5 =	simm.s32 @p1 $0x1;
	p0 =	seq.s32 s7, s2  }
0x1e: {  	s7 =	smul.u32 @!p0 $0xF7A, s2;
	p2 =	seq.s32 @!p0 s5, $0x0  }
0x1f: {  	s9 =	smul.u32 $0xF7A, s1;
	s8 =	simm.s32 @!p0 $0x1BF5;
	p2 =	por !p2, p0  }
0x20: {  	[sflag:s8] =	ssyncset.s32 @!p0 $0xFFFFF086;
	s6 =	sadd.s32 @!p0 s3, s7;
	s7 =	simm.s32 @!p0 $0x108  }
0x21: {  	s3 =	sadd.s32 s3, s9;
	s6 =	sadd.s32 @!p0 $0x88, s6;
	s7 =	simm.s32 @p2 $0x1082  }
0x22: {  	[simem:s7], [sflag:s8] =	dma.local @!p0 [hbm:s6], $0xF7A  }
0x23: {  	s9 =	sor.u32 $0xD0000000, s2;
	s6 =	simm.s32 $0x108;
	_ =	swait.ge @!p0 [sflag:s8], $0x0  }
0x24: {  	s3 =	sadd.s32 $0x88, s3;
	s6 =	simm.s32 @!p1 $0x1082;
	[sflag:s4] =	ssyncset.s32 $0xFFFFF086  }
0x25: {  	[simem:s6], [sflag:s4] =	dma.local [hbm:s3], $0xF7A  }
0x26: {  	[smem:$0x3F94] =	sst s1;
	(tag) =	ssettag s2;
	_ =	strace s9  }
0x27: {  	s1 =	sld [smem:$0x3FA4]  }
0x28: {  	s2 =	sld [smem:$0x3FA5]  }
0x29: {  	s4 =	sld [smem:$0x3FA7]  }
0x2a: {  	p0 =	seq.s32 s5, $0x0;
	s5 =	sld [smem:$0x3FA8]  }
0x2b: {  	s6 =	sld [smem:$0x3FA9]  }
0x2c: {  	s7 =	sld [smem:$0x3FAA]  }
0x2d: {  	s3 =	simm.s32 $0x108;
	s8 =	sld [smem:$0x3FAB]  }
0x2e: {  	s3 =	simm.s32 @!p0 $0x1082;
	s9 =	sld [smem:$0x3FAC]  }
0x2f: {  	lr =	sadd.s32 s0, s3;
	s0 =	sld [smem:$0x3FA3]  }
0x30: {  	s3 =	sld [smem:$0x3FA6]  }
0x31: {  	[smem:$0x3FAF] =	sst s10  }
0x32: {  	s10 =	sld [smem:$0x3FAD];
	_ =	sdelay $0x3  }
0x33: {  	p0 =	seq.s32 s10, $0x1;
	s10 =	sld [smem:$0x3FAF];
	_ =	sdelay $0x3  }
0x34: {  	[smem:$0x3FAF] =	sst s10  }
0x35: {  	s10 =	sld [smem:$0x3FAE];
	_ =	sdelay $0x3  }
0x36: {  	p1 =	seq.s32 s10, $0x1;
	s10 =	sld [smem:$0x3FAF];
	_ =	sdelay $0x3  }
0x37: {  	[smem:$0x3FAF] =	sst s10  }
0x38: {  	s10 =	sld [smem:$0x3FB0]  }
0x39: {  	_ = 	snop;
	(pc) =	sbr.ind lr, $3  }
0x3a: {  	_ = 	snop  }
0x3b: {  	_ = 	snop  }
0x3c: {  	p2 =	seq.s32 s10, $0x1;
	s10 =	sld [smem:$0x3FAF]  }
0x3d: {  	_ =	shalt  }
0x3e: {  	_ =	shalt  }
0x3f: {  	_ =	shalt  }
0x40: {  	_ =	shalt  }
0x41: {  	_ =	shalt  }
0x42: {  	_ =	shalt  }
0x43: {  	_ =	shalt  }
0x44: {  	_ =	shalt  }
0x45: {  	_ =	shalt  }
0x46: {  	_ =	shalt  }
0x47: {  	_ =	shalt  }
0x48: {  	_ =	shalt  }
0x49: {  	_ =	shalt  }
0x4a: {  	_ =	shalt  }
0x4b: {  	_ =	shalt  }
0x4c: {  	_ =	shalt  }
0x4d: {  	_ =	shalt  }
0x4e: {  	_ =	shalt  }
0x4f: {  	_ =	shalt  }
0x50: {  	_ =	shalt  }
0x51: {  	_ =	shalt  }
0x52: {  	_ =	shalt  }
0x53: {  	_ =	shalt  }
0x54: {  	_ =	shalt  }
0x55: {  	_ =	shalt  }
0x56: {  	_ =	shalt  }
0x57: {  	_ =	shalt  }
0x58: {  	_ =	shalt  }
0x59: {  	_ =	shalt  }
0x5a: {  	_ =	shalt  }
0x5b: {  	_ =	shalt  }
0x5c: {  	_ =	shalt  }
0x5d: {  	_ =	shalt  }
0x5e: {  	_ =	shalt  }
0x5f: {  	_ =	shalt  }
0x60: {  	_ =	shalt  }
0x61: {  	_ =	shalt  }
0x62: {  	_ =	shalt  }
0x63: {  	_ =	shalt  }
0x64: {  	_ =	shalt  }
0x65: {  	_ =	shalt  }
0x66: {  	_ =	shalt  }
0x67: {  	_ =	shalt  }
0x68: {  	_ =	shalt  }
0x69: {  	_ =	shalt  }
0x6a: {  	_ =	shalt  }
0x6b: {  	_ =	shalt  }
0x6c: {  	_ =	shalt  }
0x6d: {  	_ =	shalt  }
0x6e: {  	_ =	shalt  }
0x6f: {  	_ =	shalt  }
0x70: {  	_ =	shalt  }
0x71: {  	_ =	shalt  }
0x72: {  	_ =	shalt  }
0x73: {  	_ =	shalt  }
0x74: {  	_ =	shalt  }
0x75: {  	_ =	shalt  }
0x76: {  	_ =	shalt  }
0x77: {  	_ =	shalt  }
0x78: {  	_ =	shalt  }
0x79: {  	_ =	shalt  }
0x7a: {  	_ =	shalt  }
0x7b: {  	_ =	shalt  }
0x7c: {  	_ =	shalt  }
0x7d: {  	_ =	shalt  }
0x7e: {  	_ =	shalt  }
0x7f: {  	_ =	shalt  }
0x80: {  	_ =	shalt  }
0x81: {  	_ =	shalt  }
0x82: {  	_ =	shalt  }
0x83: {  	_ =	shalt  }
0x84: {  	_ =	shalt  }
0x85: {  	_ =	shalt  }
0x86: {  	_ =	shalt  }
0x87: {  	_ =	shalt  }
.Lfunc_end0:
.L_simem_size_0:
called_computation_lowered:
.L_overlay_start_0:
0x88: {  	s2 =	sld [smem:$0x3FD9]  }
0x89: {  	s3 =	sld [smem:$0x3FFE];
	_ =	sdelay $0x1  }
0x8a: {  	s1 =	srdreg.scid  }
0x8b: {  	s0 =	sand.u32 $0x1, s1  }
0x8c: {  	s17 =	sshll.u32 s0, $0xA;
	s2 =	sadd.s32 s3, s2  }
0x8d: {  	s2 =	sadd.s32 s2, s17  }
0x8e: {  	[smem:$0x3FBB] =	sst s2  }
0x8f: {  	_ = 	snop  }
0x90: {  	s2 =	sld [smem:$0x3FD0];
	(tm) =	ssettm $0x1  }
0x91: {  	s18 =	sld [smem:$0x3FFB];
	_ =	sdelay $0x3  }
0x92: {  	_ =	strace s18  }
0x93: {  	s3 =	sld [smem:$0x3FFC];
	_ =	sdelay $0x3  }
0x94: {  	_ =	strace s3  }
0x95: {  	s3 =	sld [smem:$0x3FFD];
	_ =	sdelay $0x3  }
0x96: {  	_ =	strace s3  }
0x97: {  	_ =	strace $0x8FFFFFFF  }
0x98: {  	s19 =	sld [smem:$0x3FDB];
	_ =	sdelay $0x1  }
0x99: {  	s4 =	simm.s32 $_scs_section_size  }
0x9a: {  	s5 =	simm.s32 $_size__tile_overlayer_lowered;
	s6 =	simm.s32 $_tile_overlayer_lowered  }
0x9b: {  	s22 =	simm.s32 $0x1BFF;
	s21 =	sshll.u32 s6, $0x1;
	s3 =	sadd.s32 s4, s19  }
0x9c: {  	s7 =	simm.s32 $0x0;
	s20 =	sshll.u32 s5, $0x1;
	s5 =	sadd.s32 s21, s3  }
0x9d: {  	[timem:s7], [sflag:s22] =	dma.local [hbm:s5], s20  }
0x9e: {  	_ =	swait.ge [sflag:s22], s20  }
0x9f: {  	s4 =	ssub.s32 $0x0, s20;
	[sflag:s22] =	ssyncset.done $0x0  }
0xa0: {  	[sflag:s22] =	ssyncadd.s32 s4;
	_ =	sdelay $0x1  }
0xa1: {  	s23 =	simm.s32 $0x1B8B  }
0xa2: {  	_ =	swait.ge [sflag:s23], $0x1  }
0xa3: {  	[sflag:s23] =	ssyncset.done $0x0  }
0xa4: {  	s25 =	simm.s32 $0x1B8E;
	s24 =	sld [smem:$0x3FFE];
	[sflag:s23] =	ssyncadd.s32 $0xFFFFFFFF  }
0xa5: {  	s26 =	simm.s32 $execute0_lowered;
	[smem:$0x3FD2] =	sst s25  }
0xa6: {  	s5 =	sshll.u32 s26, $0x1;
	_ =	strace $0x80000046;
	[dreg:$0x1] =	wrdreg $0xFFFFFFFF  }
0xa7: {  	s28 =	simm.s32 $_size_execute0_lowered;
	s3 =	sadd.s32 s3, s5;
	[dreg:$0x0] =	wrdreg $0x0  }
0xa8: {  	s5 =	sshll.u32 s28, $0x1;
	[dreg:$0x2] =	wrdreg s3  }
0xa9: {  	[dreg:$0x3] =	wrdreg s5  }
0xaa: {  	[dreg:$0x4] =	wrdreg $0xC0  }
0xab: {  	_ =	task [dreg:s7], $0x5FFFF  }
0xac: {  	[dreg:$0x1] =	wrdreg $0xFFFFFFFF  }
0xad: {  	[dreg:$0x0] =	wrdreg $0x60  }
0xae: {  	[dreg:$0x2] =	wrdreg s24  }
0xaf: {  	[dreg:$0x3] =	wrdreg s2  }
0xb0: {  	[dreg:$0x4] =	wrdreg $0x8FA00  }
0xb1: {  	[dreg:$0x5] =	wrdreg $0x9  }
0xb2: {  	_ =	task.clear_ibuf [dreg:s7], $0x6FFFF;
	_ =	strace $0x90000046  }
0xb3: {  	s29 =	simm.s32 $0x9;
	_ =	strace $0x80000048  }
0xb4: {  	_ =	swait.ge [sflag:s29], $0x1  }
0xb5: {  	[sflag:s29] =	ssyncadd.s32 $0xFFFFFFFF  }
0xb6: {  	_ =	strace $0x90000048  }
0xb7: {  	_ =	sfence  }
0xb8: {  	s30 =	sld [smem:$0x0];
	_ =	sdelay $0x2  }
0xb9: {  	s31 =	sshll.u32 s1, $0xD;
	s1 =	sshrl.u32 s1, $0x2  }
0xba: {  	s3 =	sand.u32 $0x4000, s31;
	s1 =	sadd.s32 s1, s30  }
0xbb: {  	s0 =	sor.u32 s3, s0;
	s1 =	sshll.u32 s1, $0x11  }
0xbc: {  	s0 =	sor.u32 s1, s0  }
0xbd: {  	s0 =	sadd.s32 $0x8F2B, s0  }
0xbe: {  	[sflag:s0] =	ssyncadd.remote.s32 $0x1  }
0xbf: {  	_ =	sfence.sel $0xFFFF  }
0xc0: {  	[dreg:$0x0] =	wrdreg $0xFFFFFFFF;
	(pc) =	sbr.abs _section_cstart, $3  }
0xc1: {  	[dreg:$0x1] =	wrdreg $0xFFFFFFFF  }
0xc2: {  	_ =	task.clear_ibuf [dreg:s7], $0x2FFFF;
	_ =	strace $0x9FFFFFFF  }
0xc3: {  	(tm) =	ssettm $0x7FFFFFFF  }
tec
execute0_lowered:
.L_overlay_start_1:
0x0: {  	(tag) =	ssettag $0x1  }
0x1: {  	s0 =	rddreg [dreg:$0x0]  }
0x2: {  	s2 =	rddreg [dreg:$0x2]  }
0x3: {  	s4 =	simm.s32 $0x0;
	s1 =	srdreg.scid;
	s13 =	stileid.u32  }
0x4: {  	s28 =	simm.s32 $0x7D;
	s30 =	simm.s32 $0x2;
	s31 =	simm.s32 $0x180  }
0x5: {  	s29 =	simm.s32 $0x0;
	[smem:$0x7FF] =	sst s4;
	s1 =	sand.u32 $0x1, s1  }
0x6: {  	s3 =	smul.u32 $0x16380, s13;
	s5 =	sadd.s32 $0x16600, s0;
	s6 =	sadd.s32 $0x2600, s0  }
0x7: {  	s7 =	sadd.s32 $0xC600, s0;
	s9 =	sshll.u32 s13, $0x1;
	s18 =	sshll.u32 s13, $0x6  }
0x8: {  	_ =	strace $0x80000047;
	s8 =	smul.u32 $0x163800, s1;
	s10 =	ssub.s32 $0x2, s1  }
0x9: {  	s1 =	sor.u32 s1, s9;
	s9 =	sadd.s32 $0x42600, s0;
	s12 =	sshrl.u32 s10, $0x1  }
0xa: {  	s13 =	sor.u32 $0x1C09, s18;
	s8 =	sadd.s32 s3, s8;
	s17 =	ssub.s32 s10, s12  }
0xb: {  	s3 =	sadd.s32 s3, s2;
	s11 =	sshrl.u32 s8, $0x3;
	s8 =	smul.u32 $0x2800, s1  }
0xc: {  	s26 =	smax.u32 s17, $0x1;
	s1 =	simm.s32 $0x6;
	s0 =	sadd.s32 s11, s0  }
0xd: {  	[dreg:$0xa] =	wrdreg s26;
	s11 =	sshrl.u32 s3, $0x3;
	s26 =	simm.s32 $0x1  }
0xe: {  	s3 =	simm.s32 $0x5;
	s19 =	sshrl.u32 s8, $0x3;
	s16 =	sor.u32 $0x180, s8  }
0xf: {  	s0 =	sadd.s32 $0x4C600, s0;
	[dreg:$0xb] =	wrdreg s11;
	s20 =	sadd.s32 s6, s19  }
0x10: {  	s21 =	sor.u32 $0x10, s19;
	s22 =	sadd.s32 s9, s19;
	[dreg:$0x9] =	wrdreg s0  }
0x11: {  	s25 =	sadd.s32 s7, s19;
	s19 =	sor.u32 $0x100, s8;
	[dreg:$0x4] =	wrdreg s20  }
0x12: {  	s0 =	simm.s32 $0x4950;
	[dreg:$0x5] =	wrdreg s22;
	s23 =	sadd.s32 s6, s21  }
0x13: {  	s24 =	sadd.s32 s9, s21;
	[dreg:$0x8] =	wrdreg s25;
	s21 =	simm.s32 $0x9  }
0x14: {  	s22 =	simm.s32 $0x200;
	s25 =	simm.s32 $0x4;
	[dreg:$0x6] =	wrdreg s23  }
0x15: {  	v0 =	vimm.s32 $0x7C;
	[dreg:$0x7] =	wrdreg s24;
	s23 =	simm.s32 $0x80;
	s24 =	simm.s32 $0x280  }
.LBB2_1:
0x16: {  	s10 =	rddreg [dreg:$0x1]  }
0x17: {  	[spmem:s11], [sflag:s13] =	dma.local [hbm:s10], $0x2C70  }
0x18: {  	_ =	swait.ge [sflag:s21], $0x2C70  }
0x19: {  	[sflag:s21] =	ssyncset.done $0x0  }
0x1a: {  	[sflag:s21] =	ssyncadd.s32 $0xFFFFD390  }
0x1b: {  	[bflag:$0x0] =	sbarrier.arrive $0xFFFF  }
0x1c: {  	s11 =	rddreg [dreg:$0x4]  }
0x1d: {  	[tilespmem:s4], [sflag:$0x1] =	stream.linear.gather [hbm4b:s11+s4], $0x80, $0x38;
	[tilespmem:$0x1F320] =	vst v63  }
0x1e: {  	s12 =	rddreg [dreg:$0x5]  }
0x1f: {  	[tilespmem:s22], [sflag:$0x1] =	stream.linear.gather [hbm4b:s12+s4], $0x80, $0x38;
	[tilespmem:$0x1F320] =	vst v63  }
0x20: {  	s20 =	smov.u32 s13;
	s13 =	rddreg [dreg:$0x6]  }
0x21: {  	[tilespmem:s23], [sflag:$0x2] =	stream.linear.gather [hbm4b:s13+s4], $0x80, $0x38;
	[tilespmem:$0x1F320] =	vst v63  }
0x22: {  	s14 =	rddreg [dreg:$0x7]  }
0x23: {  	[tilespmem:s24], [sflag:$0x2] =	stream.linear.gather [hbm4b:s14+s4], $0x80, $0x38;
	[tilespmem:$0x1F320] =	vst v63  }
0x24: {  	s17 =	simm.s32 $0x100;
	s15 =	rddreg [dreg:$0x8]  }
0x25: {  	[tilespmem:s17], [sflag:$0x3] =	stream.linear.gather [hbm4b:s15+s4], $0x80, $0x38;
	[tilespmem:$0x1F320] =	vst v63  }
0x26: {  	_ =	swait.ge [sflag:s26], $0x80  }
0x27: {  	[sflag:s26] =	ssyncset.done $0x0  }
0x28: {  	[sflag:s26] =	ssyncadd.s32 $0xFFFFFF80  }
0x29: {  	_ =	swait.ge [sflag:s26], $0x80  }
0x2a: {  	[sflag:s26] =	ssyncset.done $0x0  }
0x2b: {  	s18 =	simm.s32 $0x300;
	s11 =	simm.s32 $0x0;
	[sflag:s26] =	ssyncadd.s32 $0xFFFFFF80  }
0x2c: {  	[tilespmem:s18], [sflag:$0x5] =	stream.indirect.gather [hbm4b:s5+s28], $0x90, s4, s28, $0xb8;
	[tilespmem:$0x1F320] =	vst v63  }
.LBB2_2:
0x2d: {  	_ =	swait.ge [sflag:s30], $0x80  }
0x2e: {  	[sflag:s30] =	ssyncset.done $0x0  }
0x2f: {  	[sflag:s30] =	ssyncadd.s32 $0xFFFFFF80  }
0x30: {  	_ =	swait.ge [sflag:s30], $0x80  }
0x31: {  	s12 =	sshllo.u32 s11, $0x1;
	p0 =	seq.s32 s11, $0x0;
	[sflag:s30] =	ssyncset.done $0x0  }
0x32: {  	s13 =	simm.s32 @!p0 $0x8;
	s14 =	sshll.u32 s12, $0x7;
	[sflag:s30] =	ssyncadd.s32 $0xFFFFFF80  }
0x33: {  	s14 =	sadd.s32 s8, s14;
	_ =	swait.ge @!p0 [sflag:s13], $0x4650  }
0x34: {  	s15 =	simm.s32 $0x0;
	s14 =	sshrl.u32 s14, $0x3;
	[sflag:s13] =	ssyncset.done @!p0 $0x0  }
0x35: {  	v1 =	vmov s15;
	s17 =	sadd.s32 s7, s14;
	[sflag:s13] =	ssyncadd.s32 @!p0 $0xFFFFB9B0  }
0x36: {  	v1 =	vand.u32 $0xFFFFFFFE, v1;
	[tilespmem:s31], [sflag:$0x4] =	stream.linear.gather [hbm4b:s17+s15], $0x80, $0x38;
	[tilespmem:$0x1F320] =	vst v63  }
0x37: {  	v1 =	vbroadcast v1, $0x0  }
0x38: {  	[tilespmem:s0], [sflag:$0x6] =	stream.indirect.gather [hbm4b:s5+s28], $0x90, s23, s28, $0xb8;
	[tilespmem:$0x1F320] =	vst v63  }
0x39: {  	_ =	swait.ge [sflag:s3], $0x4650  }
0x3a: {  	[sflag:s3] =	ssyncset.done $0x0  }
0x3b: {  	s13 =	simm.s32 $0x390;
	[sflag:s3] =	ssyncadd.s32 $0xFFFFB9B0  }
0x3c: {  	v2 =	vld [tilespmem:s13+$0xFFFFFFE0]  }
0x3d: {  	v4 =	vld.idx.msk [tilespmem:v1+s22+$0x0], $0xffff  }
0x3e: {  	v1 =	vld [tilespmem:s13+$0xFFFFFF80]  }
0x3f: {  	v3 =	vld [tilespmem:s13+$0xFFFFFF90]  }
0x40: {  	v5 =	vld [tilespmem:s13+$0xFFFFFFA0]  }
0x41: {  	v6 =	vld [tilespmem:s13+$0xFFFFFF70]  }
0x42: {  	v7 =	vld [tilespmem:s13+$0xFFFFFFF0]  }
0x43: {  	v8 =	vld [tilespmem:s13+$0xFFFFFFB0];
	v1 =	vmul.f32 v1, v4  }
0x44: {  	v9 =	vld [tilespmem:s13+$0xFFFFFFD0];
	v3 =	vmul.f32 v3, v4  }
0x45: {  	v10 =	vld [tilespmem:s13+$0xFFFFFFC0];
	v5 =	vmul.f32 v5, v4;
	[tilespmem:s13+$0xFFFFFF80] =	vst v1  }
0x46: {  	v2 =	vmul.f32 v2, v4;
	[tilespmem:s13+$0xFFFFFF90] =	vst v3  }
0x47: {  	v1 =	vmul.f32 v6, v4;
	[tilespmem:s13+$0xFFFFFFA0] =	vst v5  }
0x48: {  	v3 =	vmul.f32 v7, v4;
	[tilespmem:s13+$0xFFFFFFE0] =	vst v2  }
0x49: {  	s18 =	simm.s32 $0x1;
	v6 =	vmul.f32 v9, v4;
	[tilespmem:s13+$0xFFFFFF70] =	vst v1  }
0x4a: {  	v5 =	vmul.f32 v10, v4;
	v2 =	vld [tilespmem:s13+$0x50];
	[tilespmem:s13+$0xFFFFFFF0] =	vst v3;
	v3 =	vmul.f32 v8, v4;
	v4 =	vmov s18  }
0x4b: {  	s14 =	simm.s32 $0x2;
	s15 =	simm.s32 $0x390;
	v1 =	vld [tilespmem:s13+$0x70];
	[tilespmem:s13+$0xFFFFFFD0] =	vst v6  }
.LBB2_3:
0x4c: {  	p0 =	slt.u32 s14, $0x7A  }
0x4d: {  	[tilespmem:s13+$0xFFFFFFC0] =	vst v5;
	v5 =	vld [tilespmem:s13+$0x30];
	s15 =	sadd.s32 $0x120, s15;
	s17 =	smov.u32 s14;
	s14 =	sadd.s32 $0x2, s14  }
0x4e: {  	[tilespmem:s13+$0xFFFFFFB0] =	vst v3;
	v3 =	vld [tilespmem:s13+$0x0]  }
0x4f: {  	v4 =	vld.idx.msk [tilespmem:v4+s22+$0x0], $0xffff  }
0x50: {  	v6 =	vld [tilespmem:s13+$0x10]  }
0x51: {  	v7 =	vld [tilespmem:s13+$0x20]  }
0x52: {  	v8 =	vld [tilespmem:s13+$0x40]  }
0x53: {  	v9 =	vld [tilespmem:s13+$0x60]  }
0x54: {  	v10 =	vld [tilespmem:s13+$0x80]  }
0x55: {  	v3 =	vmul.f32 v3, v4;
	v6 =	vmul.f32 v6, v4  }
0x56: {  	v11 =	vmov s17;
	v5 =	vmul.f32 v5, v4;
	v7 =	vmul.f32 v7, v4  }
0x57: {  	v11 =	vand.u32 $0xFFFFFFFE, v11;
	v2 =	vmul.f32 v2, v4;
	[tilespmem:s13+$0x0] =	vst v3;
	v3 =	vmul.f32 v8, v4  }
0x58: {  	v8 =	vbroadcast v11, $0x0;
	[tilespmem:s13+$0x20] =	vst v7;
	v7 =	vmul.f32 v9, v4  }
0x59: {  	v1 =	vmul.f32 v1, v4;
	[tilespmem:s13+$0x30] =	vst v5;
	v4 =	vmul.f32 v10, v4  }
0x5a: {  	[tilespmem:s13+$0x40] =	vst v3  }
0x5b: {  	[tilespmem:s13+$0x50] =	vst v2  }
0x5c: {  	[tilespmem:s13+$0x10] =	vst v6  }
0x5d: {  	v2 =	vld [tilespmem:s15+$0xFFFFFFE0];
	[tilespmem:s13+$0x70] =	vst v1  }
0x5e: {  	v1 =	vld [tilespmem:s15+$0xFFFFFF90];
	[tilespmem:s13+$0x80] =	vst v4  }
0x5f: {  	v3 =	vld [tilespmem:s15+$0xFFFFFFA0];
	[tilespmem:s13+$0x60] =	vst v7;
	s13 =	smov.u32 s15  }
0x60: {  	v4 =	vld.idx.msk [tilespmem:v8+s22+$0x0], $0xffff  }
0x61: {  	v5 =	vld [tilespmem:s15+$0xFFFFFF80]  }
0x62: {  	v6 =	vld [tilespmem:s15+$0xFFFFFFB0]  }
0x63: {  	v7 =	vld [tilespmem:s15+$0xFFFFFF70]  }
0x64: {  	v8 =	vld [tilespmem:s15+$0xFFFFFFF0]  }
0x65: {  	v9 =	vld [tilespmem:s15+$0xFFFFFFD0]  }
0x66: {  	v10 =	vmul.f32 v3, v4;
	v5 =	vmul.f32 v5, v4;
	v11 =	vld [tilespmem:s15+$0xFFFFFFC0]  }
0x67: {  	v1 =	vmul.f32 v1, v4;
	v3 =	vmul.f32 v6, v4  }
0x68: {  	v2 =	vmul.f32 v2, v4;
	v6 =	vmul.f32 v7, v4;
	[tilespmem:s15+$0xFFFFFF80] =	vst v5  }
0x69: {  	[tilespmem:s15+$0xFFFFFF90] =	vst v1;
	v1 =	vmul.f32 v8, v4  }
.Ltmp0:
0x6a: {  	[tilespmem:s15+$0xFFFFFFA0] =	vst v10;
	v7 =	vmul.f32 v9, v4;
	(pc) =	sbr.rel @p0 .LBB2_3-.Ltmp0, $4  }
0x6b: {  	s17 =	sadd.s32 $0x1, s17;
	[tilespmem:s15+$0xFFFFFF70] =	vst v6;
	v5 =	vmul.f32 v11, v4  }
0x6c: {  	v4 =	vmov s17;
	[tilespmem:s15+$0xFFFFFFF0] =	vst v1  }
0x6d: {  	[tilespmem:s15+$0xFFFFFFE0] =	vst v2;
	v1 =	vld [tilespmem:s15+$0x70]  }
0x6e: {  	[tilespmem:s15+$0xFFFFFFD0] =	vst v7;
	v2 =	vld [tilespmem:s15+$0x50]  }
0x6f: {  	_ =	sdelay $0x1  }
0x70: {  	[tilespmem:s13+$0xFFFFFFC0] =	vst v5  }
0x71: {  	[tilespmem:s13+$0xFFFFFFB0] =	vst v3;
	v3 =	vld [tilespmem:s13+$0x0]  }
0x72: {  	v4 =	vld.idx.msk [tilespmem:v4+s22+$0x0], $0xffff  }
0x73: {  	v5 =	vld [tilespmem:s13+$0x20]  }
0x74: {  	v6 =	vld [tilespmem:s13+$0x30]  }
0x75: {  	v7 =	vld [tilespmem:s13+$0x40];
	_ =	sdelay $0x1  }
0x76: {  	v3 =	vmul.f32 v3, v4  }
0x77: {  	v8 =	vld [tilespmem:s13+$0x10];
	v5 =	vmul.f32 v5, v4  }
0x78: {  	v9 =	vld [tilespmem:s13+$0x80];
	v6 =	vmul.f32 v6, v4;
	[tilespmem:s13+$0x0] =	vst v3  }
0x79: {  	v7 =	vmul.f32 v7, v4;
	v3 =	vld [tilespmem:s13+$0x60];
	[tilespmem:s13+$0x20] =	vst v5  }
0x7a: {  	v2 =	vmul.f32 v2, v4;
	[tilespmem:s13+$0x30] =	vst v6  }
0x7b: {  	v1 =	vmul.f32 v1, v4;
	[tilespmem:s13+$0x40] =	vst v7  }
0x7c: {  	v5 =	vmul.f32 v8, v4;
	[tilespmem:s13+$0x50] =	vst v2  }
0x7d: {  	v2 =	vmul.f32 v9, v4;
	[tilespmem:s13+$0x70] =	vst v1  }
0x7e: {  	[tilespmem:s13+$0x10] =	vst v5;
	v3 =	vmul.f32 v3, v4  }
0x7f: {  	[tilespmem:s13+$0x80] =	vst v2  }
0x80: {  	[tilespmem:s13+$0x60] =	vst v3  }
0x81: {  	v1 =	vld.idx.msk [tilespmem:v0+s22+$0x0], $0xffff  }
0x82: {  	v2 =	vld [tilespmem:$0x48C0]  }
0x83: {  	v3 =	vld [tilespmem:$0x48D0]  }
0x84: {  	v4 =	vld [tilespmem:$0x48E0]  }
0x85: {  	v5 =	vld [tilespmem:$0x48F0]  }
0x86: {  	v6 =	vld [tilespmem:$0x4900]  }
0x87: {  	v7 =	vld [tilespmem:$0x4910];
	v2 =	vmul.f32 v2, v1  }
0x88: {  	v61 =	vld [tilespmem:$0x4920];
	v3 =	vmul.f32 v3, v1  }
0x89: {  	[tilespmem:$0x48C0] =	vst v2;
	v2 =	vmul.f32 v4, v1;
	v4 =	vld [tilespmem:$0x4930]  }
0x8a: {  	[tilespmem:$0x48D0] =	vst v3;
	v3 =	vmul.f32 v5, v1;
	v5 =	vld [tilespmem:$0x4940]  }
0x8b: {  	[tilespmem:$0x48E0] =	vst v2;
	v2 =	vmul.f32 v6, v1  }
0x8c: {  	[tilespmem:$0x48F0] =	vst v3;
	v3 =	vmul.f32 v7, v1  }
0x8d: {  	p0 =	sne.s32 s11, $0x27;
	[tilespmem:$0x4900] =	vst v2;
	v2 =	vmul.f32 v61, v1  }
0x8e: {  	s13 =	sshll.u32 @p0 s11, $0x8;
	[tilespmem:$0x4910] =	vst v3;
	v3 =	vmul.f32 v4, v1  }
0x8f: {  	s13 =	sadd.s32 @p0 s19, s13;
	v1 =	vmul.f32 v5, v1;
	[tilespmem:$0x4920] =	vst v2  }
0x90: {  	s13 =	sshrl.u32 @p0 s13, $0x3;
	[tilespmem:$0x4930] =	vst v3  }
0x91: {  	s15 =	simm.s32 @p0 $0x0;
	s14 =	sadd.s32 @p0 s6, s13;
	[tilespmem:$0x4940] =	vst v1  }
0x92: {  	[tilespmem:s15], [sflag:$0x1] =	stream.linear.gather @p0 [hbm4b:s14+s15], $0x80, $0x38;
	[tilespmem:$0x1F320] =	vst v63  }
0x93: {  	s17 =	simm.s32 @p0 $0x200;
	s14 =	sadd.s32 @p0 s9, s13  }
0x94: {  	[tilespmem:s17], [sflag:$0x1] =	stream.linear.gather @p0 [hbm4b:s14+s15], $0x80, $0x38;
	[tilespmem:$0x1F320] =	vst v63  }
0x95: {  	s14 =	simm.s32 @p0 $0x3  }
0x96: {  	_ =	swait.ge @p0 [sflag:s14], $0x80  }
0x97: {  	s18 =	simm.s32 @p0 $0x300;
	s10 =	simm.s32 @p0 $0x1;
	[sflag:s14] =	ssyncset.done @p0 $0x0  }
0x98: {  	s17 =	simm.s32 @p0 $0x100;
	[sflag:s14] =	ssyncadd.s32 @p0 $0xFFFFFF80;
	s14 =	simm.s32 @p0 $0x7D  }
0x99: {  	[spmem:s2] =	stream.indirect.scatter.add.f32 @p0 [tilespmem:s18], [sflag:$0x7], $0x90, s17, s14, $0xb8;
	[tilespmem:$0x1F320] =	vst v63  }
0x9a: {  	_ =	swait.ge @p0 [sflag:s10], $0x80  }
0x9b: {  	[sflag:s10] =	ssyncset.done @p0 $0x0  }
0x9c: {  	[sflag:s10] =	ssyncadd.s32 @p0 $0xFFFFFF80  }
0x9d: {  	_ =	swait.ge @p0 [sflag:s10], $0x80  }
0x9e: {  	[sflag:s10] =	ssyncset.done @p0 $0x0  }
0x9f: {  	[sflag:s10] =	ssyncadd.s32 @p0 $0xFFFFFF80;
	s10 =	simm.s32 @p0 $0x7  }
0xa0: {  	_ =	swait.ge @p0 [sflag:s10], $0x4650  }
0xa1: {  	[sflag:s10] =	ssyncset.done @p0 $0x0  }
0xa2: {  	[sflag:s10] =	ssyncadd.s32 @p0 $0xFFFFB9B0;
	s10 =	sadd.s32 @p0 s7, s13  }
0xa3: {  	[tilespmem:s17], [sflag:$0x3] =	stream.linear.gather @p0 [hbm4b:s10+s15], $0x80, $0x38;
	[tilespmem:$0x1F320] =	vst v63  }
0xa4: {  	s10 =	simm.s32 @!p0 $0x3  }
0xa5: {  	[tilespmem:s18], [sflag:$0x5] =	stream.indirect.gather @p0 [hbm4b:s5+s14], $0x90, s15, s14, $0xb8;
	[tilespmem:$0x1F320] =	vst v63  }
0xa6: {  	_ =	swait.ge @!p0 [sflag:s10], $0x80  }
0xa7: {  	s13 =	simm.s32 @!p0 $0x100;
	s17 =	simm.s32 $0x0;
	[sflag:s10] =	ssyncset.done @!p0 $0x0  }
0xa8: {  	s14 =	simm.s32 @!p0 $0x300;
	[sflag:s10] =	ssyncadd.s32 @!p0 $0xFFFFFF80;
	s10 =	simm.s32 @!p0 $0x7D  }
0xa9: {  	[spmem:s2] =	stream.indirect.scatter.add.f32 @!p0 [tilespmem:s14], [sflag:$0x7], $0x90, s13, s10, $0xb8;
	[tilespmem:$0x1F320] =	vst v63  }
0xaa: {  	v1 =	vmov s17;
	s13 =	simm.s32 @!p0 $0x7  }
0xab: {  	v1 =	vand.u32 $0xFFFFFFFE, v1;
	_ =	swait.ge @!p0 [sflag:s13], $0x4650  }
0xac: {  	v1 =	vbroadcast v1, $0x0;
	[sflag:s13] =	ssyncset.done @!p0 $0x0  }
0xad: {  	[sflag:s13] =	ssyncadd.s32 @!p0 $0xFFFFB9B0  }
0xae: {  	_ =	swait.ge [sflag:s1], $0x4650  }
0xaf: {  	[sflag:s1] =	ssyncset.done $0x0  }
0xb0: {  	s13 =	simm.s32 $0x49E0;
	[sflag:s1] =	ssyncadd.s32 $0xFFFFB9B0  }
0xb1: {  	v2 =	vld [tilespmem:s13+$0xFFFFFFE0]  }
0xb2: {  	v4 =	vld.idx.msk [tilespmem:v1+s24+$0x0], $0xffff  }
0xb3: {  	v1 =	vld [tilespmem:s13+$0xFFFFFF80]  }
0xb4: {  	v3 =	vld [tilespmem:s13+$0xFFFFFF90]  }
0xb5: {  	v5 =	vld [tilespmem:s13+$0xFFFFFFA0]  }
0xb6: {  	v6 =	vld [tilespmem:s13+$0xFFFFFF70]  }
0xb7: {  	v7 =	vld [tilespmem:s13+$0xFFFFFFF0]  }
0xb8: {  	v62 =	vld [tilespmem:s13+$0xFFFFFFB0];
	v1 =	vmul.f32 v1, v4  }
0xb9: {  	v63 =	vld [tilespmem:s13+$0xFFFFFFD0];
	v3 =	vmul.f32 v3, v4  }
0xba: {  	v10 =	vld [tilespmem:s13+$0xFFFFFFC0];
	v5 =	vmul.f32 v5, v4;
	[tilespmem:s13+$0xFFFFFF80] =	vst v1  }
0xbb: {  	v2 =	vmul.f32 v2, v4;
	[tilespmem:s13+$0xFFFFFF90] =	vst v3  }
0xbc: {  	v1 =	vmul.f32 v6, v4;
	[tilespmem:s13+$0xFFFFFFA0] =	vst v5  }
0xbd: {  	v3 =	vmul.f32 v7, v4;
	[tilespmem:s13+$0xFFFFFFE0] =	vst v2  }
0xbe: {  	s18 =	simm.s32 $0x1;
	v6 =	vmul.f32 v63, v4;
	[tilespmem:s13+$0xFFFFFF70] =	vst v1  }
0xbf: {  	v5 =	vmul.f32 v10, v4;
	v2 =	vld [tilespmem:s13+$0x50];
	[tilespmem:s13+$0xFFFFFFF0] =	vst v3;
	v3 =	vmul.f32 v62, v4;
	v4 =	vmov s18  }
0xc0: {  	s15 =	simm.s32 $0x49E0;
	s14 =	simm.s32 $0x2;
	v1 =	vld [tilespmem:s13+$0x70];
	[tilespmem:s13+$0xFFFFFFD0] =	vst v6  }
.LBB2_5:
0xc1: {  	p1 =	slt.u32 s14, $0x7A  }
0xc2: {  	[tilespmem:s13+$0xFFFFFFC0] =	vst v5;
	v5 =	vld [tilespmem:s13+$0x30];
	s15 =	sadd.s32 $0x120, s15;
	s17 =	smov.u32 s14;
	s14 =	sadd.s32 $0x2, s14  }
0xc3: {  	[tilespmem:s13+$0xFFFFFFB0] =	vst v3;
	v3 =	vld [tilespmem:s13+$0x0]  }
0xc4: {  	v4 =	vld.idx.msk [tilespmem:v4+s24+$0x0], $0xffff  }
0xc5: {  	v6 =	vld [tilespmem:s13+$0x10]  }
0xc6: {  	v7 =	vld [tilespmem:s13+$0x20]  }
0xc7: {  	v8 =	vld [tilespmem:s13+$0x40]  }
0xc8: {  	v9 =	vld [tilespmem:s13+$0x60]  }
0xc9: {  	v10 =	vld [tilespmem:s13+$0x80]  }
0xca: {  	v3 =	vmul.f32 v3, v4;
	v6 =	vmul.f32 v6, v4  }
0xcb: {  	v11 =	vmov s17;
	v5 =	vmul.f32 v5, v4;
	v7 =	vmul.f32 v7, v4  }
0xcc: {  	v11 =	vand.u32 $0xFFFFFFFE, v11;
	v2 =	vmul.f32 v2, v4;
	[tilespmem:s13+$0x0] =	vst v3;
	v3 =	vmul.f32 v8, v4  }
0xcd: {  	v8 =	vbroadcast v11, $0x0;
	[tilespmem:s13+$0x20] =	vst v7;
	v7 =	vmul.f32 v9, v4  }
0xce: {  	v1 =	vmul.f32 v1, v4;
	[tilespmem:s13+$0x30] =	vst v5;
	v4 =	vmul.f32 v10, v4  }
0xcf: {  	[tilespmem:s13+$0x40] =	vst v3  }
0xd0: {  	[tilespmem:s13+$0x50] =	vst v2  }
0xd1: {  	[tilespmem:s13+$0x10] =	vst v6  }
0xd2: {  	v2 =	vld [tilespmem:s15+$0xFFFFFFE0];
	[tilespmem:s13+$0x70] =	vst v1  }
0xd3: {  	v1 =	vld [tilespmem:s15+$0xFFFFFF90];
	[tilespmem:s13+$0x80] =	vst v4  }
0xd4: {  	v3 =	vld [tilespmem:s15+$0xFFFFFFA0];
	[tilespmem:s13+$0x60] =	vst v7;
	s13 =	smov.u32 s15  }
0xd5: {  	v4 =	vld.idx.msk [tilespmem:v8+s24+$0x0], $0xffff  }
0xd6: {  	v5 =	vld [tilespmem:s15+$0xFFFFFF80]  }
0xd7: {  	v6 =	vld [tilespmem:s15+$0xFFFFFFB0]  }
0xd8: {  	v7 =	vld [tilespmem:s15+$0xFFFFFF70]  }
0xd9: {  	v8 =	vld [tilespmem:s15+$0xFFFFFFF0]  }
0xda: {  	v9 =	vld [tilespmem:s15+$0xFFFFFFD0]  }
0xdb: {  	v10 =	vmul.f32 v3, v4;
	v5 =	vmul.f32 v5, v4;
	v11 =	vld [tilespmem:s15+$0xFFFFFFC0]  }
0xdc: {  	v1 =	vmul.f32 v1, v4;
	v3 =	vmul.f32 v6, v4  }
0xdd: {  	v2 =	vmul.f32 v2, v4;
	v6 =	vmul.f32 v7, v4;
	[tilespmem:s15+$0xFFFFFF80] =	vst v5  }
0xde: {  	[tilespmem:s15+$0xFFFFFF90] =	vst v1;
	v1 =	vmul.f32 v8, v4  }
.Ltmp1:
0xdf: {  	[tilespmem:s15+$0xFFFFFFA0] =	vst v10;
	v7 =	vmul.f32 v9, v4;
	(pc) =	sbr.rel @p1 .LBB2_5-.Ltmp1, $4  }
0xe0: {  	s10 =	sadd.s32 $0x1, s17;
	[tilespmem:s15+$0xFFFFFF70] =	vst v6;
	v5 =	vmul.f32 v11, v4  }
0xe1: {  	v4 =	vmov s10;
	[tilespmem:s15+$0xFFFFFFF0] =	vst v1  }
0xe2: {  	[tilespmem:s15+$0xFFFFFFE0] =	vst v2;
	v1 =	vld [tilespmem:s15+$0x70]  }
0xe3: {  	[tilespmem:s15+$0xFFFFFFD0] =	vst v7;
	v2 =	vld [tilespmem:s15+$0x50]  }
0xe4: {  	_ =	sdelay $0x1  }
0xe5: {  	[tilespmem:s13+$0xFFFFFFC0] =	vst v5  }
0xe6: {  	[tilespmem:s13+$0xFFFFFFB0] =	vst v3;
	v3 =	vld [tilespmem:s13+$0x0]  }
0xe7: {  	v4 =	vld.idx.msk [tilespmem:v4+s24+$0x0], $0xffff  }
0xe8: {  	v58 =	vld [tilespmem:s13+$0x20]  }
0xe9: {  	v6 =	vld [tilespmem:s13+$0x30]  }
0xea: {  	v7 =	vld [tilespmem:s13+$0x40];
	_ =	sdelay $0x1  }
0xeb: {  	v8 =	vld [tilespmem:s13+$0x10];
	v3 =	vmul.f32 v3, v4  }
0xec: {  	v5 =	vmul.f32 v58, v4  }
0xed: {  	v9 =	vld [tilespmem:s13+$0x80];
	v6 =	vmul.f32 v6, v4;
	[tilespmem:s13+$0x0] =	vst v3  }
0xee: {  	v7 =	vmul.f32 v7, v4;
	v3 =	vld [tilespmem:s13+$0x60];
	[tilespmem:s13+$0x20] =	vst v5  }
0xef: {  	v2 =	vmul.f32 v2, v4;
	[tilespmem:s13+$0x30] =	vst v6  }
0xf0: {  	v59 =	vmul.f32 v8, v4;
	[tilespmem:s13+$0x40] =	vst v7  }
0xf1: {  	v1 =	vmul.f32 v1, v4;
	[tilespmem:s13+$0x50] =	vst v2  }
0xf2: {  	v2 =	vmul.f32 v9, v4;
	[tilespmem:s13+$0x10] =	vst v59  }
0xf3: {  	[tilespmem:s13+$0x70] =	vst v1;
	v3 =	vmul.f32 v3, v4  }
0xf4: {  	[tilespmem:s13+$0x80] =	vst v2  }
0xf5: {  	[tilespmem:s13+$0x60] =	vst v3  }
0xf6: {  	v1 =	vld.idx.msk [tilespmem:v0+s24+$0x0], $0xffff  }
0xf7: {  	v2 =	vld [tilespmem:$0x8F10]  }
0xf8: {  	v3 =	vld [tilespmem:$0x8F20]  }
0xf9: {  	v60 =	vld [tilespmem:$0x8F30]  }
0xfa: {  	v5 =	vld [tilespmem:$0x8F40]  }
0xfb: {  	v6 =	vld [tilespmem:$0x8F50]  }
0xfc: {  	v7 =	vld [tilespmem:$0x8F60];
	v2 =	vmul.f32 v2, v1  }
0xfd: {  	v61 =	vld [tilespmem:$0x8F70];
	v3 =	vmul.f32 v3, v1  }
0xfe: {  	v62 =	vld [tilespmem:$0x8F80];
	[tilespmem:$0x8F10] =	vst v2;
	v2 =	vmul.f32 v60, v1  }
0xff: {  	v63 =	vld [tilespmem:$0x8F90];
	[tilespmem:$0x8F20] =	vst v3;
	v3 =	vmul.f32 v5, v1  }
0x100: {  	[tilespmem:$0x8F30] =	vst v2;
	v2 =	vmul.f32 v6, v1  }
0x101: {  	[tilespmem:$0x8F40] =	vst v3;
	v3 =	vmul.f32 v7, v1  }
0x102: {  	p1 =	seq.s32 s11, $0x27;
	[tilespmem:$0x8F50] =	vst v2;
	v2 =	vmul.f32 v61, v1  }
0x103: {  	s10 =	sshll.u32 @!p1 s11, $0x8;
	[tilespmem:$0x8F60] =	vst v3;
	v3 =	vmul.f32 v62, v1  }
0x104: {  	s10 =	sadd.s32 @!p1 s10, s16;
	v1 =	vmul.f32 v63, v1;
	[tilespmem:$0x8F70] =	vst v2  }
0x105: {  	s10 =	sshrl.u32 @!p1 s10, $0x3;
	[tilespmem:$0x8F80] =	vst v3  }
0x106: {  	s14 =	simm.s32 @!p1 $0x0;
	s15 =	simm.s32 @!p1 $0x80;
	s13 =	sadd.s32 @!p1 s6, s10;
	[tilespmem:$0x8F90] =	vst v1  }
0x107: {  	[tilespmem:s15], [sflag:$0x2] =	stream.linear.gather @!p1 [hbm4b:s13+s14], $0x80, $0x38;
	[tilespmem:$0x1F320] =	vst v63  }
0x108: {  	s10 =	sadd.s32 @!p1 s9, s10;
	s13 =	simm.s32 @!p1 $0x280  }
0x109: {  	[tilespmem:s13], [sflag:$0x2] =	stream.linear.gather @!p1 [hbm4b:s10+s14], $0x80, $0x38;
	[tilespmem:$0x1F320] =	vst v63  }
.Ltmp2:
0x10a: {  	_ = 	snop;
	(pc) =	sbr.rel @p0 .LBB2_2-.Ltmp2, $4  }
0x10b: {  	p1 =	sgt.u32 s12, $0x4E;
	_ =	swait.ge [sflag:s25], $0x80  }
0x10c: {  	s11 =	sadd.s32 $0x1, s11;
	s10 =	simm.s32 @!p1 $0x7D;
	[sflag:s25] =	ssyncset.done $0x0  }
0x10d: {  	s12 =	simm.s32 @!p1 $0x180;
	s13 =	simm.s32 @!p1 $0x4950;
	[sflag:s25] =	ssyncadd.s32 $0xFFFFFF80  }
0x10e: {  	[spmem:s2] =	stream.indirect.scatter.add.f32 @!p1 [tilespmem:s13], [sflag:$0x8], $0x90, s12, s10, $0xb8;
	[tilespmem:$0x1F320] =	vst v63  }
0x10f: {  	[spmem:s2] =	stream.indirect.scatter.add.f32 [tilespmem:s0], [sflag:$0x9], $0x90, s31, s28, $0xb8;
	[tilespmem:$0x1F320] =	vst v63  }
0x110: {  	_ =	swait.ge [sflag:s21], $0x4650  }
0x111: {  	[sflag:s21] =	ssyncset.done $0x0  }
0x112: {  	[sflag:s21] =	ssyncadd.s32 $0xFFFFB9B0  }
0x113: {  	[bflag:$0x0] =	sbarrier.arrive $0xFFFF  }
0x114: {  	s10 =	rddreg [dreg:$0x9]  }
0x115: {  	s11 =	rddreg [dreg:$0xb]  }
0x116: {  	[hbm:s10], [sflag:s20] =	dma.local [spmem:s11], $0x2C70  }
0x117: {  	_ =	swait.ge [sflag:s21], $0x2C70  }
0x118: {  	s13 =	smov.u32 s20;
	s29 =	sadd.s32 $0x1, s29;
	s20 =	rddreg [dreg:$0xa]  }
0x119: {  	p0 =	sne.s32 s29, s20  }
.Ltmp3:
0x11a: {  	_ = 	snop;
	(pc) =	sbr.rel @p0 .LBB2_1-.Ltmp3, $3  }
0x11b: {  	_ =	sdelay $0x1  }
0x11c: {  	[sflag:s21] =	ssyncset.done $0x0  }
0x11d: {  	[sflag:s21] =	ssyncadd.s32 $0xFFFFD390  }
0x11e: {  	_ =	sfence.sel $0x180000  }
0x11f: {  	[bflag:$0x0] =	sbarrier.arrive $0xFFFF  }
0x120: {  	_ =	strace $0x90000047  }
0x121: {  	s0 =	stileid.u32;
	[bflag:$0x2] =	sbarrier.arrive $0xFFFF  }
0x122: {  	p0 =	sne.s32 s0, $0x0;
	s0 =	rddreg [dreg:$0x3]  }
0x123: {  	s0 =	sadd.s32 @!p0 $0x100000, s0  }
0x124: {  	[sflag:s0] =	ssyncadd.tile.s32 @!p0 $0x1;
	_ =	shalt  }
.Lfunc_end2:
_tile_overlayer_lowered:
.L_overlay_start_2:
0x125: {  	(tag) =	ssettag $0x2  }
0x126: {  	s0 =	rddreg [dreg:$0x0];
	s2 =	stileid.u32  }
0x127: {  	s1 =	rddreg [dreg:$0x1];
	p0 =	sne.s32 s2, $0x0  }
0x128: {  	s3 =	rddreg [dreg:$0x2];
	[bflag:$0x3] =	sbarrier.arrive $0xFFFF;
	s2 =	simm.s32 @!p0 $0x1C09  }
0x129: {  	[timem:s3], [sflag:s2] =	dma.local @!p0 [hbm:s0], s1  }
0x12a: {  	s0 =	simm.s32 @!p0 $0x9  }
0x12b: {  	_ =	swait.ge @!p0 [sflag:s0], s1  }
0x12c: {  	s1 =	ssub.s32 @!p0 $0x0, s1;
	[sflag:s0] =	ssyncset.done @!p0 $0x0  }
0x12d: {  	[sflag:s0] =	ssyncadd.s32 @!p0 s1  }
0x12e: {  	[bflag:$0x3] =	sbarrier.arrive $0xFFFF  }
0x12f: {  	_ =	shalt  }

</sc_bundles>
